<compile_context>
chip_gen: v7x
topology: tpu7x:2x2x1
jax: 0.10.2.dev20260603
libtpu: 0.0.44.dev20260713+nightly
codegen_flags: <defaults>
</compile_context>

<pallas_src>
import functools

import numpy as np
import jax
import jax.numpy as jnp
from jax import lax
from jax.experimental import pallas as pl
from jax.experimental.pallas import tpu as pltpu
from jax.experimental.pallas import tpu_sc as plsc

_N = 131072
_OBS = 32
_ACT = 16
_C = _OBS + _ACT
_M = 7
_E = 5
_H = 64
_OUT = _OBS + 1
_R = (_N - 1) // _E + 1
_RB = 2048
_RPAD = 26624
_BIN = _E * _RPAD
_W = 128

_NW = 32


def _build_consts():
    cpu = jax.local_devices(backend="cpu")[0]
    with jax.set_mesh(None), jax.default_device(cpu):
        key = jax.random.key(42)
        idxs = np.asarray(jax.random.permutation(key, _E * _R)).astype(np.int64)
        noise = np.asarray(
            jax.random.normal(key, (_M, _R, _OUT), dtype=jnp.float32))
    inv = np.empty(_E * _R, dtype=np.int64)
    inv[idxs] = np.arange(_E * _R, dtype=np.int64)
    k = np.arange(_E * _R, dtype=np.int64)
    pos = (k // _R) * _RPAD + (k % _R)
    gidx = np.zeros(_BIN, dtype=np.int32)
    gidx[pos] = np.where(idxs < _N, idxs, 0).astype(np.int32)
    kj = inv[:_N]
    sidx = ((kj // _R) * _RPAD + (kj % _R)).astype(np.int32)
    noise_pad = np.zeros((_M, _RPAD, _OUT), dtype=np.float32)
    noise_pad[:, :_R] = noise
    return gidx, sidx, noise_pad


_GIDX, _SIDX, _NOISE = _build_consts()


def _pack_body(obsT_ref, actT_ref, out_ref):
    zo = jnp.transpose(obsT_ref[...])
    za = jnp.transpose(actT_ref[...])
    pad = jnp.zeros((zo.shape[0], _W - _C), jnp.float32)
    out_ref[...] = jnp.concatenate([zo, za, pad], axis=1)


def _tc_pack(observations, actions):
    cb = 4096
    grid = (_N // cb,)
    return pl.pallas_call(
        _pack_body,
        grid=grid,
        in_specs=[
            pl.BlockSpec((_OBS, cb), lambda i: (0, i)),
            pl.BlockSpec((_ACT, cb), lambda i: (0, i)),
        ],
        out_specs=pl.BlockSpec((cb, _W), lambda i: (i, 0)),
        out_shape=jax.ShapeDtypeStruct((_N, _W), jnp.float32),
    )(observations.T, actions.T)


def _sc_gather(table, idx_groups, grp, with_rew=False):
    g_per_w = idx_groups.shape[1]
    assert g_per_w % 4 == 0
    mesh = plsc.VectorSubcoreMesh(core_axis_name="c", subcore_axis_name="s")

    out_types = [
        jax.ShapeDtypeStruct((_NW * g_per_w * grp, _W), jnp.float32)]
    if with_rew:
        out_types.append(
            jax.ShapeDtypeStruct((_NW * g_per_w * grp, 1), jnp.float32))

    @functools.partial(
        pl.kernel, mesh=mesh,
        out_type=out_types,
        scratch_types=[
            pltpu.VMEM((g_per_w, grp), jnp.int32),
            pltpu.VMEM((4, grp, _W), jnp.float32),
            pltpu.VMEM((4, grp), jnp.float32),
            pltpu.SemaphoreType.DMA,
            pltpu.SemaphoreType.DMA,
            pltpu.SemaphoreType.DMA,
            pltpu.SemaphoreType.DMA,
            pltpu.SemaphoreType.DMA,
            pltpu.SemaphoreType.DMA,
            pltpu.SemaphoreType.DMA,
            pltpu.SemaphoreType.DMA,
            pltpu.SemaphoreType.DMA,
            pltpu.SemaphoreType.DMA,
            pltpu.SemaphoreType.DMA,
            pltpu.SemaphoreType.DMA,
        ],
        compiler_params=pltpu.CompilerParams(use_tc_tiling_on_sc=False),
    )
    def k(tab_hbm, idx_hbm, *rest):
        if with_rew:
            out_hbm, rew_hbm, idx_v, buf_v, rbuf_v = rest[:5]
            sems = rest[5:]
        else:
            out_hbm, idx_v, buf_v, rbuf_v = rest[:4]
            rew_hbm = None
            sems = rest[4:]
        gsem = sems[:4]
        ssem = sems[4:8]
        rsem = sems[8:]
        wid = lax.axis_index("s") * 2 + lax.axis_index("c")
        base = wid * g_per_w * grp
        pltpu.sync_copy(idx_hbm.at[wid], idx_v)

        def gstart(g, slot):
            pltpu.async_copy(tab_hbm.at[idx_v.at[g]], buf_v.at[slot],
                             gsem[slot])

        def gwait(slot):
            pltpu.make_async_copy(tab_hbm.at[pl.ds(0, grp)], buf_v.at[slot],
                                  gsem[slot]).wait()

        def sstart(g, slot):
            pltpu.async_copy(buf_v.at[slot],
                             out_hbm.at[pl.ds(base + g * grp, grp)],
                             ssem[slot])
            if with_rew:
                pltpu.async_copy(buf_v.at[slot, :, pl.ds(_OBS, 1)],
                                 rew_hbm.at[pl.ds(base + g * grp, grp)],
                                 rsem[slot])

        def swait(slot):
            pltpu.make_async_copy(buf_v.at[slot],
                                  out_hbm.at[pl.ds(0, grp)],
                                  ssem[slot]).wait()
            if with_rew:
                pltpu.make_async_copy(buf_v.at[slot, :, pl.ds(_OBS, 1)],
                                      rew_hbm.at[pl.ds(0, grp)],
                                      rsem[slot]).wait()

        for g0 in range(3):
            gstart(g0, g0)

        def outer(i, carry):
            for b in range(4):
                g = i * 4 + b
                gwait(b)
                sstart(g, b)

                @pl.when(g + 3 < g_per_w)
                def _():
                    nslot = (b + 3) % 4

                    @pl.when(g >= 1)
                    def _():
                        swait(nslot)

                    gstart(g + 3, nslot)
            return carry

        lax.fori_loop(0, g_per_w // 4, outer, 0)
        for s in range(4):
            swait((g_per_w - 4 + s) % 4)

    out = k(table, idx_groups)
    return out if with_rew else out[0]


def _mlp_body(el_ref, z_ref, w1o_ref, w1a_ref, b1_ref, w2_ref,
              b2_ref, w3m_ref, b3m_ref, w3v_ref, b3v_ref, mx_ref, mn_ref,
              muo_ref, rso_ref, mua_ref, rsa_ref, nz_ref, out_ref):
    z = z_ref[0]
    obs = z[:, :_OBS]
    act = z[:, _OBS:_C]
    zo = (obs - muo_ref[...]) * rso_ref[...]
    za = (act - mua_ref[...]) * rsa_ref[...]
    f32 = jnp.float32

    def swish(x):
        return 0.5 * x * (1.0 + jnp.tanh(0.5 * x))

    h = (jnp.dot(zo, w1o_ref[0], preferred_element_type=f32)
         + jnp.dot(za, w1a_ref[0], preferred_element_type=f32) + b1_ref[0])
    h = swish(h)
    h = jnp.dot(h, w2_ref[0], preferred_element_type=f32) + b2_ref[0]
    h = swish(h)
    mean = jnp.dot(h, w3m_ref[0], preferred_element_type=f32) + b3m_ref[0]
    lv = jnp.dot(h, w3v_ref[0], preferred_element_type=f32) + b3v_ref[0]

    mx = mx_ref[...]
    mn = mn_ref[...]
    c = jnp.exp(mx - mn)
    emn2 = jnp.exp(0.5 * mn)
    t = 1.0 + jnp.exp(mx - lv)
    std = emn2 * (jnp.sqrt(t + c) * jax.lax.rsqrt(t))
    smp = mean + nz_ref[0] * std
    out_ref[0, :, 0:_OBS] = smp[:, :_OBS] + obs
    out_ref[0, :, _OBS:_OBS + 1] = smp[:, _OBS:_OBS + 1]
    out_ref[0, :, _OBS + 1:_W] = jnp.zeros((z.shape[0], _W - _OUT), f32)


def _tc_mlp(elites, zg, W1, b1, W2, b2, W3, b3, mx, mn, mu, sigma, noise,
            e0, ne, prev=None):
    w1o = W1[:, :_OBS, :]
    w1a = W1[:, _OBS:, :]
    w3m = W3[:, :, :_OUT]
    w3v = W3[:, :, _OUT:]
    b3m = b3[:, :, :_OUT]
    b3v = b3[:, :, _OUT:]
    rsig = 1.0 / sigma
    muo = mu[:_OBS].reshape(1, _OBS)
    rso = rsig[:_OBS].reshape(1, _OBS)
    mua = mu[_OBS:].reshape(1, _ACT)
    rsa = rsig[_OBS:].reshape(1, _ACT)
    mx2 = mx.reshape(1, _OUT)
    mn2 = mn.reshape(1, _OUT)
    zg3 = zg.reshape(ne, _RPAD, _W)
    nrb = _RPAD // _RB

    def em(e, r, el):
        return (el[e + e0], 0, 0)

    def er(e, r, el):
        return (el[e + e0], r, 0)

    def ein(e, r, el):
        return (e, r, 0)

    def eout(e, r, el):
        return (e + e0, r, 0)

    def e0map(e, r, el):
        return (0, 0)

    in_specs = [
        pl.BlockSpec((1, _RB, _W), ein),
        pl.BlockSpec((1, _OBS, _H), em),
        pl.BlockSpec((1, _ACT, _H), em),
        pl.BlockSpec((1, 1, _H), em),
        pl.BlockSpec((1, _H, _H), em),
        pl.BlockSpec((1, 1, _H), em),
        pl.BlockSpec((1, _H, _OUT), em),
        pl.BlockSpec((1, 1, _OUT), em),
        pl.BlockSpec((1, _H, _OUT), em),
        pl.BlockSpec((1, 1, _OUT), em),
        pl.BlockSpec((1, _OUT), e0map),
        pl.BlockSpec((1, _OUT), e0map),
        pl.BlockSpec((1, _OBS), e0map),
        pl.BlockSpec((1, _OBS), e0map),
        pl.BlockSpec((1, _ACT), e0map),
        pl.BlockSpec((1, _ACT), e0map),
        pl.BlockSpec((1, _RB, _OUT), er),
    ]
    args = [zg3, w1o, w1a, b1, W2, b2, w3m, b3m, w3v, b3v,
            mx2, mn2, muo, rso, mua, rsa, noise]
    kwargs = {}
    body = _mlp_body
    if prev is not None:
        in_specs.append(pl.BlockSpec(memory_space=pl.ANY))
        args.append(prev)
        kwargs["input_output_aliases"] = {len(args): 0}

        def body(*refs):
            _mlp_body(*refs[:-2], refs[-1])

    grid_spec = pltpu.PrefetchScalarGridSpec(
        num_scalar_prefetch=1,
        grid=(ne, nrb),
        in_specs=in_specs,
        out_specs=pl.BlockSpec((1, _RB, _W), eout),
    )
    return pl.pallas_call(
        body,
        grid_spec=grid_spec,
        out_shape=jax.ShapeDtypeStruct((_E, _RPAD, _W), jnp.float32),
        **kwargs,
    )(elites, *args)


def kernel(observations, actions, W1, b1, W2, b2, W3, b3, max_logvar,
           min_logvar, scaler_mu, scaler_sigma, elites):
    gidx_a = jnp.asarray(_GIDX[:2 * _RPAD]).reshape(_NW, -1, 104)
    gidx_b = jnp.asarray(_GIDX[2 * _RPAD:]).reshape(_NW, -1, 104)
    sidx = jnp.asarray(_SIDX).reshape(_NW, -1, 128)
    noise = jnp.asarray(_NOISE)
    el = elites.astype(jnp.int32)

    z128 = _tc_pack(observations, actions)
    zg_a = _sc_gather(z128, gidx_a, 104)
    zg_b = _sc_gather(z128, gidx_b, 104)
    margs = (W1, b1, W2, b2, W3, b3, max_logvar, min_logvar,
             scaler_mu, scaler_sigma, noise)
    res_a = _tc_mlp(el, zg_a, *margs, e0=0, ne=2)
    res = _tc_mlp(el, zg_b, *margs, e0=2, ne=3, prev=res_a)
    g128 = _sc_gather(res.reshape(_BIN, _W), sidx, 128)
    next_obs = g128[:, :_OBS]
    reward = g128[:, _OBS]
    terminal = jnp.zeros((_N,), dtype=bool)
    return (next_obs, reward, terminal)

# --- scband reference (transcript-rebuilt; emitter-appended) ---
"""Pipeline reference for scband-eff-ensemble-dynamic-model-88888643158685 (READ-ONLY COPY).

The authoritative reference and input builder live on the scoring server;
editing this copy changes nothing except your own understanding.
"""

import jax, jax.numpy as jnp
import numpy as np

N = 131072
OBS = 32
ACT = 16
C = OBS + ACT
M = 7
E = 5
H = 64
OUT = OBS + 1
REWARD_SCALE = 1.0
REWARD_SHIFT = 0.0

def setup_inputs(seed: int = 0):
    key = jax.random.key(seed)
    ks = jax.random.split(key, 8)
    inp = {}
    inp["observations"] = jax.random.normal(ks[0], (N, OBS), dtype=jnp.float32)
    inp["actions"] = jax.random.uniform(ks[1], (N, ACT), dtype=jnp.float32, minval=-1.0, maxval=1.0)
    inp["W1"] = jax.random.normal(ks[2], (M, C, H), dtype=jnp.float32) / np.sqrt(C)
    inp["b1"] = jnp.zeros((M, 1, H), dtype=jnp.float32)
    inp["W2"] = jax.random.normal(ks[3], (M, H, H), dtype=jnp.float32) / np.sqrt(H)
    inp["b2"] = jnp.zeros((M, 1, H), dtype=jnp.float32)
    inp["W3"] = jax.random.normal(ks[4], (M, H, 2 * OUT), dtype=jnp.float32) / np.sqrt(H)
    inp["b3"] = jnp.zeros((M, 1, 2 * OUT), dtype=jnp.float32)
    inp["max_logvar"] = jnp.full((OUT,), 0.5, dtype=jnp.float32)
    inp["min_logvar"] = jnp.full((OUT,), -10.0, dtype=jnp.float32)
    inp["scaler_mu"] = jax.random.normal(ks[5], (C,), dtype=jnp.float32) * 0.1
    inp["scaler_sigma"] = jax.random.uniform(ks[6], (C,), dtype=jnp.float32, minval=0.5, maxval=1.5)
    inp["elites"] = jnp.array([0, 1, 2, 4, 6], dtype=jnp.int32)
    return inp

def _ensemble_mlp(z, W1, b1, W2, b2, W3, b3, max_lv, min_lv):
    h = jax.nn.swish(jnp.einsum('mrc,mch->mrh', z, W1) + b1)
    h = jax.nn.swish(jnp.einsum('mrh,mhk->mrk', h, W2) + b2)
    o = jnp.einsum('mrh,mho->mro', h, W3) + b3
    mean, logvar = jnp.split(o, 2, axis=-1)
    logvar = max_lv - jax.nn.softplus(max_lv - logvar)
    logvar = min_lv + jax.nn.softplus(logvar - min_lv)
    return mean, logvar

def _terminal_fn(obs, act, next_obs):
    return jnp.zeros((obs.shape[0], 1), dtype=bool)

def reference(observations, actions, W1, b1, W2, b2, W3, b3, max_logvar, min_logvar, scaler_mu, scaler_sigma, elites):
    key = jax.random.key(42)
    z = jnp.concatenate([observations, actions], axis=1)
    z = (z - scaler_mu) / scaler_sigma
    Nn, Cc = z.shape
    Ee = elites.shape[0]
    R = (Nn - 1) // Ee + 1
    z = jnp.concatenate([z, jnp.zeros((Ee * R - Nn, Cc), dtype=z.dtype)], axis=0)
    idxs = jax.random.permutation(key, Ee * R)
    tmp = jnp.reshape(z[idxs], (Ee, R, Cc))
    zfull = jnp.zeros((M, R, Cc), dtype=z.dtype)
    zfull = zfull.at[elites].set(tmp)
    mean, logvar = _ensemble_mlp(zfull, W1, b1, W2, b2, W3, b3, max_logvar, min_logvar)
    std = jnp.sqrt(jnp.exp(logvar))
    ensemble_samples = mean + jax.random.normal(key, mean.shape) * std
    Co = ensemble_samples.shape[-1]
    result = ensemble_samples[elites].reshape((Ee * R, Co))
    gathered = jnp.zeros((Ee * R, Co), dtype=result.dtype)
    gathered = gathered.at[idxs].set(result)
    gathered = gathered[:Nn]
    samples = jnp.concatenate([gathered[:, :-1] + observations, gathered[:, -1:]], axis=1)
    next_obs = samples[..., :-1]
    reward = samples[..., -1] * REWARD_SCALE + REWARD_SHIFT
    terminal = _terminal_fn(observations, actions, next_obs).squeeze(1)
    return (next_obs, reward, terminal)

if __name__ == "__main__":
    import jax
    _d = setup_inputs()
    print(jax.jit(kernel)(*tuple(_d.values())))

</pallas_src>

<mosaic_0001>
#map = affine_map<(d0, d1) -> (0, 0)>
#map1 = affine_map<(d0, d1) -> (0, 0, 0)>
module attributes {stable_mosaic.version = 14 : i64} {
  func.func @k(%arg0: i32, %arg1: i32, %arg2: memref<131072x128xf32, #tpu.memory_space<hbm>>, %arg3: memref<32x24x104xi32, #tpu.memory_space<hbm>>, %arg4: memref<79872x128xf32, #tpu.memory_space<hbm>>, %arg5: memref<24x104xi32, #tpu.memory_space<vmem>>, %arg6: memref<4x104x128xf32, #tpu.memory_space<vmem>>, %arg7: memref<4x104xf32, #tpu.memory_space<vmem>>, %arg8: memref<!tpu.dma_semaphore, #tpu.memory_space<semaphore_mem>>, %arg9: memref<!tpu.dma_semaphore, #tpu.memory_space<semaphore_mem>>, %arg10: memref<!tpu.dma_semaphore, #tpu.memory_space<semaphore_mem>>, %arg11: memref<!tpu.dma_semaphore, #tpu.memory_space<semaphore_mem>>, %arg12: memref<!tpu.dma_semaphore, #tpu.memory_space<semaphore_mem>>, %arg13: memref<!tpu.dma_semaphore, #tpu.memory_space<semaphore_mem>>, %arg14: memref<!tpu.dma_semaphore, #tpu.memory_space<semaphore_mem>>, %arg15: memref<!tpu.dma_semaphore, #tpu.memory_space<semaphore_mem>>, %arg16: memref<!tpu.dma_semaphore, #tpu.memory_space<semaphore_mem>>, %arg17: memref<!tpu.dma_semaphore, #tpu.memory_space<semaphore_mem>>, %arg18: memref<!tpu.dma_semaphore, #tpu.memory_space<semaphore_mem>>, %arg19: memref<!tpu.dma_semaphore, #tpu.memory_space<semaphore_mem>>) attributes {dimension_semantics = [#tpu.dimension_semantics<core_parallel>, #tpu.dimension_semantics<subcore_parallel>], iteration_bounds = array<i64: 2, 16>, scalar_prefetch = 0 : i64, scratch_operands = 15 : i64, tpu.core_type = #tpu.core_type<sc_vector_subcore>, window_params = [{transform_indices = #map}, {transform_indices = #map1}, {transform_indices = #map}]} {
    %mul3A = arith.constant 2 : i32
    %mul3A_0 = arith.muli %arg1, %mul3A : i32
    %add3A = arith.addi %mul3A_0, %arg0 : i32
    %mul3A_1 = arith.constant 24 : i32
    %mul3A_2 = arith.muli %add3A, %mul3A_1 : i32
    %mul3A_3 = arith.constant 104 : i32
    %mul3A_4 = arith.muli %mul3A_2, %mul3A_3 : i32
    "tpu.region"() ({
      %run_scoped3A = tpu.sem_alloc : memref<!tpu.dma_semaphore, #tpu.memory_space<semaphore_mem>>
      %dma_start3A_104 = arith.constant 0 : i32
      %dma_start3A_105 = arith.constant 0 : i32
      %dma_start3A_106 = tpu.memref_slice %arg3[%add3A, %dma_start3A_104, %dma_start3A_105] : memref<32x24x104xi32, #tpu.memory_space<hbm>> -> memref<1x24x104xi32, #tpu.memory_space<hbm>>
      %dma_start3A_107 = tpu.memref_squeeze %dma_start3A_106 : memref<1x24x104xi32, #tpu.memory_space<hbm>> -> memref<24x104xi32, #tpu.memory_space<hbm>>
      %dma_start3A_108 = arith.constant 0 : i32
      %dma_start3A_109 = arith.constant 0 : i32
      %dma_start3A_110 = tpu.memref_slice %arg3[%add3A, %dma_start3A_108, %dma_start3A_109] : memref<32x24x104xi32, #tpu.memory_space<hbm>> -> memref<1x24x104xi32, #tpu.memory_space<hbm>>
      %dma_start3A_111 = tpu.memref_squeeze %dma_start3A_110 : memref<1x24x104xi32, #tpu.memory_space<hbm>> -> memref<24x104xi32, #tpu.memory_space<hbm>>
      tpu.enqueue_dma source(%dma_start3A_111 : memref<24x104xi32, #tpu.memory_space<hbm>>) target(%arg5 : memref<24x104xi32, #tpu.memory_space<vmem>>) target_semaphore(%run_scoped3A : memref<!tpu.dma_semaphore, #tpu.memory_space<semaphore_mem>>)
      %dma_wait3A_112 = arith.constant 0 : i32
      %dma_wait3A_113 = arith.constant 0 : i32
      %dma_wait3A_114 = tpu.memref_slice %arg3[%add3A, %dma_wait3A_112, %dma_wait3A_113] : memref<32x24x104xi32, #tpu.memory_space<hbm>> -> memref<1x24x104xi32, #tpu.memory_space<hbm>>
      %dma_wait3A_115 = tpu.memref_squeeze %dma_wait3A_114 : memref<1x24x104xi32, #tpu.memory_space<hbm>> -> memref<24x104xi32, #tpu.memory_space<hbm>>
      %dma_wait3A_116 = arith.constant 0 : i32
      %dma_wait3A_117 = arith.constant 0 : i32
      %dma_wait3A_118 = tpu.memref_slice %arg3[%add3A, %dma_wait3A_116, %dma_wait3A_117] : memref<32x24x104xi32, #tpu.memory_space<hbm>> -> memref<1x24x104xi32, #tpu.memory_space<hbm>>
      %dma_wait3A_119 = tpu.memref_squeeze %dma_wait3A_118 : memref<1x24x104xi32, #tpu.memory_space<hbm>> -> memref<24x104xi32, #tpu.memory_space<hbm>>
      tpu.wait_dma2 semaphore(%run_scoped3A : memref<!tpu.dma_semaphore, #tpu.memory_space<semaphore_mem>>) src(%dma_wait3A_119 : memref<24x104xi32, #tpu.memory_space<hbm>>) dst(%arg5 : memref<24x104xi32, #tpu.memory_space<vmem>>)
      tpu.yield
    }) : () -> ()
    %dma_start3A = arith.constant 0 : i32
    %dma_start3A_5 = arith.constant 0 : i32
    %dma_start3A_6 = arith.constant 0 : i32
    %dma_start3A_7 = arith.constant 0 : i32
    %dma_start3A_8 = tpu.memref_slice %arg6[%dma_start3A_5, %dma_start3A_6, %dma_start3A_7] : memref<4x104x128xf32, #tpu.memory_space<vmem>> -> memref<1x104x128xf32, #tpu.memory_space<vmem>>
    %dma_start3A_9 = tpu.memref_squeeze %dma_start3A_8 : memref<1x104x128xf32, #tpu.memory_space<vmem>> -> memref<104x128xf32, #tpu.memory_space<vmem>>
    %dma_start3A_10 = arith.constant 0 : i32
    %dma_start3A_11 = tpu.memref_slice %arg5[%dma_start3A, %dma_start3A_10] : memref<24x104xi32, #tpu.memory_space<vmem>> -> memref<1x104xi32, #tpu.memory_space<vmem>>
    %dma_start3A_12 = tpu.memref_squeeze %dma_start3A_11 : memref<1x104xi32, #tpu.memory_space<vmem>> -> memref<104xi32, #tpu.memory_space<vmem>>
    %dma_start3A_13 = arith.constant 0 : i32
    %dma_start3A_14 = arith.constant 0 : i32
    %dma_start3A_15 = tpu.memref_slice %arg2[%dma_start3A_13, %dma_start3A_14] : memref<131072x128xf32, #tpu.memory_space<hbm>> -> memref<131072x128xf32, #tpu.memory_space<hbm>>
    tpu.enqueue_indirect_dma source(%dma_start3A_15 : memref<131072x128xf32, #tpu.memory_space<hbm>>) target(%dma_start3A_9 : memref<104x128xf32, #tpu.memory_space<vmem>>) offsets(%dma_start3A_12 : memref<104xi32, #tpu.memory_space<vmem>>) semaphore(%arg8 : memref<!tpu.dma_semaphore, #tpu.memory_space<semaphore_mem>>)
    %dma_start3A_16 = arith.constant 1 : i32
    %dma_start3A_17 = arith.constant 1 : i32
    %dma_start3A_18 = arith.constant 0 : i32
    %dma_start3A_19 = arith.constant 0 : i32
    %dma_start3A_20 = tpu.memref_slice %arg6[%dma_start3A_17, %dma_start3A_18, %dma_start3A_19] : memref<4x104x128xf32, #tpu.memory_space<vmem>> -> memref<1x104x128xf32, #tpu.memory_space<vmem>>
    %dma_start3A_21 = tpu.memref_squeeze %dma_start3A_20 : memref<1x104x128xf32, #tpu.memory_space<vmem>> -> memref<104x128xf32, #tpu.memory_space<vmem>>
    %dma_start3A_22 = arith.constant 0 : i32
    %dma_start3A_23 = tpu.memref_slice %arg5[%dma_start3A_16, %dma_start3A_22] : memref<24x104xi32, #tpu.memory_space<vmem>> -> memref<1x104xi32, #tpu.memory_space<vmem>>
    %dma_start3A_24 = tpu.memref_squeeze %dma_start3A_23 : memref<1x104xi32, #tpu.memory_space<vmem>> -> memref<104xi32, #tpu.memory_space<vmem>>
    %dma_start3A_25 = arith.constant 0 : i32
    %dma_start3A_26 = arith.constant 0 : i32
    %dma_start3A_27 = tpu.memref_slice %arg2[%dma_start3A_25, %dma_start3A_26] : memref<131072x128xf32, #tpu.memory_space<hbm>> -> memref<131072x128xf32, #tpu.memory_space<hbm>>
    tpu.enqueue_indirect_dma source(%dma_start3A_27 : memref<131072x128xf32, #tpu.memory_space<hbm>>) target(%dma_start3A_21 : memref<104x128xf32, #tpu.memory_space<vmem>>) offsets(%dma_start3A_24 : memref<104xi32, #tpu.memory_space<vmem>>) semaphore(%arg9 : memref<!tpu.dma_semaphore, #tpu.memory_space<semaphore_mem>>)
    %dma_start3A_28 = arith.constant 2 : i32
    %dma_start3A_29 = arith.constant 2 : i32
    %dma_start3A_30 = arith.constant 0 : i32
    %dma_start3A_31 = arith.constant 0 : i32
    %dma_start3A_32 = tpu.memref_slice %arg6[%dma_start3A_29, %dma_start3A_30, %dma_start3A_31] : memref<4x104x128xf32, #tpu.memory_space<vmem>> -> memref<1x104x128xf32, #tpu.memory_space<vmem>>
    %dma_start3A_33 = tpu.memref_squeeze %dma_start3A_32 : memref<1x104x128xf32, #tpu.memory_space<vmem>> -> memref<104x128xf32, #tpu.memory_space<vmem>>
    %dma_start3A_34 = arith.constant 0 : i32
    %dma_start3A_35 = tpu.memref_slice %arg5[%dma_start3A_28, %dma_start3A_34] : memref<24x104xi32, #tpu.memory_space<vmem>> -> memref<1x104xi32, #tpu.memory_space<vmem>>
    %dma_start3A_36 = tpu.memref_squeeze %dma_start3A_35 : memref<1x104xi32, #tpu.memory_space<vmem>> -> memref<104xi32, #tpu.memory_space<vmem>>
    %dma_start3A_37 = arith.constant 0 : i32
    %dma_start3A_38 = arith.constant 0 : i32
    %dma_start3A_39 = tpu.memref_slice %arg2[%dma_start3A_37, %dma_start3A_38] : memref<131072x128xf32, #tpu.memory_space<hbm>> -> memref<131072x128xf32, #tpu.memory_space<hbm>>
    tpu.enqueue_indirect_dma source(%dma_start3A_39 : memref<131072x128xf32, #tpu.memory_space<hbm>>) target(%dma_start3A_33 : memref<104x128xf32, #tpu.memory_space<vmem>>) offsets(%dma_start3A_36 : memref<104xi32, #tpu.memory_space<vmem>>) semaphore(%arg10 : memref<!tpu.dma_semaphore, #tpu.memory_space<semaphore_mem>>)
    %scan3A = arith.constant 0 : i32
    %scan3A_40 = arith.constant 0 : i32
    %scan3A_41 = arith.constant 6 : i32
    %scan3A_42 = arith.addi %scan3A_40, %scan3A_41 : i32
    %scan3A_43 = arith.constant 1 : i32
    scf.for %scan3A_104 = %scan3A_40 to %scan3A_42 step %scan3A_43  : i32 {
      %mul3A_105 = arith.constant 4 : i32
      %mul3A_106 = arith.muli %scan3A_104, %mul3A_105 : i32
      %add3A_107 = arith.constant 0 : i32
      %add3A_108 = arith.addi %mul3A_106, %add3A_107 : i32
      %dma_wait3A_109 = arith.constant 0 : i32
      %dma_wait3A_110 = arith.constant 0 : i32
      %dma_wait3A_111 = arith.constant 0 : i32
      %dma_wait3A_112 = tpu.memref_slice %arg6[%dma_wait3A_109, %dma_wait3A_110, %dma_wait3A_111] : memref<4x104x128xf32, #tpu.memory_space<vmem>> -> memref<1x104x128xf32, #tpu.memory_space<vmem>>
      %dma_wait3A_113 = tpu.memref_squeeze %dma_wait3A_112 : memref<1x104x128xf32, #tpu.memory_space<vmem>> -> memref<104x128xf32, #tpu.memory_space<vmem>>
      %dma_wait3A_114 = arith.constant 0 : i32
      %dma_wait3A_115 = arith.constant 0 : i32
      %dma_wait3A_116 = tpu.memref_slice %arg2[%dma_wait3A_114, %dma_wait3A_115] : memref<131072x128xf32, #tpu.memory_space<hbm>> -> memref<104x128xf32, #tpu.memory_space<hbm>>
      %dma_wait3A_117 = arith.constant 0 : i32
      %dma_wait3A_118 = arith.constant 0 : i32
      %dma_wait3A_119 = tpu.memref_slice %arg6[%dma_wait3A_109, %dma_wait3A_117, %dma_wait3A_118] : memref<4x104x128xf32, #tpu.memory_space<vmem>> -> memref<1x104x128xf32, #tpu.memory_space<vmem>>
      %dma_wait3A_120 = tpu.memref_squeeze %dma_wait3A_119 : memref<1x104x128xf32, #tpu.memory_space<vmem>> -> memref<104x128xf32, #tpu.memory_space<vmem>>
      %dma_wait3A_121 = arith.constant 0 : i32
      %dma_wait3A_122 = arith.constant 0 : i32
      %dma_wait3A_123 = tpu.memref_slice %arg2[%dma_wait3A_121, %dma_wait3A_122] : memref<131072x128xf32, #tpu.memory_space<hbm>> -> memref<104x128xf32, #tpu.memory_space<hbm>>
      tpu.wait_dma2 semaphore(%arg8 : memref<!tpu.dma_semaphore, #tpu.memory_space<semaphore_mem>>) src(%dma_wait3A_123 : memref<104x128xf32, #tpu.memory_space<hbm>>) dst(%dma_wait3A_120 : memref<104x128xf32, #tpu.memory_space<vmem>>)
      %mul3A_124 = arith.constant 104 : i32
      %mul3A_125 = arith.muli %add3A_108, %mul3A_124 : i32
      %add3A_126 = arith.addi %mul3A_4, %mul3A_125 : i32
      %dma_start3A_127 = arith.constant 0 : i32
      %dma_start3A_128 = arith.constant 0 : i32
      %dma_start3A_129 = arith.constant 0 : i32
      %dma_start3A_130 = tpu.memref_slice %arg6[%dma_start3A_127, %dma_start3A_128, %dma_start3A_129] : memref<4x104x128xf32, #tpu.memory_space<vmem>> -> memref<1x104x128xf32, #tpu.memory_space<vmem>>
      %dma_start3A_131 = tpu.memref_squeeze %dma_start3A_130 : memref<1x104x128xf32, #tpu.memory_space<vmem>> -> memref<104x128xf32, #tpu.memory_space<vmem>>
      %dma_start3A_132 = arith.constant 0 : i32
      %dma_start3A_133 = tpu.memref_slice %arg4[%add3A_126, %dma_start3A_132] : memref<79872x128xf32, #tpu.memory_space<hbm>> -> memref<104x128xf32, #tpu.memory_space<hbm>>
      %dma_start3A_134 = arith.constant 0 : i32
      %dma_start3A_135 = tpu.memref_slice %arg4[%add3A_126, %dma_start3A_134] : memref<79872x128xf32, #tpu.memory_space<hbm>> -> memref<104x128xf32, #tpu.memory_space<hbm>>
      %dma_start3A_136 = arith.constant 0 : i32
      %dma_start3A_137 = arith.constant 0 : i32
      %dma_start3A_138 = tpu.memref_slice %arg6[%dma_start3A_127, %dma_start3A_136, %dma_start3A_137] : memref<4x104x128xf32, #tpu.memory_space<vmem>> -> memref<1x104x128xf32, #tpu.memory_space<vmem>>
      %dma_start3A_139 = tpu.memref_squeeze %dma_start3A_138 : memref<1x104x128xf32, #tpu.memory_space<vmem>> -> memref<104x128xf32, #tpu.memory_space<vmem>>
      tpu.enqueue_dma source(%dma_start3A_139 : memref<104x128xf32, #tpu.memory_space<vmem>>) target(%dma_start3A_135 : memref<104x128xf32, #tpu.memory_space<hbm>>) target_semaphore(%arg12 : memref<!tpu.dma_semaphore, #tpu.memory_space<semaphore_mem>>)
      %add3A_140 = arith.constant 3 : i32
      %add3A_141 = arith.addi %add3A_108, %add3A_140 : i32
      %lt3A = arith.constant 24 : i32
      %lt3A_142 = arith.cmpi slt, %add3A_141, %lt3A : i32
      %convert_element_type3A = arith.extui %lt3A_142 : i1 to i32
      %cond3A = arith.constant 0 : i32
      %cond3A_143 = arith.cmpi ne, %convert_element_type3A, %cond3A : i32
      scf.if %cond3A_143 {
        %ge3A = arith.constant 1 : i32
        %ge3A_270 = arith.cmpi sge, %add3A_108, %ge3A : i32
        %convert_element_type3A_271 = arith.extui %ge3A_270 : i1 to i32
        %cond3A_272 = arith.constant 0 : i32
        %cond3A_273 = arith.cmpi ne, %convert_element_type3A_271, %cond3A_272 : i32
        scf.if %cond3A_273 {
          %dma_wait3A_287 = arith.constant 3 : i32
          %dma_wait3A_288 = arith.constant 0 : i32
          %dma_wait3A_289 = arith.constant 0 : i32
          %dma_wait3A_290 = tpu.memref_slice %arg6[%dma_wait3A_287, %dma_wait3A_288, %dma_wait3A_289] : memref<4x104x128xf32, #tpu.memory_space<vmem>> -> memref<1x104x128xf32, #tpu.memory_space<vmem>>
          %dma_wait3A_291 = tpu.memref_squeeze %dma_wait3A_290 : memref<1x104x128xf32, #tpu.memory_space<vmem>> -> memref<104x128xf32, #tpu.memory_space<vmem>>
          %dma_wait3A_292 = arith.constant 0 : i32
          %dma_wait3A_293 = arith.constant 0 : i32
          %dma_wait3A_294 = tpu.memref_slice %arg4[%dma_wait3A_292, %dma_wait3A_293] : memref<79872x128xf32, #tpu.memory_space<hbm>> -> memref<104x128xf32, #tpu.memory_space<hbm>>
          %dma_wait3A_295 = arith.constant 0 : i32
          %dma_wait3A_296 = arith.constant 0 : i32
          %dma_wait3A_297 = tpu.memref_slice %arg4[%dma_wait3A_295, %dma_wait3A_296] : memref<79872x128xf32, #tpu.memory_space<hbm>> -> memref<104x128xf32, #tpu.memory_space<hbm>>
          %dma_wait3A_298 = arith.constant 0 : i32
          %dma_wait3A_299 = arith.constant 0 : i32
          %dma_wait3A_300 = tpu.memref_slice %arg6[%dma_wait3A_287, %dma_wait3A_298, %dma_wait3A_299] : memref<4x104x128xf32, #tpu.memory_space<vmem>> -> memref<1x104x128xf32, #tpu.memory_space<vmem>>
          %dma_wait3A_301 = tpu.memref_squeeze %dma_wait3A_300 : memref<1x104x128xf32, #tpu.memory_space<vmem>> -> memref<104x128xf32, #tpu.memory_space<vmem>>
          tpu.wait_dma2 semaphore(%arg15 : memref<!tpu.dma_semaphore, #tpu.memory_space<semaphore_mem>>) src(%dma_wait3A_301 : memref<104x128xf32, #tpu.memory_space<vmem>>) dst(%dma_wait3A_297 : memref<104x128xf32, #tpu.memory_space<hbm>>)
        } else {
        }
        %add3A_274 = arith.constant 3 : i32
        %add3A_275 = arith.addi %add3A_108, %add3A_274 : i32
        %dma_start3A_276 = arith.constant 3 : i32
        %dma_start3A_277 = arith.constant 0 : i32
        %dma_start3A_278 = arith.constant 0 : i32
        %dma_start3A_279 = tpu.memref_slice %arg6[%dma_start3A_276, %dma_start3A_277, %dma_start3A_278] : memref<4x104x128xf32, #tpu.memory_space<vmem>> -> memref<1x104x128xf32, #tpu.memory_space<vmem>>
        %dma_start3A_280 = tpu.memref_squeeze %dma_start3A_279 : memref<1x104x128xf32, #tpu.memory_space<vmem>> -> memref<104x128xf32, #tpu.memory_space<vmem>>
        %dma_start3A_281 = arith.constant 0 : i32
        %dma_start3A_282 = tpu.memref_slice %arg5[%add3A_275, %dma_start3A_281] : memref<24x104xi32, #tpu.memory_space<vmem>> -> memref<1x104xi32, #tpu.memory_space<vmem>>
        %dma_start3A_283 = tpu.memref_squeeze %dma_start3A_282 : memref<1x104xi32, #tpu.memory_space<vmem>> -> memref<104xi32, #tpu.memory_space<vmem>>
        %dma_start3A_284 = arith.constant 0 : i32
        %dma_start3A_285 = arith.constant 0 : i32
        %dma_start3A_286 = tpu.memref_slice %arg2[%dma_start3A_284, %dma_start3A_285] : memref<131072x128xf32, #tpu.memory_space<hbm>> -> memref<131072x128xf32, #tpu.memory_space<hbm>>
        tpu.enqueue_indirect_dma source(%dma_start3A_286 : memref<131072x128xf32, #tpu.memory_space<hbm>>) target(%dma_start3A_280 : memref<104x128xf32, #tpu.memory_space<vmem>>) offsets(%dma_start3A_283 : memref<104xi32, #tpu.memory_space<vmem>>) semaphore(%arg11 : memref<!tpu.dma_semaphore, #tpu.memory_space<semaphore_mem>>)
      } else {
      }
      %mul3A_144 = arith.constant 4 : i32
      %mul3A_145 = arith.muli %scan3A_104, %mul3A_144 : i32
      %add3A_146 = arith.constant 1 : i32
      %add3A_147 = arith.addi %mul3A_145, %add3A_146 : i32
      %dma_wait3A_148 = arith.constant 1 : i32
      %dma_wait3A_149 = arith.constant 0 : i32
      %dma_wait3A_150 = arith.constant 0 : i32
      %dma_wait3A_151 = tpu.memref_slice %arg6[%dma_wait3A_148, %dma_wait3A_149, %dma_wait3A_150] : memref<4x104x128xf32, #tpu.memory_space<vmem>> -> memref<1x104x128xf32, #tpu.memory_space<vmem>>
      %dma_wait3A_152 = tpu.memref_squeeze %dma_wait3A_151 : memref<1x104x128xf32, #tpu.memory_space<vmem>> -> memref<104x128xf32, #tpu.memory_space<vmem>>
      %dma_wait3A_153 = arith.constant 0 : i32
      %dma_wait3A_154 = arith.constant 0 : i32
      %dma_wait3A_155 = tpu.memref_slice %arg2[%dma_wait3A_153, %dma_wait3A_154] : memref<131072x128xf32, #tpu.memory_space<hbm>> -> memref<104x128xf32, #tpu.memory_space<hbm>>
      %dma_wait3A_156 = arith.constant 0 : i32
      %dma_wait3A_157 = arith.constant 0 : i32
      %dma_wait3A_158 = tpu.memref_slice %arg6[%dma_wait3A_148, %dma_wait3A_156, %dma_wait3A_157] : memref<4x104x128xf32, #tpu.memory_space<vmem>> -> memref<1x104x128xf32, #tpu.memory_space<vmem>>
      %dma_wait3A_159 = tpu.memref_squeeze %dma_wait3A_158 : memref<1x104x128xf32, #tpu.memory_space<vmem>> -> memref<104x128xf32, #tpu.memory_space<vmem>>
      %dma_wait3A_160 = arith.constant 0 : i32
      %dma_wait3A_161 = arith.constant 0 : i32
      %dma_wait3A_162 = tpu.memref_slice %arg2[%dma_wait3A_160, %dma_wait3A_161] : memref<131072x128xf32, #tpu.memory_space<hbm>> -> memref<104x128xf32, #tpu.memory_space<hbm>>
      tpu.wait_dma2 semaphore(%arg9 : memref<!tpu.dma_semaphore, #tpu.memory_space<semaphore_mem>>) src(%dma_wait3A_162 : memref<104x128xf32, #tpu.memory_space<hbm>>) dst(%dma_wait3A_159 : memref<104x128xf32, #tpu.memory_space<vmem>>)
      %mul3A_163 = arith.constant 104 : i32
      %mul3A_164 = arith.muli %add3A_147, %mul3A_163 : i32
      %add3A_165 = arith.addi %mul3A_4, %mul3A_164 : i32
      %dma_start3A_166 = arith.constant 1 : i32
      %dma_start3A_167 = arith.constant 0 : i32
      %dma_start3A_168 = arith.constant 0 : i32
      %dma_start3A_169 = tpu.memref_slice %arg6[%dma_start3A_166, %dma_start3A_167, %dma_start3A_168] : memref<4x104x128xf32, #tpu.memory_space<vmem>> -> memref<1x104x128xf32, #tpu.memory_space<vmem>>
      %dma_start3A_170 = tpu.memref_squeeze %dma_start3A_169 : memref<1x104x128xf32, #tpu.memory_space<vmem>> -> memref<104x128xf32, #tpu.memory_space<vmem>>
      %dma_start3A_171 = arith.constant 0 : i32
      %dma_start3A_172 = tpu.memref_slice %arg4[%add3A_165, %dma_start3A_171] : memref<79872x128xf32, #tpu.memory_space<hbm>> -> memref<104x128xf32, #tpu.memory_space<hbm>>
      %dma_start3A_173 = arith.constant 0 : i32
      %dma_start3A_174 = tpu.memref_slice %arg4[%add3A_165, %dma_start3A_173] : memref<79872x128xf32, #tpu.memory_space<hbm>> -> memref<104x128xf32, #tpu.memory_space<hbm>>
      %dma_start3A_175 = arith.constant 0 : i32
      %dma_start3A_176 = arith.constant 0 : i32
      %dma_start3A_177 = tpu.memref_slice %arg6[%dma_start3A_166, %dma_start3A_175, %dma_start3A_176] : memref<4x104x128xf32, #tpu.memory_space<vmem>> -> memref<1x104x128xf32, #tpu.memory_space<vmem>>
      %dma_start3A_178 = tpu.memref_squeeze %dma_start3A_177 : memref<1x104x128xf32, #tpu.memory_space<vmem>> -> memref<104x128xf32, #tpu.memory_space<vmem>>
      tpu.enqueue_dma source(%dma_start3A_178 : memref<104x128xf32, #tpu.memory_space<vmem>>) target(%dma_start3A_174 : memref<104x128xf32, #tpu.memory_space<hbm>>) target_semaphore(%arg13 : memref<!tpu.dma_semaphore, #tpu.memory_space<semaphore_mem>>)
      %add3A_179 = arith.constant 3 : i32
      %add3A_180 = arith.addi %add3A_147, %add3A_179 : i32
      %lt3A_181 = arith.constant 24 : i32
      %lt3A_182 = arith.cmpi slt, %add3A_180, %lt3A_181 : i32
      %convert_element_type3A_183 = arith.extui %lt3A_182 : i1 to i32
      %cond3A_184 = arith.constant 0 : i32
      %cond3A_185 = arith.cmpi ne, %convert_element_type3A_183, %cond3A_184 : i32
      scf.if %cond3A_185 {
        %ge3A = arith.constant 1 : i32
        %ge3A_270 = arith.cmpi sge, %add3A_147, %ge3A : i32
        %convert_element_type3A_271 = arith.extui %ge3A_270 : i1 to i32
        %cond3A_272 = arith.constant 0 : i32
        %cond3A_273 = arith.cmpi ne, %convert_element_type3A_271, %cond3A_272 : i32
        scf.if %cond3A_273 {
          %dma_wait3A_287 = arith.constant 0 : i32
          %dma_wait3A_288 = arith.constant 0 : i32
          %dma_wait3A_289 = arith.constant 0 : i32
          %dma_wait3A_290 = tpu.memref_slice %arg6[%dma_wait3A_287, %dma_wait3A_288, %dma_wait3A_289] : memref<4x104x128xf32, #tpu.memory_space<vmem>> -> memref<1x104x128xf32, #tpu.memory_space<vmem>>
          %dma_wait3A_291 = tpu.memref_squeeze %dma_wait3A_290 : memref<1x104x128xf32, #tpu.memory_space<vmem>> -> memref<104x128xf32, #tpu.memory_space<vmem>>
          %dma_wait3A_292 = arith.constant 0 : i32
          %dma_wait3A_293 = arith.constant 0 : i32
          %dma_wait3A_294 = tpu.memref_slice %arg4[%dma_wait3A_292, %dma_wait3A_293] : memref<79872x128xf32, #tpu.memory_space<hbm>> -> memref<104x128xf32, #tpu.memory_space<hbm>>
          %dma_wait3A_295 = arith.constant 0 : i32
          %dma_wait3A_296 = arith.constant 0 : i32
          %dma_wait3A_297 = tpu.memref_slice %arg4[%dma_wait3A_295, %dma_wait3A_296] : memref<79872x128xf32, #tpu.memory_space<hbm>> -> memref<104x128xf32, #tpu.memory_space<hbm>>
          %dma_wait3A_298 = arith.constant 0 : i32
          %dma_wait3A_299 = arith.constant 0 : i32
          %dma_wait3A_300 = tpu.memref_slice %arg6[%dma_wait3A_287, %dma_wait3A_298, %dma_wait3A_299] : memref<4x104x128xf32, #tpu.memory_space<vmem>> -> memref<1x104x128xf32, #tpu.memory_space<vmem>>
          %dma_wait3A_301 = tpu.memref_squeeze %dma_wait3A_300 : memref<1x104x128xf32, #tpu.memory_space<vmem>> -> memref<104x128xf32, #tpu.memory_space<vmem>>
          tpu.wait_dma2 semaphore(%arg12 : memref<!tpu.dma_semaphore, #tpu.memory_space<semaphore_mem>>) src(%dma_wait3A_301 : memref<104x128xf32, #tpu.memory_space<vmem>>) dst(%dma_wait3A_297 : memref<104x128xf32, #tpu.memory_space<hbm>>)
        } else {
        }
        %add3A_274 = arith.constant 3 : i32
        %add3A_275 = arith.addi %add3A_147, %add3A_274 : i32
        %dma_start3A_276 = arith.constant 0 : i32
        %dma_start3A_277 = arith.constant 0 : i32
        %dma_start3A_278 = arith.constant 0 : i32
        %dma_start3A_279 = tpu.memref_slice %arg6[%dma_start3A_276, %dma_start3A_277, %dma_start3A_278] : memref<4x104x128xf32, #tpu.memory_space<vmem>> -> memref<1x104x128xf32, #tpu.memory_space<vmem>>
        %dma_start3A_280 = tpu.memref_squeeze %dma_start3A_279 : memref<1x104x128xf32, #tpu.memory_space<vmem>> -> memref<104x128xf32, #tpu.memory_space<vmem>>
        %dma_start3A_281 = arith.constant 0 : i32
        %dma_start3A_282 = tpu.memref_slice %arg5[%add3A_275, %dma_start3A_281] : memref<24x104xi32, #tpu.memory_space<vmem>> -> memref<1x104xi32, #tpu.memory_space<vmem>>
        %dma_start3A_283 = tpu.memref_squeeze %dma_start3A_282 : memref<1x104xi32, #tpu.memory_space<vmem>> -> memref<104xi32, #tpu.memory_space<vmem>>
        %dma_start3A_284 = arith.constant 0 : i32
        %dma_start3A_285 = arith.constant 0 : i32
        %dma_start3A_286 = tpu.memref_slice %arg2[%dma_start3A_284, %dma_start3A_285] : memref<131072x128xf32, #tpu.memory_space<hbm>> -> memref<131072x128xf32, #tpu.memory_space<hbm>>
        tpu.enqueue_indirect_dma source(%dma_start3A_286 : memref<131072x128xf32, #tpu.memory_space<hbm>>) target(%dma_start3A_280 : memref<104x128xf32, #tpu.memory_space<vmem>>) offsets(%dma_start3A_283 : memref<104xi32, #tpu.memory_space<vmem>>) semaphore(%arg8 : memref<!tpu.dma_semaphore, #tpu.memory_space<semaphore_mem>>)
      } else {
      }
      %mul3A_186 = arith.constant 4 : i32
      %mul3A_187 = arith.muli %scan3A_104, %mul3A_186 : i32
      %add3A_188 = arith.constant 2 : i32
      %add3A_189 = arith.addi %mul3A_187, %add3A_188 : i32
      %dma_wait3A_190 = arith.constant 2 : i32
      %dma_wait3A_191 = arith.constant 0 : i32
      %dma_wait3A_192 = arith.constant 0 : i32
      %dma_wait3A_193 = tpu.memref_slice %arg6[%dma_wait3A_190, %dma_wait3A_191, %dma_wait3A_192] : memref<4x104x128xf32, #tpu.memory_space<vmem>> -> memref<1x104x128xf32, #tpu.memory_space<vmem>>
      %dma_wait3A_194 = tpu.memref_squeeze %dma_wait3A_193 : memref<1x104x128xf32, #tpu.memory_space<vmem>> -> memref<104x128xf32, #tpu.memory_space<vmem>>
      %dma_wait3A_195 = arith.constant 0 : i32
      %dma_wait3A_196 = arith.constant 0 : i32
      %dma_wait3A_197 = tpu.memref_slice %arg2[%dma_wait3A_195, %dma_wait3A_196] : memref<131072x128xf32, #tpu.memory_space<hbm>> -> memref<104x128xf32, #tpu.memory_space<hbm>>
      %dma_wait3A_198 = arith.constant 0 : i32
      %dma_wait3A_199 = arith.constant 0 : i32
      %dma_wait3A_200 = tpu.memref_slice %arg6[%dma_wait3A_190, %dma_wait3A_198, %dma_wait3A_199] : memref<4x104x128xf32, #tpu.memory_space<vmem>> -> memref<1x104x128xf32, #tpu.memory_space<vmem>>
      %dma_wait3A_201 = tpu.memref_squeeze %dma_wait3A_200 : memref<1x104x128xf32, #tpu.memory_space<vmem>> -> memref<104x128xf32, #tpu.memory_space<vmem>>
      %dma_wait3A_202 = arith.constant 0 : i32
      %dma_wait3A_203 = arith.constant 0 : i32
      %dma_wait3A_204 = tpu.memref_slice %arg2[%dma_wait3A_202, %dma_wait3A_203] : memref<131072x128xf32, #tpu.memory_space<hbm>> -> memref<104x128xf32, #tpu.memory_space<hbm>>
      tpu.wait_dma2 semaphore(%arg10 : memref<!tpu.dma_semaphore, #tpu.memory_space<semaphore_mem>>) src(%dma_wait3A_204 : memref<104x128xf32, #tpu.memory_space<hbm>>) dst(%dma_wait3A_201 : memref<104x128xf32, #tpu.memory_space<vmem>>)
      %mul3A_205 = arith.constant 104 : i32
      %mul3A_206 = arith.muli %add3A_189, %mul3A_205 : i32
      %add3A_207 = arith.addi %mul3A_4, %mul3A_206 : i32
      %dma_start3A_208 = arith.constant 2 : i32
      %dma_start3A_209 = arith.constant 0 : i32
      %dma_start3A_210 = arith.constant 0 : i32
      %dma_start3A_211 = tpu.memref_slice %arg6[%dma_start3A_208, %dma_start3A_209, %dma_start3A_210] : memref<4x104x128xf32, #tpu.memory_space<vmem>> -> memref<1x104x128xf32, #tpu.memory_space<vmem>>
      %dma_start3A_212 = tpu.memref_squeeze %dma_start3A_211 : memref<1x104x128xf32, #tpu.memory_space<vmem>> -> memref<104x128xf32, #tpu.memory_space<vmem>>
      %dma_start3A_213 = arith.constant 0 : i32
      %dma_start3A_214 = tpu.memref_slice %arg4[%add3A_207, %dma_start3A_213] : memref<79872x128xf32, #tpu.memory_space<hbm>> -> memref<104x128xf32, #tpu.memory_space<hbm>>
      %dma_start3A_215 = arith.constant 0 : i32
      %dma_start3A_216 = tpu.memref_slice %arg4[%add3A_207, %dma_start3A_215] : memref<79872x128xf32, #tpu.memory_space<hbm>> -> memref<104x128xf32, #tpu.memory_space<hbm>>
      %dma_start3A_217 = arith.constant 0 : i32
      %dma_start3A_218 = arith.constant 0 : i32
      %dma_start3A_219 = tpu.memref_slice %arg6[%dma_start3A_208, %dma_start3A_217, %dma_start3A_218] : memref<4x104x128xf32, #tpu.memory_space<vmem>> -> memref<1x104x128xf32, #tpu.memory_space<vmem>>
      %dma_start3A_220 = tpu.memref_squeeze %dma_start3A_219 : memref<1x104x128xf32, #tpu.memory_space<vmem>> -> memref<104x128xf32, #tpu.memory_space<vmem>>
      tpu.enqueue_dma source(%dma_start3A_220 : memref<104x128xf32, #tpu.memory_space<vmem>>) target(%dma_start3A_216 : memref<104x128xf32, #tpu.memory_space<hbm>>) target_semaphore(%arg14 : memref<!tpu.dma_semaphore, #tpu.memory_space<semaphore_mem>>)
      %add3A_221 = arith.constant 3 : i32
      %add3A_222 = arith.addi %add3A_189, %add3A_221 : i32
      %lt3A_223 = arith.constant 24 : i32
      %lt3A_224 = arith.cmpi slt, %add3A_222, %lt3A_223 : i32
      %convert_element_type3A_225 = arith.extui %lt3A_224 : i1 to i32
      %cond3A_226 = arith.constant 0 : i32
      %cond3A_227 = arith.cmpi ne, %convert_element_type3A_225, %cond3A_226 : i32
      scf.if %cond3A_227 {
        %ge3A = arith.constant 1 : i32
        %ge3A_270 = arith.cmpi sge, %add3A_189, %ge3A : i32
        %convert_element_type3A_271 = arith.extui %ge3A_270 : i1 to i32
        %cond3A_272 = arith.constant 0 : i32
        %cond3A_273 = arith.cmpi ne, %convert_element_type3A_271, %cond3A_272 : i32
        scf.if %cond3A_273 {
          %dma_wait3A_287 = arith.constant 1 : i32
          %dma_wait3A_288 = arith.constant 0 : i32
          %dma_wait3A_289 = arith.constant 0 : i32
          %dma_wait3A_290 = tpu.memref_slice %arg6[%dma_wait3A_287, %dma_wait3A_288, %dma_wait3A_289] : memref<4x104x128xf32, #tpu.memory_space<vmem>> -> memref<1x104x128xf32, #tpu.memory_space<vmem>>
          %dma_wait3A_291 = tpu.memref_squeeze %dma_wait3A_290 : memref<1x104x128xf32, #tpu.memory_space<vmem>> -> memref<104x128xf32, #tpu.memory_space<vmem>>
          %dma_wait3A_292 = arith.constant 0 : i32
          %dma_wait3A_293 = arith.constant 0 : i32
          %dma_wait3A_294 = tpu.memref_slice %arg4[%dma_wait3A_292, %dma_wait3A_293] : memref<79872x128xf32, #tpu.memory_space<hbm>> -> memref<104x128xf32, #tpu.memory_space<hbm>>
          %dma_wait3A_295 = arith.constant 0 : i32
          %dma_wait3A_296 = arith.constant 0 : i32
          %dma_wait3A_297 = tpu.memref_slice %arg4[%dma_wait3A_295, %dma_wait3A_296] : memref<79872x128xf32, #tpu.memory_space<hbm>> -> memref<104x128xf32, #tpu.memory_space<hbm>>
          %dma_wait3A_298 = arith.constant 0 : i32
          %dma_wait3A_299 = arith.constant 0 : i32
          %dma_wait3A_300 = tpu.memref_slice %arg6[%dma_wait3A_287, %dma_wait3A_298, %dma_wait3A_299] : memref<4x104x128xf32, #tpu.memory_space<vmem>> -> memref<1x104x128xf32, #tpu.memory_space<vmem>>
          %dma_wait3A_301 = tpu.memref_squeeze %dma_wait3A_300 : memref<1x104x128xf32, #tpu.memory_space<vmem>> -> memref<104x128xf32, #tpu.memory_space<vmem>>
          tpu.wait_dma2 semaphore(%arg13 : memref<!tpu.dma_semaphore, #tpu.memory_space<semaphore_mem>>) src(%dma_wait3A_301 : memref<104x128xf32, #tpu.memory_space<vmem>>) dst(%dma_wait3A_297 : memref<104x128xf32, #tpu.memory_space<hbm>>)
        } else {
        }
        %add3A_274 = arith.constant 3 : i32
        %add3A_275 = arith.addi %add3A_189, %add3A_274 : i32
        %dma_start3A_276 = arith.constant 1 : i32
        %dma_start3A_277 = arith.constant 0 : i32
        %dma_start3A_278 = arith.constant 0 : i32
        %dma_start3A_279 = tpu.memref_slice %arg6[%dma_start3A_276, %dma_start3A_277, %dma_start3A_278] : memref<4x104x128xf32, #tpu.memory_space<vmem>> -> memref<1x104x128xf32, #tpu.memory_space<vmem>>
        %dma_start3A_280 = tpu.memref_squeeze %dma_start3A_279 : memref<1x104x128xf32, #tpu.memory_space<vmem>> -> memref<104x128xf32, #tpu.memory_space<vmem>>
        %dma_start3A_281 = arith.constant 0 : i32
        %dma_start3A_282 = tpu.memref_slice %arg5[%add3A_275, %dma_start3A_281] : memref<24x104xi32, #tpu.memory_space<vmem>> -> memref<1x104xi32, #tpu.memory_space<vmem>>
        %dma_start3A_283 = tpu.memref_squeeze %dma_start3A_282 : memref<1x104xi32, #tpu.memory_space<vmem>> -> memref<104xi32, #tpu.memory_space<vmem>>
        %dma_start3A_284 = arith.constant 0 : i32
        %dma_start3A_285 = arith.constant 0 : i32
        %dma_start3A_286 = tpu.memref_slice %arg2[%dma_start3A_284, %dma_start3A_285] : memref<131072x128xf32, #tpu.memory_space<hbm>> -> memref<131072x128xf32, #tpu.memory_space<hbm>>
        tpu.enqueue_indirect_dma source(%dma_start3A_286 : memref<131072x128xf32, #tpu.memory_space<hbm>>) target(%dma_start3A_280 : memref<104x128xf32, #tpu.memory_space<vmem>>) offsets(%dma_start3A_283 : memref<104xi32, #tpu.memory_space<vmem>>) semaphore(%arg9 : memref<!tpu.dma_semaphore, #tpu.memory_space<semaphore_mem>>)
      } else {
      }
      %mul3A_228 = arith.constant 4 : i32
      %mul3A_229 = arith.muli %scan3A_104, %mul3A_228 : i32
      %add3A_230 = arith.constant 3 : i32
      %add3A_231 = arith.addi %mul3A_229, %add3A_230 : i32
      %dma_wait3A_232 = arith.constant 3 : i32
      %dma_wait3A_233 = arith.constant 0 : i32
      %dma_wait3A_234 = arith.constant 0 : i32
      %dma_wait3A_235 = tpu.memref_slice %arg6[%dma_wait3A_232, %dma_wait3A_233, %dma_wait3A_234] : memref<4x104x128xf32, #tpu.memory_space<vmem>> -> memref<1x104x128xf32, #tpu.memory_space<vmem>>
      %dma_wait3A_236 = tpu.memref_squeeze %dma_wait3A_235 : memref<1x104x128xf32, #tpu.memory_space<vmem>> -> memref<104x128xf32, #tpu.memory_space<vmem>>
      %dma_wait3A_237 = arith.constant 0 : i32
      %dma_wait3A_238 = arith.constant 0 : i32
      %dma_wait3A_239 = tpu.memref_slice %arg2[%dma_wait3A_237, %dma_wait3A_238] : memref<131072x128xf32, #tpu.memory_space<hbm>> -> memref<104x128xf32, #tpu.memory_space<hbm>>
      %dma_wait3A_240 = arith.constant 0 : i32
      %dma_wait3A_241 = arith.constant 0 : i32
      %dma_wait3A_242 = tpu.memref_slice %arg6[%dma_wait3A_232, %dma_wait3A_240, %dma_wait3A_241] : memref<4x104x128xf32, #tpu.memory_space<vmem>> -> memref<1x104x128xf32, #tpu.memory_space<vmem>>
      %dma_wait3A_243 = tpu.memref_squeeze %dma_wait3A_242 : memref<1x104x128xf32, #tpu.memory_space<vmem>> -> memref<104x128xf32, #tpu.memory_space<vmem>>
      %dma_wait3A_244 = arith.constant 0 : i32
      %dma_wait3A_245 = arith.constant 0 : i32
      %dma_wait3A_246 = tpu.memref_slice %arg2[%dma_wait3A_244, %dma_wait3A_245] : memref<131072x128xf32, #tpu.memory_space<hbm>> -> memref<104x128xf32, #tpu.memory_space<hbm>>
      tpu.wait_dma2 semaphore(%arg11 : memref<!tpu.dma_semaphore, #tpu.memory_space<semaphore_mem>>) src(%dma_wait3A_246 : memref<104x128xf32, #tpu.memory_space<hbm>>) dst(%dma_wait3A_243 : memref<104x128xf32, #tpu.memory_space<vmem>>)
      %mul3A_247 = arith.constant 104 : i32
      %mul3A_248 = arith.muli %add3A_231, %mul3A_247 : i32
      %add3A_249 = arith.addi %mul3A_4, %mul3A_248 : i32
      %dma_start3A_250 = arith.constant 3 : i32
      %dma_start3A_251 = arith.constant 0 : i32
      %dma_start3A_252 = arith.constant 0 : i32
      %dma_start3A_253 = tpu.memref_slice %arg6[%dma_start3A_250, %dma_start3A_251, %dma_start3A_252] : memref<4x104x128xf32, #tpu.memory_space<vmem>> -> memref<1x104x128xf32, #tpu.memory_space<vmem>>
      %dma_start3A_254 = tpu.memref_squeeze %dma_start3A_253 : memref<1x104x128xf32, #tpu.memory_space<vmem>> -> memref<104x128xf32, #tpu.memory_space<vmem>>
      %dma_start3A_255 = arith.constant 0 : i32
      %dma_start3A_256 = tpu.memref_slice %arg4[%add3A_249, %dma_start3A_255] : memref<79872x128xf32, #tpu.memory_space<hbm>> -> memref<104x128xf32, #tpu.memory_space<hbm>>
      %dma_start3A_257 = arith.constant 0 : i32
      %dma_start3A_258 = tpu.memref_slice %arg4[%add3A_249, %dma_start3A_257] : memref<79872x128xf32, #tpu.memory_space<hbm>> -> memref<104x128xf32, #tpu.memory_space<hbm>>
      %dma_start3A_259 = arith.constant 0 : i32
      %dma_start3A_260 = arith.constant 0 : i32
      %dma_start3A_261 = tpu.memref_slice %arg6[%dma_start3A_250, %dma_start3A_259, %dma_start3A_260] : memref<4x104x128xf32, #tpu.memory_space<vmem>> -> memref<1x104x128xf32, #tpu.memory_space<vmem>>
      %dma_start3A_262 = tpu.memref_squeeze %dma_start3A_261 : memref<1x104x128xf32, #tpu.memory_space<vmem>> -> memref<104x128xf32, #tpu.memory_space<vmem>>
      tpu.enqueue_dma source(%dma_start3A_262 : memref<104x128xf32, #tpu.memory_space<vmem>>) target(%dma_start3A_258 : memref<104x128xf32, #tpu.memory_space<hbm>>) target_semaphore(%arg15 : memref<!tpu.dma_semaphore, #tpu.memory_space<semaphore_mem>>)
      %add3A_263 = arith.constant 3 : i32
      %add3A_264 = arith.addi %add3A_231, %add3A_263 : i32
      %lt3A_265 = arith.constant 24 : i32
      %lt3A_266 = arith.cmpi slt, %add3A_264, %lt3A_265 : i32
      %convert_element_type3A_267 = arith.extui %lt3A_266 : i1 to i32
      %cond3A_268 = arith.constant 0 : i32
      %cond3A_269 = arith.cmpi ne, %convert_element_type3A_267, %cond3A_268 : i32
      scf.if %cond3A_269 {
        %ge3A = arith.constant 1 : i32
        %ge3A_270 = arith.cmpi sge, %add3A_231, %ge3A : i32
        %convert_element_type3A_271 = arith.extui %ge3A_270 : i1 to i32
        %cond3A_272 = arith.constant 0 : i32
        %cond3A_273 = arith.cmpi ne, %convert_element_type3A_271, %cond3A_272 : i32
        scf.if %cond3A_273 {
          %dma_wait3A_287 = arith.constant 2 : i32
          %dma_wait3A_288 = arith.constant 0 : i32
          %dma_wait3A_289 = arith.constant 0 : i32
          %dma_wait3A_290 = tpu.memref_slice %arg6[%dma_wait3A_287, %dma_wait3A_288, %dma_wait3A_289] : memref<4x104x128xf32, #tpu.memory_space<vmem>> -> memref<1x104x128xf32, #tpu.memory_space<vmem>>
          %dma_wait3A_291 = tpu.memref_squeeze %dma_wait3A_290 : memref<1x104x128xf32, #tpu.memory_space<vmem>> -> memref<104x128xf32, #tpu.memory_space<vmem>>
          %dma_wait3A_292 = arith.constant 0 : i32
          %dma_wait3A_293 = arith.constant 0 : i32
          %dma_wait3A_294 = tpu.memref_slice %arg4[%dma_wait3A_292, %dma_wait3A_293] : memref<79872x128xf32, #tpu.memory_space<hbm>> -> memref<104x128xf32, #tpu.memory_space<hbm>>
          %dma_wait3A_295 = arith.constant 0 : i32
          %dma_wait3A_296 = arith.constant 0 : i32
          %dma_wait3A_297 = tpu.memref_slice %arg4[%dma_wait3A_295, %dma_wait3A_296] : memref<79872x128xf32, #tpu.memory_space<hbm>> -> memref<104x128xf32, #tpu.memory_space<hbm>>
          %dma_wait3A_298 = arith.constant 0 : i32
          %dma_wait3A_299 = arith.constant 0 : i32
          %dma_wait3A_300 = tpu.memref_slice %arg6[%dma_wait3A_287, %dma_wait3A_298, %dma_wait3A_299] : memref<4x104x128xf32, #tpu.memory_space<vmem>> -> memref<1x104x128xf32, #tpu.memory_space<vmem>>
          %dma_wait3A_301 = tpu.memref_squeeze %dma_wait3A_300 : memref<1x104x128xf32, #tpu.memory_space<vmem>> -> memref<104x128xf32, #tpu.memory_space<vmem>>
          tpu.wait_dma2 semaphore(%arg14 : memref<!tpu.dma_semaphore, #tpu.memory_space<semaphore_mem>>) src(%dma_wait3A_301 : memref<104x128xf32, #tpu.memory_space<vmem>>) dst(%dma_wait3A_297 : memref<104x128xf32, #tpu.memory_space<hbm>>)
        } else {
        }
        %add3A_274 = arith.constant 3 : i32
        %add3A_275 = arith.addi %add3A_231, %add3A_274 : i32
        %dma_start3A_276 = arith.constant 2 : i32
        %dma_start3A_277 = arith.constant 0 : i32
        %dma_start3A_278 = arith.constant 0 : i32
        %dma_start3A_279 = tpu.memref_slice %arg6[%dma_start3A_276, %dma_start3A_277, %dma_start3A_278] : memref<4x104x128xf32, #tpu.memory_space<vmem>> -> memref<1x104x128xf32, #tpu.memory_space<vmem>>
        %dma_start3A_280 = tpu.memref_squeeze %dma_start3A_279 : memref<1x104x128xf32, #tpu.memory_space<vmem>> -> memref<104x128xf32, #tpu.memory_space<vmem>>
        %dma_start3A_281 = arith.constant 0 : i32
        %dma_start3A_282 = tpu.memref_slice %arg5[%add3A_275, %dma_start3A_281] : memref<24x104xi32, #tpu.memory_space<vmem>> -> memref<1x104xi32, #tpu.memory_space<vmem>>
        %dma_start3A_283 = tpu.memref_squeeze %dma_start3A_282 : memref<1x104xi32, #tpu.memory_space<vmem>> -> memref<104xi32, #tpu.memory_space<vmem>>
        %dma_start3A_284 = arith.constant 0 : i32
        %dma_start3A_285 = arith.constant 0 : i32
        %dma_start3A_286 = tpu.memref_slice %arg2[%dma_start3A_284, %dma_start3A_285] : memref<131072x128xf32, #tpu.memory_space<hbm>> -> memref<131072x128xf32, #tpu.memory_space<hbm>>
        tpu.enqueue_indirect_dma source(%dma_start3A_286 : memref<131072x128xf32, #tpu.memory_space<hbm>>) target(%dma_start3A_280 : memref<104x128xf32, #tpu.memory_space<vmem>>) offsets(%dma_start3A_283 : memref<104xi32, #tpu.memory_space<vmem>>) semaphore(%arg10 : memref<!tpu.dma_semaphore, #tpu.memory_space<semaphore_mem>>)
      } else {
      }
    }
    %scan3A_44 = arith.constant 6 : i32
    %dma_wait3A = arith.constant 0 : i32
    %dma_wait3A_45 = arith.constant 0 : i32
    %dma_wait3A_46 = arith.constant 0 : i32
    %dma_wait3A_47 = tpu.memref_slice %arg6[%dma_wait3A, %dma_wait3A_45, %dma_wait3A_46] : memref<4x104x128xf32, #tpu.memory_space<vmem>> -> memref<1x104x128xf32, #tpu.memory_space<vmem>>
    %dma_wait3A_48 = tpu.memref_squeeze %dma_wait3A_47 : memref<1x104x128xf32, #tpu.memory_space<vmem>> -> memref<104x128xf32, #tpu.memory_space<vmem>>
    %dma_wait3A_49 = arith.constant 0 : i32
    %dma_wait3A_50 = arith.constant 0 : i32
    %dma_wait3A_51 = tpu.memref_slice %arg4[%dma_wait3A_49, %dma_wait3A_50] : memref<79872x128xf32, #tpu.memory_space<hbm>> -> memref<104x128xf32, #tpu.memory_space<hbm>>
    %dma_wait3A_52 = arith.constant 0 : i32
    %dma_wait3A_53 = arith.constant 0 : i32
    %dma_wait3A_54 = tpu.memref_slice %arg4[%dma_wait3A_52, %dma_wait3A_53] : memref<79872x128xf32, #tpu.memory_space<hbm>> -> memref<104x128xf32, #tpu.memory_space<hbm>>
    %dma_wait3A_55 = arith.constant 0 : i32
    %dma_wait3A_56 = arith.constant 0 : i32
    %dma_wait3A_57 = tpu.memref_slice %arg6[%dma_wait3A, %dma_wait3A_55, %dma_wait3A_56] : memref<4x104x128xf32, #tpu.memory_space<vmem>> -> memref<1x104x128xf32, #tpu.memory_space<vmem>>
    %dma_wait3A_58 = tpu.memref_squeeze %dma_wait3A_57 : memref<1x104x128xf32, #tpu.memory_space<vmem>> -> memref<104x128xf32, #tpu.memory_space<vmem>>
    tpu.wait_dma2 semaphore(%arg12 : memref<!tpu.dma_semaphore, #tpu.memory_space<semaphore_mem>>) src(%dma_wait3A_58 : memref<104x128xf32, #tpu.memory_space<vmem>>) dst(%dma_wait3A_54 : memref<104x128xf32, #tpu.memory_space<hbm>>)
    %dma_wait3A_59 = arith.constant 1 : i32
    %dma_wait3A_60 = arith.constant 0 : i32
    %dma_wait3A_61 = arith.constant 0 : i32
    %dma_wait3A_62 = tpu.memref_slice %arg6[%dma_wait3A_59, %dma_wait3A_60, %dma_wait3A_61] : memref<4x104x128xf32, #tpu.memory_space<vmem>> -> memref<1x104x128xf32, #tpu.memory_space<vmem>>
    %dma_wait3A_63 = tpu.memref_squeeze %dma_wait3A_62 : memref<1x104x128xf32, #tpu.memory_space<vmem>> -> memref<104x128xf32, #tpu.memory_space<vmem>>
    %dma_wait3A_64 = arith.constant 0 : i32
    %dma_wait3A_65 = arith.constant 0 : i32
    %dma_wait3A_66 = tpu.memref_slice %arg4[%dma_wait3A_64, %dma_wait3A_65] : memref<79872x128xf32, #tpu.memory_space<hbm>> -> memref<104x128xf32, #tpu.memory_space<hbm>>
    %dma_wait3A_67 = arith.constant 0 : i32
    %dma_wait3A_68 = arith.constant 0 : i32
    %dma_wait3A_69 = tpu.memref_slice %arg4[%dma_wait3A_67, %dma_wait3A_68] : memref<79872x128xf32, #tpu.memory_space<hbm>> -> memref<104x128xf32, #tpu.memory_space<hbm>>
    %dma_wait3A_70 = arith.constant 0 : i32
    %dma_wait3A_71 = arith.constant 0 : i32
    %dma_wait3A_72 = tpu.memref_slice %arg6[%dma_wait3A_59, %dma_wait3A_70, %dma_wait3A_71] : memref<4x104x128xf32, #tpu.memory_space<vmem>> -> memref<1x104x128xf32, #tpu.memory_space<vmem>>
    %dma_wait3A_73 = tpu.memref_squeeze %dma_wait3A_72 : memref<1x104x128xf32, #tpu.memory_space<vmem>> -> memref<104x128xf32, #tpu.memory_space<vmem>>
    tpu.wait_dma2 semaphore(%arg13 : memref<!tpu.dma_semaphore, #tpu.memory_space<semaphore_mem>>) src(%dma_wait3A_73 : memref<104x128xf32, #tpu.memory_space<vmem>>) dst(%dma_wait3A_69 : memref<104x128xf32, #tpu.memory_space<hbm>>)
    %dma_wait3A_74 = arith.constant 2 : i32
    %dma_wait3A_75 = arith.constant 0 : i32
    %dma_wait3A_76 = arith.constant 0 : i32
    %dma_wait3A_77 = tpu.memref_slice %arg6[%dma_wait3A_74, %dma_wait3A_75, %dma_wait3A_76] : memref<4x104x128xf32, #tpu.memory_space<vmem>> -> memref<1x104x128xf32, #tpu.memory_space<vmem>>
    %dma_wait3A_78 = tpu.memref_squeeze %dma_wait3A_77 : memref<1x104x128xf32, #tpu.memory_space<vmem>> -> memref<104x128xf32, #tpu.memory_space<vmem>>
    %dma_wait3A_79 = arith.constant 0 : i32
    %dma_wait3A_80 = arith.constant 0 : i32
    %dma_wait3A_81 = tpu.memref_slice %arg4[%dma_wait3A_79, %dma_wait3A_80] : memref<79872x128xf32, #tpu.memory_space<hbm>> -> memref<104x128xf32, #tpu.memory_space<hbm>>
    %dma_wait3A_82 = arith.constant 0 : i32
    %dma_wait3A_83 = arith.constant 0 : i32
    %dma_wait3A_84 = tpu.memref_slice %arg4[%dma_wait3A_82, %dma_wait3A_83] : memref<79872x128xf32, #tpu.memory_space<hbm>> -> memref<104x128xf32, #tpu.memory_space<hbm>>
    %dma_wait3A_85 = arith.constant 0 : i32
    %dma_wait3A_86 = arith.constant 0 : i32
    %dma_wait3A_87 = tpu.memref_slice %arg6[%dma_wait3A_74, %dma_wait3A_85, %dma_wait3A_86] : memref<4x104x128xf32, #tpu.memory_space<vmem>> -> memref<1x104x128xf32, #tpu.memory_space<vmem>>
    %dma_wait3A_88 = tpu.memref_squeeze %dma_wait3A_87 : memref<1x104x128xf32, #tpu.memory_space<vmem>> -> memref<104x128xf32, #tpu.memory_space<vmem>>
    tpu.wait_dma2 semaphore(%arg14 : memref<!tpu.dma_semaphore, #tpu.memory_space<semaphore_mem>>) src(%dma_wait3A_88 : memref<104x128xf32, #tpu.memory_space<vmem>>) dst(%dma_wait3A_84 : memref<104x128xf32, #tpu.memory_space<hbm>>)
    %dma_wait3A_89 = arith.constant 3 : i32
    %dma_wait3A_90 = arith.constant 0 : i32
    %dma_wait3A_91 = arith.constant 0 : i32
    %dma_wait3A_92 = tpu.memref_slice %arg6[%dma_wait3A_89, %dma_wait3A_90, %dma_wait3A_91] : memref<4x104x128xf32, #tpu.memory_space<vmem>> -> memref<1x104x128xf32, #tpu.memory_space<vmem>>
    %dma_wait3A_93 = tpu.memref_squeeze %dma_wait3A_92 : memref<1x104x128xf32, #tpu.memory_space<vmem>> -> memref<104x128xf32, #tpu.memory_space<vmem>>
    %dma_wait3A_94 = arith.constant 0 : i32
    %dma_wait3A_95 = arith.constant 0 : i32
    %dma_wait3A_96 = tpu.memref_slice %arg4[%dma_wait3A_94, %dma_wait3A_95] : memref<79872x128xf32, #tpu.memory_space<hbm>> -> memref<104x128xf32, #tpu.memory_space<hbm>>
    %dma_wait3A_97 = arith.constant 0 : i32
    %dma_wait3A_98 = arith.constant 0 : i32
    %dma_wait3A_99 = tpu.memref_slice %arg4[%dma_wait3A_97, %dma_wait3A_98] : memref<79872x128xf32, #tpu.memory_space<hbm>> -> memref<104x128xf32, #tpu.memory_space<hbm>>
    %dma_wait3A_100 = arith.constant 0 : i32
    %dma_wait3A_101 = arith.constant 0 : i32
    %dma_wait3A_102 = tpu.memref_slice %arg6[%dma_wait3A_89, %dma_wait3A_100, %dma_wait3A_101] : memref<4x104x128xf32, #tpu.memory_space<vmem>> -> memref<1x104x128xf32, #tpu.memory_space<vmem>>
    %dma_wait3A_103 = tpu.memref_squeeze %dma_wait3A_102 : memref<1x104x128xf32, #tpu.memory_space<vmem>> -> memref<104x128xf32, #tpu.memory_space<vmem>>
    tpu.wait_dma2 semaphore(%arg15 : memref<!tpu.dma_semaphore, #tpu.memory_space<semaphore_mem>>) src(%dma_wait3A_103 : memref<104x128xf32, #tpu.memory_space<vmem>>) dst(%dma_wait3A_99 : memref<104x128xf32, #tpu.memory_space<hbm>>)
    return
  }
}

#map = affine_map<(d0, d1) -> (0, 0)>
#map1 = affine_map<(d0, d1) -> (0, 0, 0)>
module attributes {stable_mosaic.version = 14 : i64} {
  func.func @k(%arg0: i32, %arg1: i32, %arg2: memref<131072x128xf32, #tpu.memory_space<hbm>>, %arg3: memref<32x16x104xi32, #tpu.memory_space<hbm>>, %arg4: memref<53248x128xf32, #tpu.memory_space<hbm>>, %arg5: memref<16x104xi32, #tpu.memory_space<vmem>>, %arg6: memref<4x104x128xf32, #tpu.memory_space<vmem>>, %arg7: memref<4x104xf32, #tpu.memory_space<vmem>>, %arg8: memref<!tpu.dma_semaphore, #tpu.memory_space<semaphore_mem>>, %arg9: memref<!tpu.dma_semaphore, #tpu.memory_space<semaphore_mem>>, %arg10: memref<!tpu.dma_semaphore, #tpu.memory_space<semaphore_mem>>, %arg11: memref<!tpu.dma_semaphore, #tpu.memory_space<semaphore_mem>>, %arg12: memref<!tpu.dma_semaphore, #tpu.memory_space<semaphore_mem>>, %arg13: memref<!tpu.dma_semaphore, #tpu.memory_space<semaphore_mem>>, %arg14: memref<!tpu.dma_semaphore, #tpu.memory_space<semaphore_mem>>, %arg15: memref<!tpu.dma_semaphore, #tpu.memory_space<semaphore_mem>>, %arg16: memref<!tpu.dma_semaphore, #tpu.memory_space<semaphore_mem>>, %arg17: memref<!tpu.dma_semaphore, #tpu.memory_space<semaphore_mem>>, %arg18: memref<!tpu.dma_semaphore, #tpu.memory_space<semaphore_mem>>, %arg19: memref<!tpu.dma_semaphore, #tpu.memory_space<semaphore_mem>>) attributes {dimension_semantics = [#tpu.dimension_semantics<core_parallel>, #tpu.dimension_semantics<subcore_parallel>], iteration_bounds = array<i64: 2, 16>, scalar_prefetch = 0 : i64, scratch_operands = 15 : i64, tpu.core_type = #tpu.core_type<sc_vector_subcore>, window_params = [{transform_indices = #map}, {transform_indices = #map1}, {transform_indices = #map}]} {
    %mul3A = arith.constant 2 : i32
    %mul3A_0 = arith.muli %arg1, %mul3A : i32
    %add3A = arith.addi %mul3A_0, %arg0 : i32
    %mul3A_1 = arith.constant 16 : i32
    %mul3A_2 = arith.muli %add3A, %mul3A_1 : i32
    %mul3A_3 = arith.constant 104 : i32
    %mul3A_4 = arith.muli %mul3A_2, %mul3A_3 : i32
    "tpu.region"() ({
      %run_scoped3A = tpu.sem_alloc : memref<!tpu.dma_semaphore, #tpu.memory_space<semaphore_mem>>
      %dma_start3A_104 = arith.constant 0 : i32
      %dma_start3A_105 = arith.constant 0 : i32
      %dma_start3A_106 = tpu.memref_slice %arg3[%add3A, %dma_start3A_104, %dma_start3A_105] : memref<32x16x104xi32, #tpu.memory_space<hbm>> -> memref<1x16x104xi32, #tpu.memory_space<hbm>>
      %dma_start3A_107 = tpu.memref_squeeze %dma_start3A_106 : memref<1x16x104xi32, #tpu.memory_space<hbm>> -> memref<16x104xi32, #tpu.memory_space<hbm>>
      %dma_start3A_108 = arith.constant 0 : i32
      %dma_start3A_109 = arith.constant 0 : i32
      %dma_start3A_110 = tpu.memref_slice %arg3[%add3A, %dma_start3A_108, %dma_start3A_109] : memref<32x16x104xi32, #tpu.memory_space<hbm>> -> memref<1x16x104xi32, #tpu.memory_space<hbm>>
      %dma_start3A_111 = tpu.memref_squeeze %dma_start3A_110 : memref<1x16x104xi32, #tpu.memory_space<hbm>> -> memref<16x104xi32, #tpu.memory_space<hbm>>
      tpu.enqueue_dma source(%dma_start3A_111 : memref<16x104xi32, #tpu.memory_space<hbm>>) target(%arg5 : memref<16x104xi32, #tpu.memory_space<vmem>>) target_semaphore(%run_scoped3A : memref<!tpu.dma_semaphore, #tpu.memory_space<semaphore_mem>>)
      %dma_wait3A_112 = arith.constant 0 : i32
      %dma_wait3A_113 = arith.constant 0 : i32
      %dma_wait3A_114 = tpu.memref_slice %arg3[%add3A, %dma_wait3A_112, %dma_wait3A_113] : memref<32x16x104xi32, #tpu.memory_space<hbm>> -> memref<1x16x104xi32, #tpu.memory_space<hbm>>
      %dma_wait3A_115 = tpu.memref_squeeze %dma_wait3A_114 : memref<1x16x104xi32, #tpu.memory_space<hbm>> -> memref<16x104xi32, #tpu.memory_space<hbm>>
      %dma_wait3A_116 = arith.constant 0 : i32
      %dma_wait3A_117 = arith.constant 0 : i32
      %dma_wait3A_118 = tpu.memref_slice %arg3[%add3A, %dma_wait3A_116, %dma_wait3A_117] : memref<32x16x104xi32, #tpu.memory_space<hbm>> -> memref<1x16x104xi32, #tpu.memory_space<hbm>>
      %dma_wait3A_119 = tpu.memref_squeeze %dma_wait3A_118 : memref<1x16x104xi32, #tpu.memory_space<hbm>> -> memref<16x104xi32, #tpu.memory_space<hbm>>
      tpu.wait_dma2 semaphore(%run_scoped3A : memref<!tpu.dma_semaphore, #tpu.memory_space<semaphore_mem>>) src(%dma_wait3A_119 : memref<16x104xi32, #tpu.memory_space<hbm>>) dst(%arg5 : memref<16x104xi32, #tpu.memory_space<vmem>>)
      tpu.yield
    }) : () -> ()
    %dma_start3A = arith.constant 0 : i32
    %dma_start3A_5 = arith.constant 0 : i32
    %dma_start3A_6 = arith.constant 0 : i32
    %dma_start3A_7 = arith.constant 0 : i32
    %dma_start3A_8 = tpu.memref_slice %arg6[%dma_start3A_5, %dma_start3A_6, %dma_start3A_7] : memref<4x104x128xf32, #tpu.memory_space<vmem>> -> memref<1x104x128xf32, #tpu.memory_space<vmem>>
    %dma_start3A_9 = tpu.memref_squeeze %dma_start3A_8 : memref<1x104x128xf32, #tpu.memory_space<vmem>> -> memref<104x128xf32, #tpu.memory_space<vmem>>
    %dma_start3A_10 = arith.constant 0 : i32
    %dma_start3A_11 = tpu.memref_slice %arg5[%dma_start3A, %dma_start3A_10] : memref<16x104xi32, #tpu.memory_space<vmem>> -> memref<1x104xi32, #tpu.memory_space<vmem>>
    %dma_start3A_12 = tpu.memref_squeeze %dma_start3A_11 : memref<1x104xi32, #tpu.memory_space<vmem>> -> memref<104xi32, #tpu.memory_space<vmem>>
    %dma_start3A_13 = arith.constant 0 : i32
    %dma_start3A_14 = arith.constant 0 : i32
    %dma_start3A_15 = tpu.memref_slice %arg2[%dma_start3A_13, %dma_start3A_14] : memref<131072x128xf32, #tpu.memory_space<hbm>> -> memref<131072x128xf32, #tpu.memory_space<hbm>>
    tpu.enqueue_indirect_dma source(%dma_start3A_15 : memref<131072x128xf32, #tpu.memory_space<hbm>>) target(%dma_start3A_9 : memref<104x128xf32, #tpu.memory_space<vmem>>) offsets(%dma_start3A_12 : memref<104xi32, #tpu.memory_space<vmem>>) semaphore(%arg8 : memref<!tpu.dma_semaphore, #tpu.memory_space<semaphore_mem>>)
    %dma_start3A_16 = arith.constant 1 : i32
    %dma_start3A_17 = arith.constant 1 : i32
    %dma_start3A_18 = arith.constant 0 : i32
    %dma_start3A_19 = arith.constant 0 : i32
    %dma_start3A_20 = tpu.memref_slice %arg6[%dma_start3A_17, %dma_start3A_18, %dma_start3A_19] : memref<4x104x128xf32, #tpu.memory_space<vmem>> -> memref<1x104x128xf32, #tpu.memory_space<vmem>>
    %dma_start3A_21 = tpu.memref_squeeze %dma_start3A_20 : memref<1x104x128xf32, #tpu.memory_space<vmem>> -> memref<104x128xf32, #tpu.memory_space<vmem>>
    %dma_start3A_22 = arith.constant 0 : i32
    %dma_start3A_23 = tpu.memref_slice %arg5[%dma_start3A_16, %dma_start3A_22] : memref<16x104xi32, #tpu.memory_space<vmem>> -> memref<1x104xi32, #tpu.memory_space<vmem>>
    %dma_start3A_24 = tpu.memref_squeeze %dma_start3A_23 : memref<1x104xi32, #tpu.memory_space<vmem>> -> memref<104xi32, #tpu.memory_space<vmem>>
    %dma_start3A_25 = arith.constant 0 : i32
    %dma_start3A_26 = arith.constant 0 : i32
    %dma_start3A_27 = tpu.memref_slice %arg2[%dma_start3A_25, %dma_start3A_26] : memref<131072x128xf32, #tpu.memory_space<hbm>> -> memref<131072x128xf32, #tpu.memory_space<hbm>>
    tpu.enqueue_indirect_dma source(%dma_start3A_27 : memref<131072x128xf32, #tpu.memory_space<hbm>>) target(%dma_start3A_21 : memref<104x128xf32, #tpu.memory_space<vmem>>) offsets(%dma_start3A_24 : memref<104xi32, #tpu.memory_space<vmem>>) semaphore(%arg9 : memref<!tpu.dma_semaphore, #tpu.memory_space<semaphore_mem>>)
    %dma_start3A_28 = arith.constant 2 : i32
    %dma_start3A_29 = arith.constant 2 : i32
    %dma_start3A_30 = arith.constant 0 : i32
    %dma_start3A_31 = arith.constant 0 : i32
    %dma_start3A_32 = tpu.memref_slice %arg6[%dma_start3A_29, %dma_start3A_30, %dma_start3A_31] : memref<4x104x128xf32, #tpu.memory_space<vmem>> -> memref<1x104x128xf32, #tpu.memory_space<vmem>>
    %dma_start3A_33 = tpu.memref_squeeze %dma_start3A_32 : memref<1x104x128xf32, #tpu.memory_space<vmem>> -> memref<104x128xf32, #tpu.memory_space<vmem>>
    %dma_start3A_34 = arith.constant 0 : i32
    %dma_start3A_35 = tpu.memref_slice %arg5[%dma_start3A_28, %dma_start3A_34] : memref<16x104xi32, #tpu.memory_space<vmem>> -> memref<1x104xi32, #tpu.memory_space<vmem>>
    %dma_start3A_36 = tpu.memref_squeeze %dma_start3A_35 : memref<1x104xi32, #tpu.memory_space<vmem>> -> memref<104xi32, #tpu.memory_space<vmem>>
    %dma_start3A_37 = arith.constant 0 : i32
    %dma_start3A_38 = arith.constant 0 : i32
    %dma_start3A_39 = tpu.memref_slice %arg2[%dma_start3A_37, %dma_start3A_38] : memref<131072x128xf32, #tpu.memory_space<hbm>> -> memref<131072x128xf32, #tpu.memory_space<hbm>>
    tpu.enqueue_indirect_dma source(%dma_start3A_39 : memref<131072x128xf32, #tpu.memory_space<hbm>>) target(%dma_start3A_33 : memref<104x128xf32, #tpu.memory_space<vmem>>) offsets(%dma_start3A_36 : memref<104xi32, #tpu.memory_space<vmem>>) semaphore(%arg10 : memref<!tpu.dma_semaphore, #tpu.memory_space<semaphore_mem>>)
    %scan3A = arith.constant 0 : i32
    %scan3A_40 = arith.constant 0 : i32
    %scan3A_41 = arith.constant 4 : i32
    %scan3A_42 = arith.addi %scan3A_40, %scan3A_41 : i32
    %scan3A_43 = arith.constant 1 : i32
    scf.for %scan3A_104 = %scan3A_40 to %scan3A_42 step %scan3A_43  : i32 {
      %mul3A_105 = arith.constant 4 : i32
      %mul3A_106 = arith.muli %scan3A_104, %mul3A_105 : i32
      %add3A_107 = arith.constant 0 : i32
      %add3A_108 = arith.addi %mul3A_106, %add3A_107 : i32
      %dma_wait3A_109 = arith.constant 0 : i32
      %dma_wait3A_110 = arith.constant 0 : i32
      %dma_wait3A_111 = arith.constant 0 : i32
      %dma_wait3A_112 = tpu.memref_slice %arg6[%dma_wait3A_109, %dma_wait3A_110, %dma_wait3A_111] : memref<4x104x128xf32, #tpu.memory_space<vmem>> -> memref<1x104x128xf32, #tpu.memory_space<vmem>>
      %dma_wait3A_113 = tpu.memref_squeeze %dma_wait3A_112 : memref<1x104x128xf32, #tpu.memory_space<vmem>> -> memref<104x128xf32, #tpu.memory_space<vmem>>
      %dma_wait3A_114 = arith.constant 0 : i32
      %dma_wait3A_115 = arith.constant 0 : i32
      %dma_wait3A_116 = tpu.memref_slice %arg2[%dma_wait3A_114, %dma_wait3A_115] : memref<131072x128xf32, #tpu.memory_space<hbm>> -> memref<104x128xf32, #tpu.memory_space<hbm>>
      %dma_wait3A_117 = arith.constant 0 : i32
      %dma_wait3A_118 = arith.constant 0 : i32
      %dma_wait3A_119 = tpu.memref_slice %arg6[%dma_wait3A_109, %dma_wait3A_117, %dma_wait3A_118] : memref<4x104x128xf32, #tpu.memory_space<vmem>> -> memref<1x104x128xf32, #tpu.memory_space<vmem>>
      %dma_wait3A_120 = tpu.memref_squeeze %dma_wait3A_119 : memref<1x104x128xf32, #tpu.memory_space<vmem>> -> memref<104x128xf32, #tpu.memory_space<vmem>>
      %dma_wait3A_121 = arith.constant 0 : i32
      %dma_wait3A_122 = arith.constant 0 : i32
      %dma_wait3A_123 = tpu.memref_slice %arg2[%dma_wait3A_121, %dma_wait3A_122] : memref<131072x128xf32, #tpu.memory_space<hbm>> -> memref<104x128xf32, #tpu.memory_space<hbm>>
      tpu.wait_dma2 semaphore(%arg8 : memref<!tpu.dma_semaphore, #tpu.memory_space<semaphore_mem>>) src(%dma_wait3A_123 : memref<104x128xf32, #tpu.memory_space<hbm>>) dst(%dma_wait3A_120 : memref<104x128xf32, #tpu.memory_space<vmem>>)
      %mul3A_124 = arith.constant 104 : i32
      %mul3A_125 = arith.muli %add3A_108, %mul3A_124 : i32
      %add3A_126 = arith.addi %mul3A_4, %mul3A_125 : i32
      %dma_start3A_127 = arith.constant 0 : i32
      %dma_start3A_128 = arith.constant 0 : i32
      %dma_start3A_129 = arith.constant 0 : i32
      %dma_start3A_130 = tpu.memref_slice %arg6[%dma_start3A_127, %dma_start3A_128, %dma_start3A_129] : memref<4x104x128xf32, #tpu.memory_space<vmem>> -> memref<1x104x128xf32, #tpu.memory_space<vmem>>
      %dma_start3A_131 = tpu.memref_squeeze %dma_start3A_130 : memref<1x104x128xf32, #tpu.memory_space<vmem>> -> memref<104x128xf32, #tpu.memory_space<vmem>>
      %dma_start3A_132 = arith.constant 0 : i32
      %dma_start3A_133 = tpu.memref_slice %arg4[%add3A_126, %dma_start3A_132] : memref<53248x128xf32, #tpu.memory_space<hbm>> -> memref<104x128xf32, #tpu.memory_space<hbm>>
      %dma_start3A_134 = arith.constant 0 : i32
      %dma_start3A_135 = tpu.memref_slice %arg4[%add3A_126, %dma_start3A_134] : memref<53248x128xf32, #tpu.memory_space<hbm>> -> memref<104x128xf32, #tpu.memory_space<hbm>>
      %dma_start3A_136 = arith.constant 0 : i32
      %dma_start3A_137 = arith.constant 0 : i32
      %dma_start3A_138 = tpu.memref_slice %arg6[%dma_start3A_127, %dma_start3A_136, %dma_start3A_137] : memref<4x104x128xf32, #tpu.memory_space<vmem>> -> memref<1x104x128xf32, #tpu.memory_space<vmem>>
      %dma_start3A_139 = tpu.memref_squeeze %dma_start3A_138 : memref<1x104x128xf32, #tpu.memory_space<vmem>> -> memref<104x128xf32, #tpu.memory_space<vmem>>
      tpu.enqueue_dma source(%dma_start3A_139 : memref<104x128xf32, #tpu.memory_space<vmem>>) target(%dma_start3A_135 : memref<104x128xf32, #tpu.memory_space<hbm>>) target_semaphore(%arg12 : memref<!tpu.dma_semaphore, #tpu.memory_space<semaphore_mem>>)
      %add3A_140 = arith.constant 3 : i32
      %add3A_141 = arith.addi %add3A_108, %add3A_140 : i32
      %lt3A = arith.constant 16 : i32
      %lt3A_142 = arith.cmpi slt, %add3A_141, %lt3A : i32
      %convert_element_type3A = arith.extui %lt3A_142 : i1 to i32
      %cond3A = arith.constant 0 : i32
      %cond3A_143 = arith.cmpi ne, %convert_element_type3A, %cond3A : i32
      scf.if %cond3A_143 {
        %ge3A = arith.constant 1 : i32
        %ge3A_270 = arith.cmpi sge, %add3A_108, %ge3A : i32
        %convert_element_type3A_271 = arith.extui %ge3A_270 : i1 to i32
        %cond3A_272 = arith.constant 0 : i32
        %cond3A_273 = arith.cmpi ne, %convert_element_type3A_271, %cond3A_272 : i32
        scf.if %cond3A_273 {
          %dma_wait3A_287 = arith.constant 3 : i32
          %dma_wait3A_288 = arith.constant 0 : i32
          %dma_wait3A_289 = arith.constant 0 : i32
          %dma_wait3A_290 = tpu.memref_slice %arg6[%dma_wait3A_287, %dma_wait3A_288, %dma_wait3A_289] : memref<4x104x128xf32, #tpu.memory_space<vmem>> -> memref<1x104x128xf32, #tpu.memory_space<vmem>>
          %dma_wait3A_291 = tpu.memref_squeeze %dma_wait3A_290 : memref<1x104x128xf32, #tpu.memory_space<vmem>> -> memref<104x128xf32, #tpu.memory_space<vmem>>
          %dma_wait3A_292 = arith.constant 0 : i32
          %dma_wait3A_293 = arith.constant 0 : i32
          %dma_wait3A_294 = tpu.memref_slice %arg4[%dma_wait3A_292, %dma_wait3A_293] : memref<53248x128xf32, #tpu.memory_space<hbm>> -> memref<104x128xf32, #tpu.memory_space<hbm>>
          %dma_wait3A_295 = arith.constant 0 : i32
          %dma_wait3A_296 = arith.constant 0 : i32
          %dma_wait3A_297 = tpu.memref_slice %arg4[%dma_wait3A_295, %dma_wait3A_296] : memref<53248x128xf32, #tpu.memory_space<hbm>> -> memref<104x128xf32, #tpu.memory_space<hbm>>
          %dma_wait3A_298 = arith.constant 0 : i32
          %dma_wait3A_299 = arith.constant 0 : i32
          %dma_wait3A_300 = tpu.memref_slice %arg6[%dma_wait3A_287, %dma_wait3A_298, %dma_wait3A_299] : memref<4x104x128xf32, #tpu.memory_space<vmem>> -> memref<1x104x128xf32, #tpu.memory_space<vmem>>
          %dma_wait3A_301 = tpu.memref_squeeze %dma_wait3A_300 : memref<1x104x128xf32, #tpu.memory_space<vmem>> -> memref<104x128xf32, #tpu.memory_space<vmem>>
          tpu.wait_dma2 semaphore(%arg15 : memref<!tpu.dma_semaphore, #tpu.memory_space<semaphore_mem>>) src(%dma_wait3A_301 : memref<104x128xf32, #tpu.memory_space<vmem>>) dst(%dma_wait3A_297 : memref<104x128xf32, #tpu.memory_space<hbm>>)
        } else {
        }
        %add3A_274 = arith.constant 3 : i32
        %add3A_275 = arith.addi %add3A_108, %add3A_274 : i32
        %dma_start3A_276 = arith.constant 3 : i32
        %dma_start3A_277 = arith.constant 0 : i32
        %dma_start3A_278 = arith.constant 0 : i32
        %dma_start3A_279 = tpu.memref_slice %arg6[%dma_start3A_276, %dma_start3A_277, %dma_start3A_278] : memref<4x104x128xf32, #tpu.memory_space<vmem>> -> memref<1x104x128xf32, #tpu.memory_space<vmem>>
        %dma_start3A_280 = tpu.memref_squeeze %dma_start3A_279 : memref<1x104x128xf32, #tpu.memory_space<vmem>> -> memref<104x128xf32, #tpu.memory_space<vmem>>
        %dma_start3A_281 = arith.constant 0 : i32
        %dma_start3A_282 = tpu.memref_slice %arg5[%add3A_275, %dma_start3A_281] : memref<16x104xi32, #tpu.memory_space<vmem>> -> memref<1x104xi32, #tpu.memory_space<vmem>>
        %dma_start3A_283 = tpu.memref_squeeze %dma_start3A_282 : memref<1x104xi32, #tpu.memory_space<vmem>> -> memref<104xi32, #tpu.memory_space<vmem>>
        %dma_start3A_284 = arith.constant 0 : i32
        %dma_start3A_285 = arith.constant 0 : i32
        %dma_start3A_286 = tpu.memref_slice %arg2[%dma_start3A_284, %dma_start3A_285] : memref<131072x128xf32, #tpu.memory_space<hbm>> -> memref<131072x128xf32, #tpu.memory_space<hbm>>
        tpu.enqueue_indirect_dma source(%dma_start3A_286 : memref<131072x128xf32, #tpu.memory_space<hbm>>) target(%dma_start3A_280 : memref<104x128xf32, #tpu.memory_space<vmem>>) offsets(%dma_start3A_283 : memref<104xi32, #tpu.memory_space<vmem>>) semaphore(%arg11 : memref<!tpu.dma_semaphore, #tpu.memory_space<semaphore_mem>>)
      } else {
      }
      %mul3A_144 = arith.constant 4 : i32
      %mul3A_145 = arith.muli %scan3A_104, %mul3A_144 : i32
      %add3A_146 = arith.constant 1 : i32
      %add3A_147 = arith.addi %mul3A_145, %add3A_146 : i32
      %dma_wait3A_148 = arith.constant 1 : i32
      %dma_wait3A_149 = arith.constant 0 : i32
      %dma_wait3A_150 = arith.constant 0 : i32
      %dma_wait3A_151 = tpu.memref_slice %arg6[%dma_wait3A_148, %dma_wait3A_149, %dma_wait3A_150] : memref<4x104x128xf32, #tpu.memory_space<vmem>> -> memref<1x104x128xf32, #tpu.memory_space<vmem>>
      %dma_wait3A_152 = tpu.memref_squeeze %dma_wait3A_151 : memref<1x104x128xf32, #tpu.memory_space<vmem>> -> memref<104x128xf32, #tpu.memory_space<vmem>>
      %dma_wait3A_153 = arith.constant 0 : i32
      %dma_wait3A_154 = arith.constant 0 : i32
      %dma_wait3A_155 = tpu.memref_slice %arg2[%dma_wait3A_153, %dma_wait3A_154] : memref<131072x128xf32, #tpu.memory_space<hbm>> -> memref<104x128xf32, #tpu.memory_space<hbm>>
      %dma_wait3A_156 = arith.constant 0 : i32
      %dma_wait3A_157 = arith.constant 0 : i32
      %dma_wait3A_158 = tpu.memref_slice %arg6[%dma_wait3A_148, %dma_wait3A_156, %dma_wait3A_157] : memref<4x104x128xf32, #tpu.memory_space<vmem>> -> memref<1x104x128xf32, #tpu.memory_space<vmem>>
      %dma_wait3A_159 = tpu.memref_squeeze %dma_wait3A_158 : memref<1x104x128xf32, #tpu.memory_space<vmem>> -> memref<104x128xf32, #tpu.memory_space<vmem>>
      %dma_wait3A_160 = arith.constant 0 : i32
      %dma_wait3A_161 = arith.constant 0 : i32
      %dma_wait3A_162 = tpu.memref_slice %arg2[%dma_wait3A_160, %dma_wait3A_161] : memref<131072x128xf32, #tpu.memory_space<hbm>> -> memref<104x128xf32, #tpu.memory_space<hbm>>
      tpu.wait_dma2 semaphore(%arg9 : memref<!tpu.dma_semaphore, #tpu.memory_space<semaphore_mem>>) src(%dma_wait3A_162 : memref<104x128xf32, #tpu.memory_space<hbm>>) dst(%dma_wait3A_159 : memref<104x128xf32, #tpu.memory_space<vmem>>)
      %mul3A_163 = arith.constant 104 : i32
      %mul3A_164 = arith.muli %add3A_147, %mul3A_163 : i32
      %add3A_165 = arith.addi %mul3A_4, %mul3A_164 : i32
      %dma_start3A_166 = arith.constant 1 : i32
      %dma_start3A_167 = arith.constant 0 : i32
      %dma_start3A_168 = arith.constant 0 : i32
      %dma_start3A_169 = tpu.memref_slice %arg6[%dma_start3A_166, %dma_start3A_167, %dma_start3A_168] : memref<4x104x128xf32, #tpu.memory_space<vmem>> -> memref<1x104x128xf32, #tpu.memory_space<vmem>>
      %dma_start3A_170 = tpu.memref_squeeze %dma_start3A_169 : memref<1x104x128xf32, #tpu.memory_space<vmem>> -> memref<104x128xf32, #tpu.memory_space<vmem>>
      %dma_start3A_171 = arith.constant 0 : i32
      %dma_start3A_172 = tpu.memref_slice %arg4[%add3A_165, %dma_start3A_171] : memref<53248x128xf32, #tpu.memory_space<hbm>> -> memref<104x128xf32, #tpu.memory_space<hbm>>
      %dma_start3A_173 = arith.constant 0 : i32
      %dma_start3A_174 = tpu.memref_slice %arg4[%add3A_165, %dma_start3A_173] : memref<53248x128xf32, #tpu.memory_space<hbm>> -> memref<104x128xf32, #tpu.memory_space<hbm>>
      %dma_start3A_175 = arith.constant 0 : i32
      %dma_start3A_176 = arith.constant 0 : i32
      %dma_start3A_177 = tpu.memref_slice %arg6[%dma_start3A_166, %dma_start3A_175, %dma_start3A_176] : memref<4x104x128xf32, #tpu.memory_space<vmem>> -> memref<1x104x128xf32, #tpu.memory_space<vmem>>
      %dma_start3A_178 = tpu.memref_squeeze %dma_start3A_177 : memref<1x104x128xf32, #tpu.memory_space<vmem>> -> memref<104x128xf32, #tpu.memory_space<vmem>>
      tpu.enqueue_dma source(%dma_start3A_178 : memref<104x128xf32, #tpu.memory_space<vmem>>) target(%dma_start3A_174 : memref<104x128xf32, #tpu.memory_space<hbm>>) target_semaphore(%arg13 : memref<!tpu.dma_semaphore, #tpu.memory_space<semaphore_mem>>)
      %add3A_179 = arith.constant 3 : i32
      %add3A_180 = arith.addi %add3A_147, %add3A_179 : i32
      %lt3A_181 = arith.constant 16 : i32
      %lt3A_182 = arith.cmpi slt, %add3A_180, %lt3A_181 : i32
      %convert_element_type3A_183 = arith.extui %lt3A_182 : i1 to i32
      %cond3A_184 = arith.constant 0 : i32
      %cond3A_185 = arith.cmpi ne, %convert_element_type3A_183, %cond3A_184 : i32
      scf.if %cond3A_185 {
        %ge3A = arith.constant 1 : i32
        %ge3A_270 = arith.cmpi sge, %add3A_147, %ge3A : i32
        %convert_element_type3A_271 = arith.extui %ge3A_270 : i1 to i32
        %cond3A_272 = arith.constant 0 : i32
        %cond3A_273 = arith.cmpi ne, %convert_element_type3A_271, %cond3A_272 : i32
        scf.if %cond3A_273 {
          %dma_wait3A_287 = arith.constant 0 : i32
          %dma_wait3A_288 = arith.constant 0 : i32
          %dma_wait3A_289 = arith.constant 0 : i32
          %dma_wait3A_290 = tpu.memref_slice %arg6[%dma_wait3A_287, %dma_wait3A_288, %dma_wait3A_289] : memref<4x104x128xf32, #tpu.memory_space<vmem>> -> memref<1x104x128xf32, #tpu.memory_space<vmem>>
          %dma_wait3A_291 = tpu.memref_squeeze %dma_wait3A_290 : memref<1x104x128xf32, #tpu.memory_space<vmem>> -> memref<104x128xf32, #tpu.memory_space<vmem>>
          %dma_wait3A_292 = arith.constant 0 : i32
          %dma_wait3A_293 = arith.constant 0 : i32
          %dma_wait3A_294 = tpu.memref_slice %arg4[%dma_wait3A_292, %dma_wait3A_293] : memref<53248x128xf32, #tpu.memory_space<hbm>> -> memref<104x128xf32, #tpu.memory_space<hbm>>
          %dma_wait3A_295 = arith.constant 0 : i32
          %dma_wait3A_296 = arith.constant 0 : i32
          %dma_wait3A_297 = tpu.memref_slice %arg4[%dma_wait3A_295, %dma_wait3A_296] : memref<53248x128xf32, #tpu.memory_space<hbm>> -> memref<104x128xf32, #tpu.memory_space<hbm>>
          %dma_wait3A_298 = arith.constant 0 : i32
          %dma_wait3A_299 = arith.constant 0 : i32
          %dma_wait3A_300 = tpu.memref_slice %arg6[%dma_wait3A_287, %dma_wait3A_298, %dma_wait3A_299] : memref<4x104x128xf32, #tpu.memory_space<vmem>> -> memref<1x104x128xf32, #tpu.memory_space<vmem>>
          %dma_wait3A_301 = tpu.memref_squeeze %dma_wait3A_300 : memref<1x104x128xf32, #tpu.memory_space<vmem>> -> memref<104x128xf32, #tpu.memory_space<vmem>>
          tpu.wait_dma2 semaphore(%arg12 : memref<!tpu.dma_semaphore, #tpu.memory_space<semaphore_mem>>) src(%dma_wait3A_301 : memref<104x128xf32, #tpu.memory_space<vmem>>) dst(%dma_wait3A_297 : memref<104x128xf32, #tpu.memory_space<hbm>>)
        } else {
        }
        %add3A_274 = arith.constant 3 : i32
        %add3A_275 = arith.addi %add3A_147, %add3A_274 : i32
        %dma_start3A_276 = arith.constant 0 : i32
        %dma_start3A_277 = arith.constant 0 : i32
        %dma_start3A_278 = arith.constant 0 : i32
        %dma_start3A_279 = tpu.memref_slice %arg6[%dma_start3A_276, %dma_start3A_277, %dma_start3A_278] : memref<4x104x128xf32, #tpu.memory_space<vmem>> -> memref<1x104x128xf32, #tpu.memory_space<vmem>>
        %dma_start3A_280 = tpu.memref_squeeze %dma_start3A_279 : memref<1x104x128xf32, #tpu.memory_space<vmem>> -> memref<104x128xf32, #tpu.memory_space<vmem>>
        %dma_start3A_281 = arith.constant 0 : i32
        %dma_start3A_282 = tpu.memref_slice %arg5[%add3A_275, %dma_start3A_281] : memref<16x104xi32, #tpu.memory_space<vmem>> -> memref<1x104xi32, #tpu.memory_space<vmem>>
        %dma_start3A_283 = tpu.memref_squeeze %dma_start3A_282 : memref<1x104xi32, #tpu.memory_space<vmem>> -> memref<104xi32, #tpu.memory_space<vmem>>
        %dma_start3A_284 = arith.constant 0 : i32
        %dma_start3A_285 = arith.constant 0 : i32
        %dma_start3A_286 = tpu.memref_slice %arg2[%dma_start3A_284, %dma_start3A_285] : memref<131072x128xf32, #tpu.memory_space<hbm>> -> memref<131072x128xf32, #tpu.memory_space<hbm>>
        tpu.enqueue_indirect_dma source(%dma_start3A_286 : memref<131072x128xf32, #tpu.memory_space<hbm>>) target(%dma_start3A_280 : memref<104x128xf32, #tpu.memory_space<vmem>>) offsets(%dma_start3A_283 : memref<104xi32, #tpu.memory_space<vmem>>) semaphore(%arg8 : memref<!tpu.dma_semaphore, #tpu.memory_space<semaphore_mem>>)
      } else {
      }
      %mul3A_186 = arith.constant 4 : i32
      %mul3A_187 = arith.muli %scan3A_104, %mul3A_186 : i32
      %add3A_188 = arith.constant 2 : i32
      %add3A_189 = arith.addi %mul3A_187, %add3A_188 : i32
      %dma_wait3A_190 = arith.constant 2 : i32
      %dma_wait3A_191 = arith.constant 0 : i32
      %dma_wait3A_192 = arith.constant 0 : i32
      %dma_wait3A_193 = tpu.memref_slice %arg6[%dma_wait3A_190, %dma_wait3A_191, %dma_wait3A_192] : memref<4x104x128xf32, #tpu.memory_space<vmem>> -> memref<1x104x128xf32, #tpu.memory_space<vmem>>
      %dma_wait3A_194 = tpu.memref_squeeze %dma_wait3A_193 : memref<1x104x128xf32, #tpu.memory_space<vmem>> -> memref<104x128xf32, #tpu.memory_space<vmem>>
      %dma_wait3A_195 = arith.constant 0 : i32
      %dma_wait3A_196 = arith.constant 0 : i32
      %dma_wait3A_197 = tpu.memref_slice %arg2[%dma_wait3A_195, %dma_wait3A_196] : memref<131072x128xf32, #tpu.memory_space<hbm>> -> memref<104x128xf32, #tpu.memory_space<hbm>>
      %dma_wait3A_198 = arith.constant 0 : i32
      %dma_wait3A_199 = arith.constant 0 : i32
      %dma_wait3A_200 = tpu.memref_slice %arg6[%dma_wait3A_190, %dma_wait3A_198, %dma_wait3A_199] : memref<4x104x128xf32, #tpu.memory_space<vmem>> -> memref<1x104x128xf32, #tpu.memory_space<vmem>>
      %dma_wait3A_201 = tpu.memref_squeeze %dma_wait3A_200 : memref<1x104x128xf32, #tpu.memory_space<vmem>> -> memref<104x128xf32, #tpu.memory_space<vmem>>
      %dma_wait3A_202 = arith.constant 0 : i32
      %dma_wait3A_203 = arith.constant 0 : i32
      %dma_wait3A_204 = tpu.memref_slice %arg2[%dma_wait3A_202, %dma_wait3A_203] : memref<131072x128xf32, #tpu.memory_space<hbm>> -> memref<104x128xf32, #tpu.memory_space<hbm>>
      tpu.wait_dma2 semaphore(%arg10 : memref<!tpu.dma_semaphore, #tpu.memory_space<semaphore_mem>>) src(%dma_wait3A_204 : memref<104x128xf32, #tpu.memory_space<hbm>>) dst(%dma_wait3A_201 : memref<104x128xf32, #tpu.memory_space<vmem>>)
      %mul3A_205 = arith.constant 104 : i32
      %mul3A_206 = arith.muli %add3A_189, %mul3A_205 : i32
      %add3A_207 = arith.addi %mul3A_4, %mul3A_206 : i32
      %dma_start3A_208 = arith.constant 2 : i32
      %dma_start3A_209 = arith.constant 0 : i32
      %dma_start3A_210 = arith.constant 0 : i32
      %dma_start3A_211 = tpu.memref_slice %arg6[%dma_start3A_208, %dma_start3A_209, %dma_start3A_210] : memref<4x104x128xf32, #tpu.memory_space<vmem>> -> memref<1x104x128xf32, #tpu.memory_space<vmem>>
      %dma_start3A_212 = tpu.memref_squeeze %dma_start3A_211 : memref<1x104x128xf32, #tpu.memory_space<vmem>> -> memref<104x128xf32, #tpu.memory_space<vmem>>
      %dma_start3A_213 = arith.constant 0 : i32
      %dma_start3A_214 = tpu.memref_slice %arg4[%add3A_207, %dma_start3A_213] : memref<53248x128xf32, #tpu.memory_space<hbm>> -> memref<104x128xf32, #tpu.memory_space<hbm>>
      %dma_start3A_215 = arith.constant 0 : i32
      %dma_start3A_216 = tpu.memref_slice %arg4[%add3A_207, %dma_start3A_215] : memref<53248x128xf32, #tpu.memory_space<hbm>> -> memref<104x128xf32, #tpu.memory_space<hbm>>
      %dma_start3A_217 = arith.constant 0 : i32
      %dma_start3A_218 = arith.constant 0 : i32
      %dma_start3A_219 = tpu.memref_slice %arg6[%dma_start3A_208, %dma_start3A_217, %dma_start3A_218] : memref<4x104x128xf32, #tpu.memory_space<vmem>> -> memref<1x104x128xf32, #tpu.memory_space<vmem>>
      %dma_start3A_220 = tpu.memref_squeeze %dma_start3A_219 : memref<1x104x128xf32, #tpu.memory_space<vmem>> -> memref<104x128xf32, #tpu.memory_space<vmem>>
      tpu.enqueue_dma source(%dma_start3A_220 : memref<104x128xf32, #tpu.memory_space<vmem>>) target(%dma_start3A_216 : memref<104x128xf32, #tpu.memory_space<hbm>>) target_semaphore(%arg14 : memref<!tpu.dma_semaphore, #tpu.memory_space<semaphore_mem>>)
      %add3A_221 = arith.constant 3 : i32
      %add3A_222 = arith.addi %add3A_189, %add3A_221 : i32
      %lt3A_223 = arith.constant 16 : i32
      %lt3A_224 = arith.cmpi slt, %add3A_222, %lt3A_223 : i32
      %convert_element_type3A_225 = arith.extui %lt3A_224 : i1 to i32
      %cond3A_226 = arith.constant 0 : i32
      %cond3A_227 = arith.cmpi ne, %convert_element_type3A_225, %cond3A_226 : i32
      scf.if %cond3A_227 {
        %ge3A = arith.constant 1 : i32
        %ge3A_270 = arith.cmpi sge, %add3A_189, %ge3A : i32
        %convert_element_type3A_271 = arith.extui %ge3A_270 : i1 to i32
        %cond3A_272 = arith.constant 0 : i32
        %cond3A_273 = arith.cmpi ne, %convert_element_type3A_271, %cond3A_272 : i32
        scf.if %cond3A_273 {
          %dma_wait3A_287 = arith.constant 1 : i32
          %dma_wait3A_288 = arith.constant 0 : i32
          %dma_wait3A_289 = arith.constant 0 : i32
          %dma_wait3A_290 = tpu.memref_slice %arg6[%dma_wait3A_287, %dma_wait3A_288, %dma_wait3A_289] : memref<4x104x128xf32, #tpu.memory_space<vmem>> -> memref<1x104x128xf32, #tpu.memory_space<vmem>>
          %dma_wait3A_291 = tpu.memref_squeeze %dma_wait3A_290 : memref<1x104x128xf32, #tpu.memory_space<vmem>> -> memref<104x128xf32, #tpu.memory_space<vmem>>
          %dma_wait3A_292 = arith.constant 0 : i32
          %dma_wait3A_293 = arith.constant 0 : i32
          %dma_wait3A_294 = tpu.memref_slice %arg4[%dma_wait3A_292, %dma_wait3A_293] : memref<53248x128xf32, #tpu.memory_space<hbm>> -> memref<104x128xf32, #tpu.memory_space<hbm>>
          %dma_wait3A_295 = arith.constant 0 : i32
          %dma_wait3A_296 = arith.constant 0 : i32
          %dma_wait3A_297 = tpu.memref_slice %arg4[%dma_wait3A_295, %dma_wait3A_296] : memref<53248x128xf32, #tpu.memory_space<hbm>> -> memref<104x128xf32, #tpu.memory_space<hbm>>
          %dma_wait3A_298 = arith.constant 0 : i32
          %dma_wait3A_299 = arith.constant 0 : i32
          %dma_wait3A_300 = tpu.memref_slice %arg6[%dma_wait3A_287, %dma_wait3A_298, %dma_wait3A_299] : memref<4x104x128xf32, #tpu.memory_space<vmem>> -> memref<1x104x128xf32, #tpu.memory_space<vmem>>
          %dma_wait3A_301 = tpu.memref_squeeze %dma_wait3A_300 : memref<1x104x128xf32, #tpu.memory_space<vmem>> -> memref<104x128xf32, #tpu.memory_space<vmem>>
          tpu.wait_dma2 semaphore(%arg13 : memref<!tpu.dma_semaphore, #tpu.memory_space<semaphore_mem>>) src(%dma_wait3A_301 : memref<104x128xf32, #tpu.memory_space<vmem>>) dst(%dma_wait3A_297 : memref<104x128xf32, #tpu.memory_space<hbm>>)
        } else {
        }
        %add3A_274 = arith.constant 3 : i32
        %add3A_275 = arith.addi %add3A_189, %add3A_274 : i32
        %dma_start3A_276 = arith.constant 1 : i32
        %dma_start3A_277 = arith.constant 0 : i32
        %dma_start3A_278 = arith.constant 0 : i32
        %dma_start3A_279 = tpu.memref_slice %arg6[%dma_start3A_276, %dma_start3A_277, %dma_start3A_278] : memref<4x104x128xf32, #tpu.memory_space<vmem>> -> memref<1x104x128xf32, #tpu.memory_space<vmem>>
        %dma_start3A_280 = tpu.memref_squeeze %dma_start3A_279 : memref<1x104x128xf32, #tpu.memory_space<vmem>> -> memref<104x128xf32, #tpu.memory_space<vmem>>
        %dma_start3A_281 = arith.constant 0 : i32
        %dma_start3A_282 = tpu.memref_slice %arg5[%add3A_275, %dma_start3A_281] : memref<16x104xi32, #tpu.memory_space<vmem>> -> memref<1x104xi32, #tpu.memory_space<vmem>>
        %dma_start3A_283 = tpu.memref_squeeze %dma_start3A_282 : memref<1x104xi32, #tpu.memory_space<vmem>> -> memref<104xi32, #tpu.memory_space<vmem>>
        %dma_start3A_284 = arith.constant 0 : i32
        %dma_start3A_285 = arith.constant 0 : i32
        %dma_start3A_286 = tpu.memref_slice %arg2[%dma_start3A_284, %dma_start3A_285] : memref<131072x128xf32, #tpu.memory_space<hbm>> -> memref<131072x128xf32, #tpu.memory_space<hbm>>
        tpu.enqueue_indirect_dma source(%dma_start3A_286 : memref<131072x128xf32, #tpu.memory_space<hbm>>) target(%dma_start3A_280 : memref<104x128xf32, #tpu.memory_space<vmem>>) offsets(%dma_start3A_283 : memref<104xi32, #tpu.memory_space<vmem>>) semaphore(%arg9 : memref<!tpu.dma_semaphore, #tpu.memory_space<semaphore_mem>>)
      } else {
      }
      %mul3A_228 = arith.constant 4 : i32
      %mul3A_229 = arith.muli %scan3A_104, %mul3A_228 : i32
      %add3A_230 = arith.constant 3 : i32
      %add3A_231 = arith.addi %mul3A_229, %add3A_230 : i32
      %dma_wait3A_232 = arith.constant 3 : i32
      %dma_wait3A_233 = arith.constant 0 : i32
      %dma_wait3A_234 = arith.constant 0 : i32
      %dma_wait3A_235 = tpu.memref_slice %arg6[%dma_wait3A_232, %dma_wait3A_233, %dma_wait3A_234] : memref<4x104x128xf32, #tpu.memory_space<vmem>> -> memref<1x104x128xf32, #tpu.memory_space<vmem>>
      %dma_wait3A_236 = tpu.memref_squeeze %dma_wait3A_235 : memref<1x104x128xf32, #tpu.memory_space<vmem>> -> memref<104x128xf32, #tpu.memory_space<vmem>>
      %dma_wait3A_237 = arith.constant 0 : i32
      %dma_wait3A_238 = arith.constant 0 : i32
      %dma_wait3A_239 = tpu.memref_slice %arg2[%dma_wait3A_237, %dma_wait3A_238] : memref<131072x128xf32, #tpu.memory_space<hbm>> -> memref<104x128xf32, #tpu.memory_space<hbm>>
      %dma_wait3A_240 = arith.constant 0 : i32
      %dma_wait3A_241 = arith.constant 0 : i32
      %dma_wait3A_242 = tpu.memref_slice %arg6[%dma_wait3A_232, %dma_wait3A_240, %dma_wait3A_241] : memref<4x104x128xf32, #tpu.memory_space<vmem>> -> memref<1x104x128xf32, #tpu.memory_space<vmem>>
      %dma_wait3A_243 = tpu.memref_squeeze %dma_wait3A_242 : memref<1x104x128xf32, #tpu.memory_space<vmem>> -> memref<104x128xf32, #tpu.memory_space<vmem>>
      %dma_wait3A_244 = arith.constant 0 : i32
      %dma_wait3A_245 = arith.constant 0 : i32
      %dma_wait3A_246 = tpu.memref_slice %arg2[%dma_wait3A_244, %dma_wait3A_245] : memref<131072x128xf32, #tpu.memory_space<hbm>> -> memref<104x128xf32, #tpu.memory_space<hbm>>
      tpu.wait_dma2 semaphore(%arg11 : memref<!tpu.dma_semaphore, #tpu.memory_space<semaphore_mem>>) src(%dma_wait3A_246 : memref<104x128xf32, #tpu.memory_space<hbm>>) dst(%dma_wait3A_243 : memref<104x128xf32, #tpu.memory_space<vmem>>)
      %mul3A_247 = arith.constant 104 : i32
      %mul3A_248 = arith.muli %add3A_231, %mul3A_247 : i32
      %add3A_249 = arith.addi %mul3A_4, %mul3A_248 : i32
      %dma_start3A_250 = arith.constant 3 : i32
      %dma_start3A_251 = arith.constant 0 : i32
      %dma_start3A_252 = arith.constant 0 : i32
      %dma_start3A_253 = tpu.memref_slice %arg6[%dma_start3A_250, %dma_start3A_251, %dma_start3A_252] : memref<4x104x128xf32, #tpu.memory_space<vmem>> -> memref<1x104x128xf32, #tpu.memory_space<vmem>>
      %dma_start3A_254 = tpu.memref_squeeze %dma_start3A_253 : memref<1x104x128xf32, #tpu.memory_space<vmem>> -> memref<104x128xf32, #tpu.memory_space<vmem>>
      %dma_start3A_255 = arith.constant 0 : i32
      %dma_start3A_256 = tpu.memref_slice %arg4[%add3A_249, %dma_start3A_255] : memref<53248x128xf32, #tpu.memory_space<hbm>> -> memref<104x128xf32, #tpu.memory_space<hbm>>
      %dma_start3A_257 = arith.constant 0 : i32
      %dma_start3A_258 = tpu.memref_slice %arg4[%add3A_249, %dma_start3A_257] : memref<53248x128xf32, #tpu.memory_space<hbm>> -> memref<104x128xf32, #tpu.memory_space<hbm>>
      %dma_start3A_259 = arith.constant 0 : i32
      %dma_start3A_260 = arith.constant 0 : i32
      %dma_start3A_261 = tpu.memref_slice %arg6[%dma_start3A_250, %dma_start3A_259, %dma_start3A_260] : memref<4x104x128xf32, #tpu.memory_space<vmem>> -> memref<1x104x128xf32, #tpu.memory_space<vmem>>
      %dma_start3A_262 = tpu.memref_squeeze %dma_start3A_261 : memref<1x104x128xf32, #tpu.memory_space<vmem>> -> memref<104x128xf32, #tpu.memory_space<vmem>>
      tpu.enqueue_dma source(%dma_start3A_262 : memref<104x128xf32, #tpu.memory_space<vmem>>) target(%dma_start3A_258 : memref<104x128xf32, #tpu.memory_space<hbm>>) target_semaphore(%arg15 : memref<!tpu.dma_semaphore, #tpu.memory_space<semaphore_mem>>)
      %add3A_263 = arith.constant 3 : i32
      %add3A_264 = arith.addi %add3A_231, %add3A_263 : i32
      %lt3A_265 = arith.constant 16 : i32
      %lt3A_266 = arith.cmpi slt, %add3A_264, %lt3A_265 : i32
      %convert_element_type3A_267 = arith.extui %lt3A_266 : i1 to i32
      %cond3A_268 = arith.constant 0 : i32
      %cond3A_269 = arith.cmpi ne, %convert_element_type3A_267, %cond3A_268 : i32
      scf.if %cond3A_269 {
        %ge3A = arith.constant 1 : i32
        %ge3A_270 = arith.cmpi sge, %add3A_231, %ge3A : i32
        %convert_element_type3A_271 = arith.extui %ge3A_270 : i1 to i32
        %cond3A_272 = arith.constant 0 : i32
        %cond3A_273 = arith.cmpi ne, %convert_element_type3A_271, %cond3A_272 : i32
        scf.if %cond3A_273 {
          %dma_wait3A_287 = arith.constant 2 : i32
          %dma_wait3A_288 = arith.constant 0 : i32
          %dma_wait3A_289 = arith.constant 0 : i32
          %dma_wait3A_290 = tpu.memref_slice %arg6[%dma_wait3A_287, %dma_wait3A_288, %dma_wait3A_289] : memref<4x104x128xf32, #tpu.memory_space<vmem>> -> memref<1x104x128xf32, #tpu.memory_space<vmem>>
          %dma_wait3A_291 = tpu.memref_squeeze %dma_wait3A_290 : memref<1x104x128xf32, #tpu.memory_space<vmem>> -> memref<104x128xf32, #tpu.memory_space<vmem>>
          %dma_wait3A_292 = arith.constant 0 : i32
          %dma_wait3A_293 = arith.constant 0 : i32
          %dma_wait3A_294 = tpu.memref_slice %arg4[%dma_wait3A_292, %dma_wait3A_293] : memref<53248x128xf32, #tpu.memory_space<hbm>> -> memref<104x128xf32, #tpu.memory_space<hbm>>
          %dma_wait3A_295 = arith.constant 0 : i32
          %dma_wait3A_296 = arith.constant 0 : i32
          %dma_wait3A_297 = tpu.memref_slice %arg4[%dma_wait3A_295, %dma_wait3A_296] : memref<53248x128xf32, #tpu.memory_space<hbm>> -> memref<104x128xf32, #tpu.memory_space<hbm>>
          %dma_wait3A_298 = arith.constant 0 : i32
          %dma_wait3A_299 = arith.constant 0 : i32
          %dma_wait3A_300 = tpu.memref_slice %arg6[%dma_wait3A_287, %dma_wait3A_298, %dma_wait3A_299] : memref<4x104x128xf32, #tpu.memory_space<vmem>> -> memref<1x104x128xf32, #tpu.memory_space<vmem>>
          %dma_wait3A_301 = tpu.memref_squeeze %dma_wait3A_300 : memref<1x104x128xf32, #tpu.memory_space<vmem>> -> memref<104x128xf32, #tpu.memory_space<vmem>>
          tpu.wait_dma2 semaphore(%arg14 : memref<!tpu.dma_semaphore, #tpu.memory_space<semaphore_mem>>) src(%dma_wait3A_301 : memref<104x128xf32, #tpu.memory_space<vmem>>) dst(%dma_wait3A_297 : memref<104x128xf32, #tpu.memory_space<hbm>>)
        } else {
        }
        %add3A_274 = arith.constant 3 : i32
        %add3A_275 = arith.addi %add3A_231, %add3A_274 : i32
        %dma_start3A_276 = arith.constant 2 : i32
        %dma_start3A_277 = arith.constant 0 : i32
        %dma_start3A_278 = arith.constant 0 : i32
        %dma_start3A_279 = tpu.memref_slice %arg6[%dma_start3A_276, %dma_start3A_277, %dma_start3A_278] : memref<4x104x128xf32, #tpu.memory_space<vmem>> -> memref<1x104x128xf32, #tpu.memory_space<vmem>>
        %dma_start3A_280 = tpu.memref_squeeze %dma_start3A_279 : memref<1x104x128xf32, #tpu.memory_space<vmem>> -> memref<104x128xf32, #tpu.memory_space<vmem>>
        %dma_start3A_281 = arith.constant 0 : i32
        %dma_start3A_282 = tpu.memref_slice %arg5[%add3A_275, %dma_start3A_281] : memref<16x104xi32, #tpu.memory_space<vmem>> -> memref<1x104xi32, #tpu.memory_space<vmem>>
        %dma_start3A_283 = tpu.memref_squeeze %dma_start3A_282 : memref<1x104xi32, #tpu.memory_space<vmem>> -> memref<104xi32, #tpu.memory_space<vmem>>
        %dma_start3A_284 = arith.constant 0 : i32
        %dma_start3A_285 = arith.constant 0 : i32
        %dma_start3A_286 = tpu.memref_slice %arg2[%dma_start3A_284, %dma_start3A_285] : memref<131072x128xf32, #tpu.memory_space<hbm>> -> memref<131072x128xf32, #tpu.memory_space<hbm>>
        tpu.enqueue_indirect_dma source(%dma_start3A_286 : memref<131072x128xf32, #tpu.memory_space<hbm>>) target(%dma_start3A_280 : memref<104x128xf32, #tpu.memory_space<vmem>>) offsets(%dma_start3A_283 : memref<104xi32, #tpu.memory_space<vmem>>) semaphore(%arg10 : memref<!tpu.dma_semaphore, #tpu.memory_space<semaphore_mem>>)
      } else {
      }
    }
    %scan3A_44 = arith.constant 4 : i32
    %dma_wait3A = arith.constant 0 : i32
    %dma_wait3A_45 = arith.constant 0 : i32
    %dma_wait3A_46 = arith.constant 0 : i32
    %dma_wait3A_47 = tpu.memref_slice %arg6[%dma_wait3A, %dma_wait3A_45, %dma_wait3A_46] : memref<4x104x128xf32, #tpu.memory_space<vmem>> -> memref<1x104x128xf32, #tpu.memory_space<vmem>>
    %dma_wait3A_48 = tpu.memref_squeeze %dma_wait3A_47 : memref<1x104x128xf32, #tpu.memory_space<vmem>> -> memref<104x128xf32, #tpu.memory_space<vmem>>
    %dma_wait3A_49 = arith.constant 0 : i32
    %dma_wait3A_50 = arith.constant 0 : i32
    %dma_wait3A_51 = tpu.memref_slice %arg4[%dma_wait3A_49, %dma_wait3A_50] : memref<53248x128xf32, #tpu.memory_space<hbm>> -> memref<104x128xf32, #tpu.memory_space<hbm>>
    %dma_wait3A_52 = arith.constant 0 : i32
    %dma_wait3A_53 = arith.constant 0 : i32
    %dma_wait3A_54 = tpu.memref_slice %arg4[%dma_wait3A_52, %dma_wait3A_53] : memref<53248x128xf32, #tpu.memory_space<hbm>> -> memref<104x128xf32, #tpu.memory_space<hbm>>
    %dma_wait3A_55 = arith.constant 0 : i32
    %dma_wait3A_56 = arith.constant 0 : i32
    %dma_wait3A_57 = tpu.memref_slice %arg6[%dma_wait3A, %dma_wait3A_55, %dma_wait3A_56] : memref<4x104x128xf32, #tpu.memory_space<vmem>> -> memref<1x104x128xf32, #tpu.memory_space<vmem>>
    %dma_wait3A_58 = tpu.memref_squeeze %dma_wait3A_57 : memref<1x104x128xf32, #tpu.memory_space<vmem>> -> memref<104x128xf32, #tpu.memory_space<vmem>>
    tpu.wait_dma2 semaphore(%arg12 : memref<!tpu.dma_semaphore, #tpu.memory_space<semaphore_mem>>) src(%dma_wait3A_58 : memref<104x128xf32, #tpu.memory_space<vmem>>) dst(%dma_wait3A_54 : memref<104x128xf32, #tpu.memory_space<hbm>>)
    %dma_wait3A_59 = arith.constant 1 : i32
    %dma_wait3A_60 = arith.constant 0 : i32
    %dma_wait3A_61 = arith.constant 0 : i32
    %dma_wait3A_62 = tpu.memref_slice %arg6[%dma_wait3A_59, %dma_wait3A_60, %dma_wait3A_61] : memref<4x104x128xf32, #tpu.memory_space<vmem>> -> memref<1x104x128xf32, #tpu.memory_space<vmem>>
    %dma_wait3A_63 = tpu.memref_squeeze %dma_wait3A_62 : memref<1x104x128xf32, #tpu.memory_space<vmem>> -> memref<104x128xf32, #tpu.memory_space<vmem>>
    %dma_wait3A_64 = arith.constant 0 : i32
    %dma_wait3A_65 = arith.constant 0 : i32
    %dma_wait3A_66 = tpu.memref_slice %arg4[%dma_wait3A_64, %dma_wait3A_65] : memref<53248x128xf32, #tpu.memory_space<hbm>> -> memref<104x128xf32, #tpu.memory_space<hbm>>
    %dma_wait3A_67 = arith.constant 0 : i32
    %dma_wait3A_68 = arith.constant 0 : i32
    %dma_wait3A_69 = tpu.memref_slice %arg4[%dma_wait3A_67, %dma_wait3A_68] : memref<53248x128xf32, #tpu.memory_space<hbm>> -> memref<104x128xf32, #tpu.memory_space<hbm>>
    %dma_wait3A_70 = arith.constant 0 : i32
    %dma_wait3A_71 = arith.constant 0 : i32
    %dma_wait3A_72 = tpu.memref_slice %arg6[%dma_wait3A_59, %dma_wait3A_70, %dma_wait3A_71] : memref<4x104x128xf32, #tpu.memory_space<vmem>> -> memref<1x104x128xf32, #tpu.memory_space<vmem>>
    %dma_wait3A_73 = tpu.memref_squeeze %dma_wait3A_72 : memref<1x104x128xf32, #tpu.memory_space<vmem>> -> memref<104x128xf32, #tpu.memory_space<vmem>>
    tpu.wait_dma2 semaphore(%arg13 : memref<!tpu.dma_semaphore, #tpu.memory_space<semaphore_mem>>) src(%dma_wait3A_73 : memref<104x128xf32, #tpu.memory_space<vmem>>) dst(%dma_wait3A_69 : memref<104x128xf32, #tpu.memory_space<hbm>>)
    %dma_wait3A_74 = arith.constant 2 : i32
    %dma_wait3A_75 = arith.constant 0 : i32
    %dma_wait3A_76 = arith.constant 0 : i32
    %dma_wait3A_77 = tpu.memref_slice %arg6[%dma_wait3A_74, %dma_wait3A_75, %dma_wait3A_76] : memref<4x104x128xf32, #tpu.memory_space<vmem>> -> memref<1x104x128xf32, #tpu.memory_space<vmem>>
    %dma_wait3A_78 = tpu.memref_squeeze %dma_wait3A_77 : memref<1x104x128xf32, #tpu.memory_space<vmem>> -> memref<104x128xf32, #tpu.memory_space<vmem>>
    %dma_wait3A_79 = arith.constant 0 : i32
    %dma_wait3A_80 = arith.constant 0 : i32
    %dma_wait3A_81 = tpu.memref_slice %arg4[%dma_wait3A_79, %dma_wait3A_80] : memref<53248x128xf32, #tpu.memory_space<hbm>> -> memref<104x128xf32, #tpu.memory_space<hbm>>
    %dma_wait3A_82 = arith.constant 0 : i32
    %dma_wait3A_83 = arith.constant 0 : i32
    %dma_wait3A_84 = tpu.memref_slice %arg4[%dma_wait3A_82, %dma_wait3A_83] : memref<53248x128xf32, #tpu.memory_space<hbm>> -> memref<104x128xf32, #tpu.memory_space<hbm>>
    %dma_wait3A_85 = arith.constant 0 : i32
    %dma_wait3A_86 = arith.constant 0 : i32
    %dma_wait3A_87 = tpu.memref_slice %arg6[%dma_wait3A_74, %dma_wait3A_85, %dma_wait3A_86] : memref<4x104x128xf32, #tpu.memory_space<vmem>> -> memref<1x104x128xf32, #tpu.memory_space<vmem>>
    %dma_wait3A_88 = tpu.memref_squeeze %dma_wait3A_87 : memref<1x104x128xf32, #tpu.memory_space<vmem>> -> memref<104x128xf32, #tpu.memory_space<vmem>>
    tpu.wait_dma2 semaphore(%arg14 : memref<!tpu.dma_semaphore, #tpu.memory_space<semaphore_mem>>) src(%dma_wait3A_88 : memref<104x128xf32, #tpu.memory_space<vmem>>) dst(%dma_wait3A_84 : memref<104x128xf32, #tpu.memory_space<hbm>>)
    %dma_wait3A_89 = arith.constant 3 : i32
    %dma_wait3A_90 = arith.constant 0 : i32
    %dma_wait3A_91 = arith.constant 0 : i32
    %dma_wait3A_92 = tpu.memref_slice %arg6[%dma_wait3A_89, %dma_wait3A_90, %dma_wait3A_91] : memref<4x104x128xf32, #tpu.memory_space<vmem>> -> memref<1x104x128xf32, #tpu.memory_space<vmem>>
    %dma_wait3A_93 = tpu.memref_squeeze %dma_wait3A_92 : memref<1x104x128xf32, #tpu.memory_space<vmem>> -> memref<104x128xf32, #tpu.memory_space<vmem>>
    %dma_wait3A_94 = arith.constant 0 : i32
    %dma_wait3A_95 = arith.constant 0 : i32
    %dma_wait3A_96 = tpu.memref_slice %arg4[%dma_wait3A_94, %dma_wait3A_95] : memref<53248x128xf32, #tpu.memory_space<hbm>> -> memref<104x128xf32, #tpu.memory_space<hbm>>
    %dma_wait3A_97 = arith.constant 0 : i32
    %dma_wait3A_98 = arith.constant 0 : i32
    %dma_wait3A_99 = tpu.memref_slice %arg4[%dma_wait3A_97, %dma_wait3A_98] : memref<53248x128xf32, #tpu.memory_space<hbm>> -> memref<104x128xf32, #tpu.memory_space<hbm>>
    %dma_wait3A_100 = arith.constant 0 : i32
    %dma_wait3A_101 = arith.constant 0 : i32
    %dma_wait3A_102 = tpu.memref_slice %arg6[%dma_wait3A_89, %dma_wait3A_100, %dma_wait3A_101] : memref<4x104x128xf32, #tpu.memory_space<vmem>> -> memref<1x104x128xf32, #tpu.memory_space<vmem>>
    %dma_wait3A_103 = tpu.memref_squeeze %dma_wait3A_102 : memref<1x104x128xf32, #tpu.memory_space<vmem>> -> memref<104x128xf32, #tpu.memory_space<vmem>>
    tpu.wait_dma2 semaphore(%arg15 : memref<!tpu.dma_semaphore, #tpu.memory_space<semaphore_mem>>) src(%dma_wait3A_103 : memref<104x128xf32, #tpu.memory_space<vmem>>) dst(%dma_wait3A_99 : memref<104x128xf32, #tpu.memory_space<hbm>>)
    return
  }
}

#map = affine_map<(d0, d1) -> (0, 0)>
#map1 = affine_map<(d0, d1) -> (0, 0, 0)>
module attributes {stable_mosaic.version = 14 : i64} {
  func.func @k(%arg0: i32, %arg1: i32, %arg2: memref<133120x128xf32, #tpu.memory_space<hbm>>, %arg3: memref<32x32x128xi32, #tpu.memory_space<hbm>>, %arg4: memref<131072x128xf32, #tpu.memory_space<hbm>>, %arg5: memref<32x128xi32, #tpu.memory_space<vmem>>, %arg6: memref<4x128x128xf32, #tpu.memory_space<vmem>>, %arg7: memref<4x128xf32, #tpu.memory_space<vmem>>, %arg8: memref<!tpu.dma_semaphore, #tpu.memory_space<semaphore_mem>>, %arg9: memref<!tpu.dma_semaphore, #tpu.memory_space<semaphore_mem>>, %arg10: memref<!tpu.dma_semaphore, #tpu.memory_space<semaphore_mem>>, %arg11: memref<!tpu.dma_semaphore, #tpu.memory_space<semaphore_mem>>, %arg12: memref<!tpu.dma_semaphore, #tpu.memory_space<semaphore_mem>>, %arg13: memref<!tpu.dma_semaphore, #tpu.memory_space<semaphore_mem>>, %arg14: memref<!tpu.dma_semaphore, #tpu.memory_space<semaphore_mem>>, %arg15: memref<!tpu.dma_semaphore, #tpu.memory_space<semaphore_mem>>, %arg16: memref<!tpu.dma_semaphore, #tpu.memory_space<semaphore_mem>>, %arg17: memref<!tpu.dma_semaphore, #tpu.memory_space<semaphore_mem>>, %arg18: memref<!tpu.dma_semaphore, #tpu.memory_space<semaphore_mem>>, %arg19: memref<!tpu.dma_semaphore, #tpu.memory_space<semaphore_mem>>) attributes {dimension_semantics = [#tpu.dimension_semantics<core_parallel>, #tpu.dimension_semantics<subcore_parallel>], iteration_bounds = array<i64: 2, 16>, scalar_prefetch = 0 : i64, scratch_operands = 15 : i64, tpu.core_type = #tpu.core_type<sc_vector_subcore>, window_params = [{transform_indices = #map}, {transform_indices = #map1}, {transform_indices = #map}]} {
    %mul3A = arith.constant 2 : i32
    %mul3A_0 = arith.muli %arg1, %mul3A : i32
    %add3A = arith.addi %mul3A_0, %arg0 : i32
    %mul3A_1 = arith.constant 32 : i32
    %mul3A_2 = arith.muli %add3A, %mul3A_1 : i32
    %mul3A_3 = arith.constant 128 : i32
    %mul3A_4 = arith.muli %mul3A_2, %mul3A_3 : i32
    "tpu.region"() ({
      %run_scoped3A = tpu.sem_alloc : memref<!tpu.dma_semaphore, #tpu.memory_space<semaphore_mem>>
      %dma_start3A_104 = arith.constant 0 : i32
      %dma_start3A_105 = arith.constant 0 : i32
      %dma_start3A_106 = tpu.memref_slice %arg3[%add3A, %dma_start3A_104, %dma_start3A_105] : memref<32x32x128xi32, #tpu.memory_space<hbm>> -> memref<1x32x128xi32, #tpu.memory_space<hbm>>
      %dma_start3A_107 = tpu.memref_squeeze %dma_start3A_106 : memref<1x32x128xi32, #tpu.memory_space<hbm>> -> memref<32x128xi32, #tpu.memory_space<hbm>>
      %dma_start3A_108 = arith.constant 0 : i32
      %dma_start3A_109 = arith.constant 0 : i32
      %dma_start3A_110 = tpu.memref_slice %arg3[%add3A, %dma_start3A_108, %dma_start3A_109] : memref<32x32x128xi32, #tpu.memory_space<hbm>> -> memref<1x32x128xi32, #tpu.memory_space<hbm>>
      %dma_start3A_111 = tpu.memref_squeeze %dma_start3A_110 : memref<1x32x128xi32, #tpu.memory_space<hbm>> -> memref<32x128xi32, #tpu.memory_space<hbm>>
      tpu.enqueue_dma source(%dma_start3A_111 : memref<32x128xi32, #tpu.memory_space<hbm>>) target(%arg5 : memref<32x128xi32, #tpu.memory_space<vmem>>) target_semaphore(%run_scoped3A : memref<!tpu.dma_semaphore, #tpu.memory_space<semaphore_mem>>)
      %dma_wait3A_112 = arith.constant 0 : i32
      %dma_wait3A_113 = arith.constant 0 : i32
      %dma_wait3A_114 = tpu.memref_slice %arg3[%add3A, %dma_wait3A_112, %dma_wait3A_113] : memref<32x32x128xi32, #tpu.memory_space<hbm>> -> memref<1x32x128xi32, #tpu.memory_space<hbm>>
      %dma_wait3A_115 = tpu.memref_squeeze %dma_wait3A_114 : memref<1x32x128xi32, #tpu.memory_space<hbm>> -> memref<32x128xi32, #tpu.memory_space<hbm>>
      %dma_wait3A_116 = arith.constant 0 : i32
      %dma_wait3A_117 = arith.constant 0 : i32
      %dma_wait3A_118 = tpu.memref_slice %arg3[%add3A, %dma_wait3A_116, %dma_wait3A_117] : memref<32x32x128xi32, #tpu.memory_space<hbm>> -> memref<1x32x128xi32, #tpu.memory_space<hbm>>
      %dma_wait3A_119 = tpu.memref_squeeze %dma_wait3A_118 : memref<1x32x128xi32, #tpu.memory_space<hbm>> -> memref<32x128xi32, #tpu.memory_space<hbm>>
      tpu.wait_dma2 semaphore(%run_scoped3A : memref<!tpu.dma_semaphore, #tpu.memory_space<semaphore_mem>>) src(%dma_wait3A_119 : memref<32x128xi32, #tpu.memory_space<hbm>>) dst(%arg5 : memref<32x128xi32, #tpu.memory_space<vmem>>)
      tpu.yield
    }) : () -> ()
    %dma_start3A = arith.constant 0 : i32
    %dma_start3A_5 = arith.constant 0 : i32
    %dma_start3A_6 = arith.constant 0 : i32
    %dma_start3A_7 = arith.constant 0 : i32
    %dma_start3A_8 = tpu.memref_slice %arg6[%dma_start3A_5, %dma_start3A_6, %dma_start3A_7] : memref<4x128x128xf32, #tpu.memory_space<vmem>> -> memref<1x128x128xf32, #tpu.memory_space<vmem>>
    %dma_start3A_9 = tpu.memref_squeeze %dma_start3A_8 : memref<1x128x128xf32, #tpu.memory_space<vmem>> -> memref<128x128xf32, #tpu.memory_space<vmem>>
    %dma_start3A_10 = arith.constant 0 : i32
    %dma_start3A_11 = tpu.memref_slice %arg5[%dma_start3A, %dma_start3A_10] : memref<32x128xi32, #tpu.memory_space<vmem>> -> memref<1x128xi32, #tpu.memory_space<vmem>>
    %dma_start3A_12 = tpu.memref_squeeze %dma_start3A_11 : memref<1x128xi32, #tpu.memory_space<vmem>> -> memref<128xi32, #tpu.memory_space<vmem>>
    %dma_start3A_13 = arith.constant 0 : i32
    %dma_start3A_14 = arith.constant 0 : i32
    %dma_start3A_15 = tpu.memref_slice %arg2[%dma_start3A_13, %dma_start3A_14] : memref<133120x128xf32, #tpu.memory_space<hbm>> -> memref<133120x128xf32, #tpu.memory_space<hbm>>
    tpu.enqueue_indirect_dma source(%dma_start3A_15 : memref<133120x128xf32, #tpu.memory_space<hbm>>) target(%dma_start3A_9 : memref<128x128xf32, #tpu.memory_space<vmem>>) offsets(%dma_start3A_12 : memref<128xi32, #tpu.memory_space<vmem>>) semaphore(%arg8 : memref<!tpu.dma_semaphore, #tpu.memory_space<semaphore_mem>>)
    %dma_start3A_16 = arith.constant 1 : i32
    %dma_start3A_17 = arith.constant 1 : i32
    %dma_start3A_18 = arith.constant 0 : i32
    %dma_start3A_19 = arith.constant 0 : i32
    %dma_start3A_20 = tpu.memref_slice %arg6[%dma_start3A_17, %dma_start3A_18, %dma_start3A_19] : memref<4x128x128xf32, #tpu.memory_space<vmem>> -> memref<1x128x128xf32, #tpu.memory_space<vmem>>
    %dma_start3A_21 = tpu.memref_squeeze %dma_start3A_20 : memref<1x128x128xf32, #tpu.memory_space<vmem>> -> memref<128x128xf32, #tpu.memory_space<vmem>>
    %dma_start3A_22 = arith.constant 0 : i32
    %dma_start3A_23 = tpu.memref_slice %arg5[%dma_start3A_16, %dma_start3A_22] : memref<32x128xi32, #tpu.memory_space<vmem>> -> memref<1x128xi32, #tpu.memory_space<vmem>>
    %dma_start3A_24 = tpu.memref_squeeze %dma_start3A_23 : memref<1x128xi32, #tpu.memory_space<vmem>> -> memref<128xi32, #tpu.memory_space<vmem>>
    %dma_start3A_25 = arith.constant 0 : i32
    %dma_start3A_26 = arith.constant 0 : i32
    %dma_start3A_27 = tpu.memref_slice %arg2[%dma_start3A_25, %dma_start3A_26] : memref<133120x128xf32, #tpu.memory_space<hbm>> -> memref<133120x128xf32, #tpu.memory_space<hbm>>
    tpu.enqueue_indirect_dma source(%dma_start3A_27 : memref<133120x128xf32, #tpu.memory_space<hbm>>) target(%dma_start3A_21 : memref<128x128xf32, #tpu.memory_space<vmem>>) offsets(%dma_start3A_24 : memref<128xi32, #tpu.memory_space<vmem>>) semaphore(%arg9 : memref<!tpu.dma_semaphore, #tpu.memory_space<semaphore_mem>>)
    %dma_start3A_28 = arith.constant 2 : i32
    %dma_start3A_29 = arith.constant 2 : i32
    %dma_start3A_30 = arith.constant 0 : i32
    %dma_start3A_31 = arith.constant 0 : i32
    %dma_start3A_32 = tpu.memref_slice %arg6[%dma_start3A_29, %dma_start3A_30, %dma_start3A_31] : memref<4x128x128xf32, #tpu.memory_space<vmem>> -> memref<1x128x128xf32, #tpu.memory_space<vmem>>
    %dma_start3A_33 = tpu.memref_squeeze %dma_start3A_32 : memref<1x128x128xf32, #tpu.memory_space<vmem>> -> memref<128x128xf32, #tpu.memory_space<vmem>>
    %dma_start3A_34 = arith.constant 0 : i32
    %dma_start3A_35 = tpu.memref_slice %arg5[%dma_start3A_28, %dma_start3A_34] : memref<32x128xi32, #tpu.memory_space<vmem>> -> memref<1x128xi32, #tpu.memory_space<vmem>>
    %dma_start3A_36 = tpu.memref_squeeze %dma_start3A_35 : memref<1x128xi32, #tpu.memory_space<vmem>> -> memref<128xi32, #tpu.memory_space<vmem>>
    %dma_start3A_37 = arith.constant 0 : i32
    %dma_start3A_38 = arith.constant 0 : i32
    %dma_start3A_39 = tpu.memref_slice %arg2[%dma_start3A_37, %dma_start3A_38] : memref<133120x128xf32, #tpu.memory_space<hbm>> -> memref<133120x128xf32, #tpu.memory_space<hbm>>
    tpu.enqueue_indirect_dma source(%dma_start3A_39 : memref<133120x128xf32, #tpu.memory_space<hbm>>) target(%dma_start3A_33 : memref<128x128xf32, #tpu.memory_space<vmem>>) offsets(%dma_start3A_36 : memref<128xi32, #tpu.memory_space<vmem>>) semaphore(%arg10 : memref<!tpu.dma_semaphore, #tpu.memory_space<semaphore_mem>>)
    %scan3A = arith.constant 0 : i32
    %scan3A_40 = arith.constant 0 : i32
    %scan3A_41 = arith.constant 8 : i32
    %scan3A_42 = arith.addi %scan3A_40, %scan3A_41 : i32
    %scan3A_43 = arith.constant 1 : i32
    scf.for %scan3A_104 = %scan3A_40 to %scan3A_42 step %scan3A_43  : i32 {
      %mul3A_105 = arith.constant 4 : i32
      %mul3A_106 = arith.muli %scan3A_104, %mul3A_105 : i32
      %add3A_107 = arith.constant 0 : i32
      %add3A_108 = arith.addi %mul3A_106, %add3A_107 : i32
      %dma_wait3A_109 = arith.constant 0 : i32
      %dma_wait3A_110 = arith.constant 0 : i32
      %dma_wait3A_111 = arith.constant 0 : i32
      %dma_wait3A_112 = tpu.memref_slice %arg6[%dma_wait3A_109, %dma_wait3A_110, %dma_wait3A_111] : memref<4x128x128xf32, #tpu.memory_space<vmem>> -> memref<1x128x128xf32, #tpu.memory_space<vmem>>
      %dma_wait3A_113 = tpu.memref_squeeze %dma_wait3A_112 : memref<1x128x128xf32, #tpu.memory_space<vmem>> -> memref<128x128xf32, #tpu.memory_space<vmem>>
      %dma_wait3A_114 = arith.constant 0 : i32
      %dma_wait3A_115 = arith.constant 0 : i32
      %dma_wait3A_116 = tpu.memref_slice %arg2[%dma_wait3A_114, %dma_wait3A_115] : memref<133120x128xf32, #tpu.memory_space<hbm>> -> memref<128x128xf32, #tpu.memory_space<hbm>>
      %dma_wait3A_117 = arith.constant 0 : i32
      %dma_wait3A_118 = arith.constant 0 : i32
      %dma_wait3A_119 = tpu.memref_slice %arg6[%dma_wait3A_109, %dma_wait3A_117, %dma_wait3A_118] : memref<4x128x128xf32, #tpu.memory_space<vmem>> -> memref<1x128x128xf32, #tpu.memory_space<vmem>>
      %dma_wait3A_120 = tpu.memref_squeeze %dma_wait3A_119 : memref<1x128x128xf32, #tpu.memory_space<vmem>> -> memref<128x128xf32, #tpu.memory_space<vmem>>
      %dma_wait3A_121 = arith.constant 0 : i32
      %dma_wait3A_122 = arith.constant 0 : i32
      %dma_wait3A_123 = tpu.memref_slice %arg2[%dma_wait3A_121, %dma_wait3A_122] : memref<133120x128xf32, #tpu.memory_space<hbm>> -> memref<128x128xf32, #tpu.memory_space<hbm>>
      tpu.wait_dma2 semaphore(%arg8 : memref<!tpu.dma_semaphore, #tpu.memory_space<semaphore_mem>>) src(%dma_wait3A_123 : memref<128x128xf32, #tpu.memory_space<hbm>>) dst(%dma_wait3A_120 : memref<128x128xf32, #tpu.memory_space<vmem>>)
      %mul3A_124 = arith.constant 128 : i32
      %mul3A_125 = arith.muli %add3A_108, %mul3A_124 : i32
      %add3A_126 = arith.addi %mul3A_4, %mul3A_125 : i32
      %dma_start3A_127 = arith.constant 0 : i32
      %dma_start3A_128 = arith.constant 0 : i32
      %dma_start3A_129 = arith.constant 0 : i32
      %dma_start3A_130 = tpu.memref_slice %arg6[%dma_start3A_127, %dma_start3A_128, %dma_start3A_129] : memref<4x128x128xf32, #tpu.memory_space<vmem>> -> memref<1x128x128xf32, #tpu.memory_space<vmem>>
      %dma_start3A_131 = tpu.memref_squeeze %dma_start3A_130 : memref<1x128x128xf32, #tpu.memory_space<vmem>> -> memref<128x128xf32, #tpu.memory_space<vmem>>
      %dma_start3A_132 = arith.constant 0 : i32
      %dma_start3A_133 = tpu.memref_slice %arg4[%add3A_126, %dma_start3A_132] : memref<131072x128xf32, #tpu.memory_space<hbm>> -> memref<128x128xf32, #tpu.memory_space<hbm>>
      %dma_start3A_134 = arith.constant 0 : i32
      %dma_start3A_135 = tpu.memref_slice %arg4[%add3A_126, %dma_start3A_134] : memref<131072x128xf32, #tpu.memory_space<hbm>> -> memref<128x128xf32, #tpu.memory_space<hbm>>
      %dma_start3A_136 = arith.constant 0 : i32
      %dma_start3A_137 = arith.constant 0 : i32
      %dma_start3A_138 = tpu.memref_slice %arg6[%dma_start3A_127, %dma_start3A_136, %dma_start3A_137] : memref<4x128x128xf32, #tpu.memory_space<vmem>> -> memref<1x128x128xf32, #tpu.memory_space<vmem>>
      %dma_start3A_139 = tpu.memref_squeeze %dma_start3A_138 : memref<1x128x128xf32, #tpu.memory_space<vmem>> -> memref<128x128xf32, #tpu.memory_space<vmem>>
      tpu.enqueue_dma source(%dma_start3A_139 : memref<128x128xf32, #tpu.memory_space<vmem>>) target(%dma_start3A_135 : memref<128x128xf32, #tpu.memory_space<hbm>>) target_semaphore(%arg12 : memref<!tpu.dma_semaphore, #tpu.memory_space<semaphore_mem>>)
      %add3A_140 = arith.constant 3 : i32
      %add3A_141 = arith.addi %add3A_108, %add3A_140 : i32
      %lt3A = arith.constant 32 : i32
      %lt3A_142 = arith.cmpi slt, %add3A_141, %lt3A : i32
      %convert_element_type3A = arith.extui %lt3A_142 : i1 to i32
      %cond3A = arith.constant 0 : i32
      %cond3A_143 = arith.cmpi ne, %convert_element_type3A, %cond3A : i32
      scf.if %cond3A_143 {
        %ge3A = arith.constant 1 : i32
        %ge3A_270 = arith.cmpi sge, %add3A_108, %ge3A : i32
        %convert_element_type3A_271 = arith.extui %ge3A_270 : i1 to i32
        %cond3A_272 = arith.constant 0 : i32
        %cond3A_273 = arith.cmpi ne, %convert_element_type3A_271, %cond3A_272 : i32
        scf.if %cond3A_273 {
          %dma_wait3A_287 = arith.constant 3 : i32
          %dma_wait3A_288 = arith.constant 0 : i32
          %dma_wait3A_289 = arith.constant 0 : i32
          %dma_wait3A_290 = tpu.memref_slice %arg6[%dma_wait3A_287, %dma_wait3A_288, %dma_wait3A_289] : memref<4x128x128xf32, #tpu.memory_space<vmem>> -> memref<1x128x128xf32, #tpu.memory_space<vmem>>
          %dma_wait3A_291 = tpu.memref_squeeze %dma_wait3A_290 : memref<1x128x128xf32, #tpu.memory_space<vmem>> -> memref<128x128xf32, #tpu.memory_space<vmem>>
          %dma_wait3A_292 = arith.constant 0 : i32
          %dma_wait3A_293 = arith.constant 0 : i32
          %dma_wait3A_294 = tpu.memref_slice %arg4[%dma_wait3A_292, %dma_wait3A_293] : memref<131072x128xf32, #tpu.memory_space<hbm>> -> memref<128x128xf32, #tpu.memory_space<hbm>>
          %dma_wait3A_295 = arith.constant 0 : i32
          %dma_wait3A_296 = arith.constant 0 : i32
          %dma_wait3A_297 = tpu.memref_slice %arg4[%dma_wait3A_295, %dma_wait3A_296] : memref<131072x128xf32, #tpu.memory_space<hbm>> -> memref<128x128xf32, #tpu.memory_space<hbm>>
          %dma_wait3A_298 = arith.constant 0 : i32
          %dma_wait3A_299 = arith.constant 0 : i32
          %dma_wait3A_300 = tpu.memref_slice %arg6[%dma_wait3A_287, %dma_wait3A_298, %dma_wait3A_299] : memref<4x128x128xf32, #tpu.memory_space<vmem>> -> memref<1x128x128xf32, #tpu.memory_space<vmem>>
          %dma_wait3A_301 = tpu.memref_squeeze %dma_wait3A_300 : memref<1x128x128xf32, #tpu.memory_space<vmem>> -> memref<128x128xf32, #tpu.memory_space<vmem>>
          tpu.wait_dma2 semaphore(%arg15 : memref<!tpu.dma_semaphore, #tpu.memory_space<semaphore_mem>>) src(%dma_wait3A_301 : memref<128x128xf32, #tpu.memory_space<vmem>>) dst(%dma_wait3A_297 : memref<128x128xf32, #tpu.memory_space<hbm>>)
        } else {
        }
        %add3A_274 = arith.constant 3 : i32
        %add3A_275 = arith.addi %add3A_108, %add3A_274 : i32
        %dma_start3A_276 = arith.constant 3 : i32
        %dma_start3A_277 = arith.constant 0 : i32
        %dma_start3A_278 = arith.constant 0 : i32
        %dma_start3A_279 = tpu.memref_slice %arg6[%dma_start3A_276, %dma_start3A_277, %dma_start3A_278] : memref<4x128x128xf32, #tpu.memory_space<vmem>> -> memref<1x128x128xf32, #tpu.memory_space<vmem>>
        %dma_start3A_280 = tpu.memref_squeeze %dma_start3A_279 : memref<1x128x128xf32, #tpu.memory_space<vmem>> -> memref<128x128xf32, #tpu.memory_space<vmem>>
        %dma_start3A_281 = arith.constant 0 : i32
        %dma_start3A_282 = tpu.memref_slice %arg5[%add3A_275, %dma_start3A_281] : memref<32x128xi32, #tpu.memory_space<vmem>> -> memref<1x128xi32, #tpu.memory_space<vmem>>
        %dma_start3A_283 = tpu.memref_squeeze %dma_start3A_282 : memref<1x128xi32, #tpu.memory_space<vmem>> -> memref<128xi32, #tpu.memory_space<vmem>>
        %dma_start3A_284 = arith.constant 0 : i32
        %dma_start3A_285 = arith.constant 0 : i32
        %dma_start3A_286 = tpu.memref_slice %arg2[%dma_start3A_284, %dma_start3A_285] : memref<133120x128xf32, #tpu.memory_space<hbm>> -> memref<133120x128xf32, #tpu.memory_space<hbm>>
        tpu.enqueue_indirect_dma source(%dma_start3A_286 : memref<133120x128xf32, #tpu.memory_space<hbm>>) target(%dma_start3A_280 : memref<128x128xf32, #tpu.memory_space<vmem>>) offsets(%dma_start3A_283 : memref<128xi32, #tpu.memory_space<vmem>>) semaphore(%arg11 : memref<!tpu.dma_semaphore, #tpu.memory_space<semaphore_mem>>)
      } else {
      }
      %mul3A_144 = arith.constant 4 : i32
      %mul3A_145 = arith.muli %scan3A_104, %mul3A_144 : i32
      %add3A_146 = arith.constant 1 : i32
      %add3A_147 = arith.addi %mul3A_145, %add3A_146 : i32
      %dma_wait3A_148 = arith.constant 1 : i32
      %dma_wait3A_149 = arith.constant 0 : i32
      %dma_wait3A_150 = arith.constant 0 : i32
      %dma_wait3A_151 = tpu.memref_slice %arg6[%dma_wait3A_148, %dma_wait3A_149, %dma_wait3A_150] : memref<4x128x128xf32, #tpu.memory_space<vmem>> -> memref<1x128x128xf32, #tpu.memory_space<vmem>>
      %dma_wait3A_152 = tpu.memref_squeeze %dma_wait3A_151 : memref<1x128x128xf32, #tpu.memory_space<vmem>> -> memref<128x128xf32, #tpu.memory_space<vmem>>
      %dma_wait3A_153 = arith.constant 0 : i32
      %dma_wait3A_154 = arith.constant 0 : i32
      %dma_wait3A_155 = tpu.memref_slice %arg2[%dma_wait3A_153, %dma_wait3A_154] : memref<133120x128xf32, #tpu.memory_space<hbm>> -> memref<128x128xf32, #tpu.memory_space<hbm>>
      %dma_wait3A_156 = arith.constant 0 : i32
      %dma_wait3A_157 = arith.constant 0 : i32
      %dma_wait3A_158 = tpu.memref_slice %arg6[%dma_wait3A_148, %dma_wait3A_156, %dma_wait3A_157] : memref<4x128x128xf32, #tpu.memory_space<vmem>> -> memref<1x128x128xf32, #tpu.memory_space<vmem>>
      %dma_wait3A_159 = tpu.memref_squeeze %dma_wait3A_158 : memref<1x128x128xf32, #tpu.memory_space<vmem>> -> memref<128x128xf32, #tpu.memory_space<vmem>>
      %dma_wait3A_160 = arith.constant 0 : i32
      %dma_wait3A_161 = arith.constant 0 : i32
      %dma_wait3A_162 = tpu.memref_slice %arg2[%dma_wait3A_160, %dma_wait3A_161] : memref<133120x128xf32, #tpu.memory_space<hbm>> -> memref<128x128xf32, #tpu.memory_space<hbm>>
      tpu.wait_dma2 semaphore(%arg9 : memref<!tpu.dma_semaphore, #tpu.memory_space<semaphore_mem>>) src(%dma_wait3A_162 : memref<128x128xf32, #tpu.memory_space<hbm>>) dst(%dma_wait3A_159 : memref<128x128xf32, #tpu.memory_space<vmem>>)
      %mul3A_163 = arith.constant 128 : i32
      %mul3A_164 = arith.muli %add3A_147, %mul3A_163 : i32
      %add3A_165 = arith.addi %mul3A_4, %mul3A_164 : i32
      %dma_start3A_166 = arith.constant 1 : i32
      %dma_start3A_167 = arith.constant 0 : i32
      %dma_start3A_168 = arith.constant 0 : i32
      %dma_start3A_169 = tpu.memref_slice %arg6[%dma_start3A_166, %dma_start3A_167, %dma_start3A_168] : memref<4x128x128xf32, #tpu.memory_space<vmem>> -> memref<1x128x128xf32, #tpu.memory_space<vmem>>
      %dma_start3A_170 = tpu.memref_squeeze %dma_start3A_169 : memref<1x128x128xf32, #tpu.memory_space<vmem>> -> memref<128x128xf32, #tpu.memory_space<vmem>>
      %dma_start3A_171 = arith.constant 0 : i32
      %dma_start3A_172 = tpu.memref_slice %arg4[%add3A_165, %dma_start3A_171] : memref<131072x128xf32, #tpu.memory_space<hbm>> -> memref<128x128xf32, #tpu.memory_space<hbm>>
      %dma_start3A_173 = arith.constant 0 : i32
      %dma_start3A_174 = tpu.memref_slice %arg4[%add3A_165, %dma_start3A_173] : memref<131072x128xf32, #tpu.memory_space<hbm>> -> memref<128x128xf32, #tpu.memory_space<hbm>>
      %dma_start3A_175 = arith.constant 0 : i32
      %dma_start3A_176 = arith.constant 0 : i32
      %dma_start3A_177 = tpu.memref_slice %arg6[%dma_start3A_166, %dma_start3A_175, %dma_start3A_176] : memref<4x128x128xf32, #tpu.memory_space<vmem>> -> memref<1x128x128xf32, #tpu.memory_space<vmem>>
      %dma_start3A_178 = tpu.memref_squeeze %dma_start3A_177 : memref<1x128x128xf32, #tpu.memory_space<vmem>> -> memref<128x128xf32, #tpu.memory_space<vmem>>
      tpu.enqueue_dma source(%dma_start3A_178 : memref<128x128xf32, #tpu.memory_space<vmem>>) target(%dma_start3A_174 : memref<128x128xf32, #tpu.memory_space<hbm>>) target_semaphore(%arg13 : memref<!tpu.dma_semaphore, #tpu.memory_space<semaphore_mem>>)
      %add3A_179 = arith.constant 3 : i32
      %add3A_180 = arith.addi %add3A_147, %add3A_179 : i32
      %lt3A_181 = arith.constant 32 : i32
      %lt3A_182 = arith.cmpi slt, %add3A_180, %lt3A_181 : i32
      %convert_element_type3A_183 = arith.extui %lt3A_182 : i1 to i32
      %cond3A_184 = arith.constant 0 : i32
      %cond3A_185 = arith.cmpi ne, %convert_element_type3A_183, %cond3A_184 : i32
      scf.if %cond3A_185 {
        %ge3A = arith.constant 1 : i32
        %ge3A_270 = arith.cmpi sge, %add3A_147, %ge3A : i32
        %convert_element_type3A_271 = arith.extui %ge3A_270 : i1 to i32
        %cond3A_272 = arith.constant 0 : i32
        %cond3A_273 = arith.cmpi ne, %convert_element_type3A_271, %cond3A_272 : i32
        scf.if %cond3A_273 {
          %dma_wait3A_287 = arith.constant 0 : i32
          %dma_wait3A_288 = arith.constant 0 : i32
          %dma_wait3A_289 = arith.constant 0 : i32
          %dma_wait3A_290 = tpu.memref_slice %arg6[%dma_wait3A_287, %dma_wait3A_288, %dma_wait3A_289] : memref<4x128x128xf32, #tpu.memory_space<vmem>> -> memref<1x128x128xf32, #tpu.memory_space<vmem>>
          %dma_wait3A_291 = tpu.memref_squeeze %dma_wait3A_290 : memref<1x128x128xf32, #tpu.memory_space<vmem>> -> memref<128x128xf32, #tpu.memory_space<vmem>>
          %dma_wait3A_292 = arith.constant 0 : i32
          %dma_wait3A_293 = arith.constant 0 : i32
          %dma_wait3A_294 = tpu.memref_slice %arg4[%dma_wait3A_292, %dma_wait3A_293] : memref<131072x128xf32, #tpu.memory_space<hbm>> -> memref<128x128xf32, #tpu.memory_space<hbm>>
          %dma_wait3A_295 = arith.constant 0 : i32
          %dma_wait3A_296 = arith.constant 0 : i32
          %dma_wait3A_297 = tpu.memref_slice %arg4[%dma_wait3A_295, %dma_wait3A_296] : memref<131072x128xf32, #tpu.memory_space<hbm>> -> memref<128x128xf32, #tpu.memory_space<hbm>>
          %dma_wait3A_298 = arith.constant 0 : i32
          %dma_wait3A_299 = arith.constant 0 : i32
          %dma_wait3A_300 = tpu.memref_slice %arg6[%dma_wait3A_287, %dma_wait3A_298, %dma_wait3A_299] : memref<4x128x128xf32, #tpu.memory_space<vmem>> -> memref<1x128x128xf32, #tpu.memory_space<vmem>>
          %dma_wait3A_301 = tpu.memref_squeeze %dma_wait3A_300 : memref<1x128x128xf32, #tpu.memory_space<vmem>> -> memref<128x128xf32, #tpu.memory_space<vmem>>
          tpu.wait_dma2 semaphore(%arg12 : memref<!tpu.dma_semaphore, #tpu.memory_space<semaphore_mem>>) src(%dma_wait3A_301 : memref<128x128xf32, #tpu.memory_space<vmem>>) dst(%dma_wait3A_297 : memref<128x128xf32, #tpu.memory_space<hbm>>)
        } else {
        }
        %add3A_274 = arith.constant 3 : i32
        %add3A_275 = arith.addi %add3A_147, %add3A_274 : i32
        %dma_start3A_276 = arith.constant 0 : i32
        %dma_start3A_277 = arith.constant 0 : i32
        %dma_start3A_278 = arith.constant 0 : i32
        %dma_start3A_279 = tpu.memref_slice %arg6[%dma_start3A_276, %dma_start3A_277, %dma_start3A_278] : memref<4x128x128xf32, #tpu.memory_space<vmem>> -> memref<1x128x128xf32, #tpu.memory_space<vmem>>
        %dma_start3A_280 = tpu.memref_squeeze %dma_start3A_279 : memref<1x128x128xf32, #tpu.memory_space<vmem>> -> memref<128x128xf32, #tpu.memory_space<vmem>>
        %dma_start3A_281 = arith.constant 0 : i32
        %dma_start3A_282 = tpu.memref_slice %arg5[%add3A_275, %dma_start3A_281] : memref<32x128xi32, #tpu.memory_space<vmem>> -> memref<1x128xi32, #tpu.memory_space<vmem>>
        %dma_start3A_283 = tpu.memref_squeeze %dma_start3A_282 : memref<1x128xi32, #tpu.memory_space<vmem>> -> memref<128xi32, #tpu.memory_space<vmem>>
        %dma_start3A_284 = arith.constant 0 : i32
        %dma_start3A_285 = arith.constant 0 : i32
        %dma_start3A_286 = tpu.memref_slice %arg2[%dma_start3A_284, %dma_start3A_285] : memref<133120x128xf32, #tpu.memory_space<hbm>> -> memref<133120x128xf32, #tpu.memory_space<hbm>>
        tpu.enqueue_indirect_dma source(%dma_start3A_286 : memref<133120x128xf32, #tpu.memory_space<hbm>>) target(%dma_start3A_280 : memref<128x128xf32, #tpu.memory_space<vmem>>) offsets(%dma_start3A_283 : memref<128xi32, #tpu.memory_space<vmem>>) semaphore(%arg8 : memref<!tpu.dma_semaphore, #tpu.memory_space<semaphore_mem>>)
      } else {
      }
      %mul3A_186 = arith.constant 4 : i32
      %mul3A_187 = arith.muli %scan3A_104, %mul3A_186 : i32
      %add3A_188 = arith.constant 2 : i32
      %add3A_189 = arith.addi %mul3A_187, %add3A_188 : i32
      %dma_wait3A_190 = arith.constant 2 : i32
      %dma_wait3A_191 = arith.constant 0 : i32
      %dma_wait3A_192 = arith.constant 0 : i32
      %dma_wait3A_193 = tpu.memref_slice %arg6[%dma_wait3A_190, %dma_wait3A_191, %dma_wait3A_192] : memref<4x128x128xf32, #tpu.memory_space<vmem>> -> memref<1x128x128xf32, #tpu.memory_space<vmem>>
      %dma_wait3A_194 = tpu.memref_squeeze %dma_wait3A_193 : memref<1x128x128xf32, #tpu.memory_space<vmem>> -> memref<128x128xf32, #tpu.memory_space<vmem>>
      %dma_wait3A_195 = arith.constant 0 : i32
      %dma_wait3A_196 = arith.constant 0 : i32
      %dma_wait3A_197 = tpu.memref_slice %arg2[%dma_wait3A_195, %dma_wait3A_196] : memref<133120x128xf32, #tpu.memory_space<hbm>> -> memref<128x128xf32, #tpu.memory_space<hbm>>
      %dma_wait3A_198 = arith.constant 0 : i32
      %dma_wait3A_199 = arith.constant 0 : i32
      %dma_wait3A_200 = tpu.memref_slice %arg6[%dma_wait3A_190, %dma_wait3A_198, %dma_wait3A_199] : memref<4x128x128xf32, #tpu.memory_space<vmem>> -> memref<1x128x128xf32, #tpu.memory_space<vmem>>
      %dma_wait3A_201 = tpu.memref_squeeze %dma_wait3A_200 : memref<1x128x128xf32, #tpu.memory_space<vmem>> -> memref<128x128xf32, #tpu.memory_space<vmem>>
      %dma_wait3A_202 = arith.constant 0 : i32
      %dma_wait3A_203 = arith.constant 0 : i32
      %dma_wait3A_204 = tpu.memref_slice %arg2[%dma_wait3A_202, %dma_wait3A_203] : memref<133120x128xf32, #tpu.memory_space<hbm>> -> memref<128x128xf32, #tpu.memory_space<hbm>>
      tpu.wait_dma2 semaphore(%arg10 : memref<!tpu.dma_semaphore, #tpu.memory_space<semaphore_mem>>) src(%dma_wait3A_204 : memref<128x128xf32, #tpu.memory_space<hbm>>) dst(%dma_wait3A_201 : memref<128x128xf32, #tpu.memory_space<vmem>>)
      %mul3A_205 = arith.constant 128 : i32
      %mul3A_206 = arith.muli %add3A_189, %mul3A_205 : i32
      %add3A_207 = arith.addi %mul3A_4, %mul3A_206 : i32
      %dma_start3A_208 = arith.constant 2 : i32
      %dma_start3A_209 = arith.constant 0 : i32
      %dma_start3A_210 = arith.constant 0 : i32
      %dma_start3A_211 = tpu.memref_slice %arg6[%dma_start3A_208, %dma_start3A_209, %dma_start3A_210] : memref<4x128x128xf32, #tpu.memory_space<vmem>> -> memref<1x128x128xf32, #tpu.memory_space<vmem>>
      %dma_start3A_212 = tpu.memref_squeeze %dma_start3A_211 : memref<1x128x128xf32, #tpu.memory_space<vmem>> -> memref<128x128xf32, #tpu.memory_space<vmem>>
      %dma_start3A_213 = arith.constant 0 : i32
      %dma_start3A_214 = tpu.memref_slice %arg4[%add3A_207, %dma_start3A_213] : memref<131072x128xf32, #tpu.memory_space<hbm>> -> memref<128x128xf32, #tpu.memory_space<hbm>>
      %dma_start3A_215 = arith.constant 0 : i32
      %dma_start3A_216 = tpu.memref_slice %arg4[%add3A_207, %dma_start3A_215] : memref<131072x128xf32, #tpu.memory_space<hbm>> -> memref<128x128xf32, #tpu.memory_space<hbm>>
      %dma_start3A_217 = arith.constant 0 : i32
      %dma_start3A_218 = arith.constant 0 : i32
      %dma_start3A_219 = tpu.memref_slice %arg6[%dma_start3A_208, %dma_start3A_217, %dma_start3A_218] : memref<4x128x128xf32, #tpu.memory_space<vmem>> -> memref<1x128x128xf32, #tpu.memory_space<vmem>>
      %dma_start3A_220 = tpu.memref_squeeze %dma_start3A_219 : memref<1x128x128xf32, #tpu.memory_space<vmem>> -> memref<128x128xf32, #tpu.memory_space<vmem>>
      tpu.enqueue_dma source(%dma_start3A_220 : memref<128x128xf32, #tpu.memory_space<vmem>>) target(%dma_start3A_216 : memref<128x128xf32, #tpu.memory_space<hbm>>) target_semaphore(%arg14 : memref<!tpu.dma_semaphore, #tpu.memory_space<semaphore_mem>>)
      %add3A_221 = arith.constant 3 : i32
      %add3A_222 = arith.addi %add3A_189, %add3A_221 : i32
      %lt3A_223 = arith.constant 32 : i32
      %lt3A_224 = arith.cmpi slt, %add3A_222, %lt3A_223 : i32
      %convert_element_type3A_225 = arith.extui %lt3A_224 : i1 to i32
      %cond3A_226 = arith.constant 0 : i32
      %cond3A_227 = arith.cmpi ne, %convert_element_type3A_225, %cond3A_226 : i32
      scf.if %cond3A_227 {
        %ge3A = arith.constant 1 : i32
        %ge3A_270 = arith.cmpi sge, %add3A_189, %ge3A : i32
        %convert_element_type3A_271 = arith.extui %ge3A_270 : i1 to i32
        %cond3A_272 = arith.constant 0 : i32
        %cond3A_273 = arith.cmpi ne, %convert_element_type3A_271, %cond3A_272 : i32
        scf.if %cond3A_273 {
          %dma_wait3A_287 = arith.constant 1 : i32
          %dma_wait3A_288 = arith.constant 0 : i32
          %dma_wait3A_289 = arith.constant 0 : i32
          %dma_wait3A_290 = tpu.memref_slice %arg6[%dma_wait3A_287, %dma_wait3A_288, %dma_wait3A_289] : memref<4x128x128xf32, #tpu.memory_space<vmem>> -> memref<1x128x128xf32, #tpu.memory_space<vmem>>
          %dma_wait3A_291 = tpu.memref_squeeze %dma_wait3A_290 : memref<1x128x128xf32, #tpu.memory_space<vmem>> -> memref<128x128xf32, #tpu.memory_space<vmem>>
          %dma_wait3A_292 = arith.constant 0 : i32
          %dma_wait3A_293 = arith.constant 0 : i32
          %dma_wait3A_294 = tpu.memref_slice %arg4[%dma_wait3A_292, %dma_wait3A_293] : memref<131072x128xf32, #tpu.memory_space<hbm>> -> memref<128x128xf32, #tpu.memory_space<hbm>>
          %dma_wait3A_295 = arith.constant 0 : i32
          %dma_wait3A_296 = arith.constant 0 : i32
          %dma_wait3A_297 = tpu.memref_slice %arg4[%dma_wait3A_295, %dma_wait3A_296] : memref<131072x128xf32, #tpu.memory_space<hbm>> -> memref<128x128xf32, #tpu.memory_space<hbm>>
          %dma_wait3A_298 = arith.constant 0 : i32
          %dma_wait3A_299 = arith.constant 0 : i32
          %dma_wait3A_300 = tpu.memref_slice %arg6[%dma_wait3A_287, %dma_wait3A_298, %dma_wait3A_299] : memref<4x128x128xf32, #tpu.memory_space<vmem>> -> memref<1x128x128xf32, #tpu.memory_space<vmem>>
          %dma_wait3A_301 = tpu.memref_squeeze %dma_wait3A_300 : memref<1x128x128xf32, #tpu.memory_space<vmem>> -> memref<128x128xf32, #tpu.memory_space<vmem>>
          tpu.wait_dma2 semaphore(%arg13 : memref<!tpu.dma_semaphore, #tpu.memory_space<semaphore_mem>>) src(%dma_wait3A_301 : memref<128x128xf32, #tpu.memory_space<vmem>>) dst(%dma_wait3A_297 : memref<128x128xf32, #tpu.memory_space<hbm>>)
        } else {
        }
        %add3A_274 = arith.constant 3 : i32
        %add3A_275 = arith.addi %add3A_189, %add3A_274 : i32
        %dma_start3A_276 = arith.constant 1 : i32
        %dma_start3A_277 = arith.constant 0 : i32
        %dma_start3A_278 = arith.constant 0 : i32
        %dma_start3A_279 = tpu.memref_slice %arg6[%dma_start3A_276, %dma_start3A_277, %dma_start3A_278] : memref<4x128x128xf32, #tpu.memory_space<vmem>> -> memref<1x128x128xf32, #tpu.memory_space<vmem>>
        %dma_start3A_280 = tpu.memref_squeeze %dma_start3A_279 : memref<1x128x128xf32, #tpu.memory_space<vmem>> -> memref<128x128xf32, #tpu.memory_space<vmem>>
        %dma_start3A_281 = arith.constant 0 : i32
        %dma_start3A_282 = tpu.memref_slice %arg5[%add3A_275, %dma_start3A_281] : memref<32x128xi32, #tpu.memory_space<vmem>> -> memref<1x128xi32, #tpu.memory_space<vmem>>
        %dma_start3A_283 = tpu.memref_squeeze %dma_start3A_282 : memref<1x128xi32, #tpu.memory_space<vmem>> -> memref<128xi32, #tpu.memory_space<vmem>>
        %dma_start3A_284 = arith.constant 0 : i32
        %dma_start3A_285 = arith.constant 0 : i32
        %dma_start3A_286 = tpu.memref_slice %arg2[%dma_start3A_284, %dma_start3A_285] : memref<133120x128xf32, #tpu.memory_space<hbm>> -> memref<133120x128xf32, #tpu.memory_space<hbm>>
        tpu.enqueue_indirect_dma source(%dma_start3A_286 : memref<133120x128xf32, #tpu.memory_space<hbm>>) target(%dma_start3A_280 : memref<128x128xf32, #tpu.memory_space<vmem>>) offsets(%dma_start3A_283 : memref<128xi32, #tpu.memory_space<vmem>>) semaphore(%arg9 : memref<!tpu.dma_semaphore, #tpu.memory_space<semaphore_mem>>)
      } else {
      }
      %mul3A_228 = arith.constant 4 : i32
      %mul3A_229 = arith.muli %scan3A_104, %mul3A_228 : i32
      %add3A_230 = arith.constant 3 : i32
      %add3A_231 = arith.addi %mul3A_229, %add3A_230 : i32
      %dma_wait3A_232 = arith.constant 3 : i32
      %dma_wait3A_233 = arith.constant 0 : i32
      %dma_wait3A_234 = arith.constant 0 : i32
      %dma_wait3A_235 = tpu.memref_slice %arg6[%dma_wait3A_232, %dma_wait3A_233, %dma_wait3A_234] : memref<4x128x128xf32, #tpu.memory_space<vmem>> -> memref<1x128x128xf32, #tpu.memory_space<vmem>>
      %dma_wait3A_236 = tpu.memref_squeeze %dma_wait3A_235 : memref<1x128x128xf32, #tpu.memory_space<vmem>> -> memref<128x128xf32, #tpu.memory_space<vmem>>
      %dma_wait3A_237 = arith.constant 0 : i32
      %dma_wait3A_238 = arith.constant 0 : i32
      %dma_wait3A_239 = tpu.memref_slice %arg2[%dma_wait3A_237, %dma_wait3A_238] : memref<133120x128xf32, #tpu.memory_space<hbm>> -> memref<128x128xf32, #tpu.memory_space<hbm>>
      %dma_wait3A_240 = arith.constant 0 : i32
      %dma_wait3A_241 = arith.constant 0 : i32
      %dma_wait3A_242 = tpu.memref_slice %arg6[%dma_wait3A_232, %dma_wait3A_240, %dma_wait3A_241] : memref<4x128x128xf32, #tpu.memory_space<vmem>> -> memref<1x128x128xf32, #tpu.memory_space<vmem>>
      %dma_wait3A_243 = tpu.memref_squeeze %dma_wait3A_242 : memref<1x128x128xf32, #tpu.memory_space<vmem>> -> memref<128x128xf32, #tpu.memory_space<vmem>>
      %dma_wait3A_244 = arith.constant 0 : i32
      %dma_wait3A_245 = arith.constant 0 : i32
      %dma_wait3A_246 = tpu.memref_slice %arg2[%dma_wait3A_244, %dma_wait3A_245] : memref<133120x128xf32, #tpu.memory_space<hbm>> -> memref<128x128xf32, #tpu.memory_space<hbm>>
      tpu.wait_dma2 semaphore(%arg11 : memref<!tpu.dma_semaphore, #tpu.memory_space<semaphore_mem>>) src(%dma_wait3A_246 : memref<128x128xf32, #tpu.memory_space<hbm>>) dst(%dma_wait3A_243 : memref<128x128xf32, #tpu.memory_space<vmem>>)
      %mul3A_247 = arith.constant 128 : i32
      %mul3A_248 = arith.muli %add3A_231, %mul3A_247 : i32
      %add3A_249 = arith.addi %mul3A_4, %mul3A_248 : i32
      %dma_start3A_250 = arith.constant 3 : i32
      %dma_start3A_251 = arith.constant 0 : i32
      %dma_start3A_252 = arith.constant 0 : i32
      %dma_start3A_253 = tpu.memref_slice %arg6[%dma_start3A_250, %dma_start3A_251, %dma_start3A_252] : memref<4x128x128xf32, #tpu.memory_space<vmem>> -> memref<1x128x128xf32, #tpu.memory_space<vmem>>
      %dma_start3A_254 = tpu.memref_squeeze %dma_start3A_253 : memref<1x128x128xf32, #tpu.memory_space<vmem>> -> memref<128x128xf32, #tpu.memory_space<vmem>>
      %dma_start3A_255 = arith.constant 0 : i32
      %dma_start3A_256 = tpu.memref_slice %arg4[%add3A_249, %dma_start3A_255] : memref<131072x128xf32, #tpu.memory_space<hbm>> -> memref<128x128xf32, #tpu.memory_space<hbm>>
      %dma_start3A_257 = arith.constant 0 : i32
      %dma_start3A_258 = tpu.memref_slice %arg4[%add3A_249, %dma_start3A_257] : memref<131072x128xf32, #tpu.memory_space<hbm>> -> memref<128x128xf32, #tpu.memory_space<hbm>>
      %dma_start3A_259 = arith.constant 0 : i32
      %dma_start3A_260 = arith.constant 0 : i32
      %dma_start3A_261 = tpu.memref_slice %arg6[%dma_start3A_250, %dma_start3A_259, %dma_start3A_260] : memref<4x128x128xf32, #tpu.memory_space<vmem>> -> memref<1x128x128xf32, #tpu.memory_space<vmem>>
      %dma_start3A_262 = tpu.memref_squeeze %dma_start3A_261 : memref<1x128x128xf32, #tpu.memory_space<vmem>> -> memref<128x128xf32, #tpu.memory_space<vmem>>
      tpu.enqueue_dma source(%dma_start3A_262 : memref<128x128xf32, #tpu.memory_space<vmem>>) target(%dma_start3A_258 : memref<128x128xf32, #tpu.memory_space<hbm>>) target_semaphore(%arg15 : memref<!tpu.dma_semaphore, #tpu.memory_space<semaphore_mem>>)
      %add3A_263 = arith.constant 3 : i32
      %add3A_264 = arith.addi %add3A_231, %add3A_263 : i32
      %lt3A_265 = arith.constant 32 : i32
      %lt3A_266 = arith.cmpi slt, %add3A_264, %lt3A_265 : i32
      %convert_element_type3A_267 = arith.extui %lt3A_266 : i1 to i32
      %cond3A_268 = arith.constant 0 : i32
      %cond3A_269 = arith.cmpi ne, %convert_element_type3A_267, %cond3A_268 : i32
      scf.if %cond3A_269 {
        %ge3A = arith.constant 1 : i32
        %ge3A_270 = arith.cmpi sge, %add3A_231, %ge3A : i32
        %convert_element_type3A_271 = arith.extui %ge3A_270 : i1 to i32
        %cond3A_272 = arith.constant 0 : i32
        %cond3A_273 = arith.cmpi ne, %convert_element_type3A_271, %cond3A_272 : i32
        scf.if %cond3A_273 {
          %dma_wait3A_287 = arith.constant 2 : i32
          %dma_wait3A_288 = arith.constant 0 : i32
          %dma_wait3A_289 = arith.constant 0 : i32
          %dma_wait3A_290 = tpu.memref_slice %arg6[%dma_wait3A_287, %dma_wait3A_288, %dma_wait3A_289] : memref<4x128x128xf32, #tpu.memory_space<vmem>> -> memref<1x128x128xf32, #tpu.memory_space<vmem>>
          %dma_wait3A_291 = tpu.memref_squeeze %dma_wait3A_290 : memref<1x128x128xf32, #tpu.memory_space<vmem>> -> memref<128x128xf32, #tpu.memory_space<vmem>>
          %dma_wait3A_292 = arith.constant 0 : i32
          %dma_wait3A_293 = arith.constant 0 : i32
          %dma_wait3A_294 = tpu.memref_slice %arg4[%dma_wait3A_292, %dma_wait3A_293] : memref<131072x128xf32, #tpu.memory_space<hbm>> -> memref<128x128xf32, #tpu.memory_space<hbm>>
          %dma_wait3A_295 = arith.constant 0 : i32
          %dma_wait3A_296 = arith.constant 0 : i32
          %dma_wait3A_297 = tpu.memref_slice %arg4[%dma_wait3A_295, %dma_wait3A_296] : memref<131072x128xf32, #tpu.memory_space<hbm>> -> memref<128x128xf32, #tpu.memory_space<hbm>>
          %dma_wait3A_298 = arith.constant 0 : i32
          %dma_wait3A_299 = arith.constant 0 : i32
          %dma_wait3A_300 = tpu.memref_slice %arg6[%dma_wait3A_287, %dma_wait3A_298, %dma_wait3A_299] : memref<4x128x128xf32, #tpu.memory_space<vmem>> -> memref<1x128x128xf32, #tpu.memory_space<vmem>>
          %dma_wait3A_301 = tpu.memref_squeeze %dma_wait3A_300 : memref<1x128x128xf32, #tpu.memory_space<vmem>> -> memref<128x128xf32, #tpu.memory_space<vmem>>
          tpu.wait_dma2 semaphore(%arg14 : memref<!tpu.dma_semaphore, #tpu.memory_space<semaphore_mem>>) src(%dma_wait3A_301 : memref<128x128xf32, #tpu.memory_space<vmem>>) dst(%dma_wait3A_297 : memref<128x128xf32, #tpu.memory_space<hbm>>)
        } else {
        }
        %add3A_274 = arith.constant 3 : i32
        %add3A_275 = arith.addi %add3A_231, %add3A_274 : i32
        %dma_start3A_276 = arith.constant 2 : i32
        %dma_start3A_277 = arith.constant 0 : i32
        %dma_start3A_278 = arith.constant 0 : i32
        %dma_start3A_279 = tpu.memref_slice %arg6[%dma_start3A_276, %dma_start3A_277, %dma_start3A_278] : memref<4x128x128xf32, #tpu.memory_space<vmem>> -> memref<1x128x128xf32, #tpu.memory_space<vmem>>
        %dma_start3A_280 = tpu.memref_squeeze %dma_start3A_279 : memref<1x128x128xf32, #tpu.memory_space<vmem>> -> memref<128x128xf32, #tpu.memory_space<vmem>>
        %dma_start3A_281 = arith.constant 0 : i32
        %dma_start3A_282 = tpu.memref_slice %arg5[%add3A_275, %dma_start3A_281] : memref<32x128xi32, #tpu.memory_space<vmem>> -> memref<1x128xi32, #tpu.memory_space<vmem>>
        %dma_start3A_283 = tpu.memref_squeeze %dma_start3A_282 : memref<1x128xi32, #tpu.memory_space<vmem>> -> memref<128xi32, #tpu.memory_space<vmem>>
        %dma_start3A_284 = arith.constant 0 : i32
        %dma_start3A_285 = arith.constant 0 : i32
        %dma_start3A_286 = tpu.memref_slice %arg2[%dma_start3A_284, %dma_start3A_285] : memref<133120x128xf32, #tpu.memory_space<hbm>> -> memref<133120x128xf32, #tpu.memory_space<hbm>>
        tpu.enqueue_indirect_dma source(%dma_start3A_286 : memref<133120x128xf32, #tpu.memory_space<hbm>>) target(%dma_start3A_280 : memref<128x128xf32, #tpu.memory_space<vmem>>) offsets(%dma_start3A_283 : memref<128xi32, #tpu.memory_space<vmem>>) semaphore(%arg10 : memref<!tpu.dma_semaphore, #tpu.memory_space<semaphore_mem>>)
      } else {
      }
    }
    %scan3A_44 = arith.constant 8 : i32
    %dma_wait3A = arith.constant 0 : i32
    %dma_wait3A_45 = arith.constant 0 : i32
    %dma_wait3A_46 = arith.constant 0 : i32
    %dma_wait3A_47 = tpu.memref_slice %arg6[%dma_wait3A, %dma_wait3A_45, %dma_wait3A_46] : memref<4x128x128xf32, #tpu.memory_space<vmem>> -> memref<1x128x128xf32, #tpu.memory_space<vmem>>
    %dma_wait3A_48 = tpu.memref_squeeze %dma_wait3A_47 : memref<1x128x128xf32, #tpu.memory_space<vmem>> -> memref<128x128xf32, #tpu.memory_space<vmem>>
    %dma_wait3A_49 = arith.constant 0 : i32
    %dma_wait3A_50 = arith.constant 0 : i32
    %dma_wait3A_51 = tpu.memref_slice %arg4[%dma_wait3A_49, %dma_wait3A_50] : memref<131072x128xf32, #tpu.memory_space<hbm>> -> memref<128x128xf32, #tpu.memory_space<hbm>>
    %dma_wait3A_52 = arith.constant 0 : i32
    %dma_wait3A_53 = arith.constant 0 : i32
    %dma_wait3A_54 = tpu.memref_slice %arg4[%dma_wait3A_52, %dma_wait3A_53] : memref<131072x128xf32, #tpu.memory_space<hbm>> -> memref<128x128xf32, #tpu.memory_space<hbm>>
    %dma_wait3A_55 = arith.constant 0 : i32
    %dma_wait3A_56 = arith.constant 0 : i32
    %dma_wait3A_57 = tpu.memref_slice %arg6[%dma_wait3A, %dma_wait3A_55, %dma_wait3A_56] : memref<4x128x128xf32, #tpu.memory_space<vmem>> -> memref<1x128x128xf32, #tpu.memory_space<vmem>>
    %dma_wait3A_58 = tpu.memref_squeeze %dma_wait3A_57 : memref<1x128x128xf32, #tpu.memory_space<vmem>> -> memref<128x128xf32, #tpu.memory_space<vmem>>
    tpu.wait_dma2 semaphore(%arg12 : memref<!tpu.dma_semaphore, #tpu.memory_space<semaphore_mem>>) src(%dma_wait3A_58 : memref<128x128xf32, #tpu.memory_space<vmem>>) dst(%dma_wait3A_54 : memref<128x128xf32, #tpu.memory_space<hbm>>)
    %dma_wait3A_59 = arith.constant 1 : i32
    %dma_wait3A_60 = arith.constant 0 : i32
    %dma_wait3A_61 = arith.constant 0 : i32
    %dma_wait3A_62 = tpu.memref_slice %arg6[%dma_wait3A_59, %dma_wait3A_60, %dma_wait3A_61] : memref<4x128x128xf32, #tpu.memory_space<vmem>> -> memref<1x128x128xf32, #tpu.memory_space<vmem>>
    %dma_wait3A_63 = tpu.memref_squeeze %dma_wait3A_62 : memref<1x128x128xf32, #tpu.memory_space<vmem>> -> memref<128x128xf32, #tpu.memory_space<vmem>>
    %dma_wait3A_64 = arith.constant 0 : i32
    %dma_wait3A_65 = arith.constant 0 : i32
    %dma_wait3A_66 = tpu.memref_slice %arg4[%dma_wait3A_64, %dma_wait3A_65] : memref<131072x128xf32, #tpu.memory_space<hbm>> -> memref<128x128xf32, #tpu.memory_space<hbm>>
    %dma_wait3A_67 = arith.constant 0 : i32
    %dma_wait3A_68 = arith.constant 0 : i32
    %dma_wait3A_69 = tpu.memref_slice %arg4[%dma_wait3A_67, %dma_wait3A_68] : memref<131072x128xf32, #tpu.memory_space<hbm>> -> memref<128x128xf32, #tpu.memory_space<hbm>>
    %dma_wait3A_70 = arith.constant 0 : i32
    %dma_wait3A_71 = arith.constant 0 : i32
    %dma_wait3A_72 = tpu.memref_slice %arg6[%dma_wait3A_59, %dma_wait3A_70, %dma_wait3A_71] : memref<4x128x128xf32, #tpu.memory_space<vmem>> -> memref<1x128x128xf32, #tpu.memory_space<vmem>>
    %dma_wait3A_73 = tpu.memref_squeeze %dma_wait3A_72 : memref<1x128x128xf32, #tpu.memory_space<vmem>> -> memref<128x128xf32, #tpu.memory_space<vmem>>
    tpu.wait_dma2 semaphore(%arg13 : memref<!tpu.dma_semaphore, #tpu.memory_space<semaphore_mem>>) src(%dma_wait3A_73 : memref<128x128xf32, #tpu.memory_space<vmem>>) dst(%dma_wait3A_69 : memref<128x128xf32, #tpu.memory_space<hbm>>)
    %dma_wait3A_74 = arith.constant 2 : i32
    %dma_wait3A_75 = arith.constant 0 : i32
    %dma_wait3A_76 = arith.constant 0 : i32
    %dma_wait3A_77 = tpu.memref_slice %arg6[%dma_wait3A_74, %dma_wait3A_75, %dma_wait3A_76] : memref<4x128x128xf32, #tpu.memory_space<vmem>> -> memref<1x128x128xf32, #tpu.memory_space<vmem>>
    %dma_wait3A_78 = tpu.memref_squeeze %dma_wait3A_77 : memref<1x128x128xf32, #tpu.memory_space<vmem>> -> memref<128x128xf32, #tpu.memory_space<vmem>>
    %dma_wait3A_79 = arith.constant 0 : i32
    %dma_wait3A_80 = arith.constant 0 : i32
    %dma_wait3A_81 = tpu.memref_slice %arg4[%dma_wait3A_79, %dma_wait3A_80] : memref<131072x128xf32, #tpu.memory_space<hbm>> -> memref<128x128xf32, #tpu.memory_space<hbm>>
    %dma_wait3A_82 = arith.constant 0 : i32
    %dma_wait3A_83 = arith.constant 0 : i32
    %dma_wait3A_84 = tpu.memref_slice %arg4[%dma_wait3A_82, %dma_wait3A_83] : memref<131072x128xf32, #tpu.memory_space<hbm>> -> memref<128x128xf32, #tpu.memory_space<hbm>>
    %dma_wait3A_85 = arith.constant 0 : i32
    %dma_wait3A_86 = arith.constant 0 : i32
    %dma_wait3A_87 = tpu.memref_slice %arg6[%dma_wait3A_74, %dma_wait3A_85, %dma_wait3A_86] : memref<4x128x128xf32, #tpu.memory_space<vmem>> -> memref<1x128x128xf32, #tpu.memory_space<vmem>>
    %dma_wait3A_88 = tpu.memref_squeeze %dma_wait3A_87 : memref<1x128x128xf32, #tpu.memory_space<vmem>> -> memref<128x128xf32, #tpu.memory_space<vmem>>
    tpu.wait_dma2 semaphore(%arg14 : memref<!tpu.dma_semaphore, #tpu.memory_space<semaphore_mem>>) src(%dma_wait3A_88 : memref<128x128xf32, #tpu.memory_space<vmem>>) dst(%dma_wait3A_84 : memref<128x128xf32, #tpu.memory_space<hbm>>)
    %dma_wait3A_89 = arith.constant 3 : i32
    %dma_wait3A_90 = arith.constant 0 : i32
    %dma_wait3A_91 = arith.constant 0 : i32
    %dma_wait3A_92 = tpu.memref_slice %arg6[%dma_wait3A_89, %dma_wait3A_90, %dma_wait3A_91] : memref<4x128x128xf32, #tpu.memory_space<vmem>> -> memref<1x128x128xf32, #tpu.memory_space<vmem>>
    %dma_wait3A_93 = tpu.memref_squeeze %dma_wait3A_92 : memref<1x128x128xf32, #tpu.memory_space<vmem>> -> memref<128x128xf32, #tpu.memory_space<vmem>>
    %dma_wait3A_94 = arith.constant 0 : i32
    %dma_wait3A_95 = arith.constant 0 : i32
    %dma_wait3A_96 = tpu.memref_slice %arg4[%dma_wait3A_94, %dma_wait3A_95] : memref<131072x128xf32, #tpu.memory_space<hbm>> -> memref<128x128xf32, #tpu.memory_space<hbm>>
    %dma_wait3A_97 = arith.constant 0 : i32
    %dma_wait3A_98 = arith.constant 0 : i32
    %dma_wait3A_99 = tpu.memref_slice %arg4[%dma_wait3A_97, %dma_wait3A_98] : memref<131072x128xf32, #tpu.memory_space<hbm>> -> memref<128x128xf32, #tpu.memory_space<hbm>>
    %dma_wait3A_100 = arith.constant 0 : i32
    %dma_wait3A_101 = arith.constant 0 : i32
    %dma_wait3A_102 = tpu.memref_slice %arg6[%dma_wait3A_89, %dma_wait3A_100, %dma_wait3A_101] : memref<4x128x128xf32, #tpu.memory_space<vmem>> -> memref<1x128x128xf32, #tpu.memory_space<vmem>>
    %dma_wait3A_103 = tpu.memref_squeeze %dma_wait3A_102 : memref<1x128x128xf32, #tpu.memory_space<vmem>> -> memref<128x128xf32, #tpu.memory_space<vmem>>
    tpu.wait_dma2 semaphore(%arg15 : memref<!tpu.dma_semaphore, #tpu.memory_space<semaphore_mem>>) src(%dma_wait3A_103 : memref<128x128xf32, #tpu.memory_space<vmem>>) dst(%dma_wait3A_99 : memref<128x128xf32, #tpu.memory_space<hbm>>)
    return
  }
}

module attributes {stable_mosaic.version = 14 : i64} {
  func.func @_pack_body(%arg0: i32, %arg1: memref<32x4096xf32, #tpu.memory_space<vmem>>, %arg2: memref<16x4096xf32, #tpu.memory_space<vmem>>, %arg3: memref<4096x128xf32, #tpu.memory_space<vmem>>) attributes {dimension_semantics = [#tpu.dimension_semantics<arbitrary>], iteration_bounds = array<i64: 32>, scalar_prefetch = 0 : i64, scratch_operands = 0 : i64, tpu.core_type = #tpu.core_type<tc>, window_params = [{transform_indices = @transform_0, window_bounds = array<i64: 32, 4096>}, {transform_indices = @transform_1, window_bounds = array<i64: 16, 4096>}, {transform_indices = @transform_2, window_bounds = array<i64: 4096, 128>}]} {
    %get3A = arith.constant 0 : index
    %get3A_0 = arith.constant 0 : index
    %get3A_1 = vector.load %arg1[%get3A, %get3A_0] : memref<32x4096xf32, #tpu.memory_space<vmem>>, vector<32x4096xf32>
    %transpose3A = tpu.transpose %get3A_1, [1, 0] : vector<32x4096xf32> -> vector<4096x32xf32>
    %get3A_2 = arith.constant 0 : index
    %get3A_3 = arith.constant 0 : index
    %get3A_4 = vector.load %arg2[%get3A_2, %get3A_3] : memref<16x4096xf32, #tpu.memory_space<vmem>>, vector<16x4096xf32>
    %transpose3A_5 = tpu.transpose %get3A_4, [1, 0] : vector<16x4096xf32> -> vector<4096x16xf32>
    %broadcast_in_dim3A = arith.constant 0.000000e+00 : f32
    %broadcast_in_dim3A_6 = vector.broadcast %broadcast_in_dim3A : f32 to vector<4096x80xf32>
    %concatenate3A = tpu.concatenate %transpose3A, %transpose3A_5, %broadcast_in_dim3A_6 in 1 : vector<4096x32xf32>, vector<4096x16xf32>, vector<4096x80xf32> -> vector<4096x128xf32>
    %swap3A = arith.constant 0 : index
    %swap3A_7 = arith.constant 0 : index
    %swap3A_8 = vector.load %arg3[%swap3A, %swap3A_7] : memref<4096x128xf32, #tpu.memory_space<vmem>>, vector<4096x128xf32>
    tpu.vector_store %arg3[%swap3A, %swap3A_7], %concatenate3A {strides = array<i32>} : memref<4096x128xf32, #tpu.memory_space<vmem>>, vector<4096x128xf32>,
    return
  }
  func.func @transform_0(%arg0: i32) -> (i32, i32) {
    %c0_i32 = arith.constant 0 : i32
    %c0_i32_0 = arith.constant 0 : i32
    return %c0_i32, %arg0 : i32, i32
  }
  func.func @transform_1(%arg0: i32) -> (i32, i32) {
    %c0_i32 = arith.constant 0 : i32
    %c0_i32_0 = arith.constant 0 : i32
    return %c0_i32, %arg0 : i32, i32
  }
  func.func @transform_2(%arg0: i32) -> (i32, i32) {
    %c0_i32 = arith.constant 0 : i32
    %c0_i32_0 = arith.constant 0 : i32
    return %arg0, %c0_i32 : i32, i32
  }
}

module attributes {stable_mosaic.version = 14 : i64} {
  func.func @body(%arg0: i32, %arg1: i32, %arg2: memref<5xi32, #tpu.memory_space<smem>>, %arg3: memref<1x2048x128xf32, #tpu.memory_space<vmem>>, %arg4: memref<1x32x64xf32, #tpu.memory_space<vmem>>, %arg5: memref<1x16x64xf32, #tpu.memory_space<vmem>>, %arg6: memref<1x1x64xf32, #tpu.memory_space<vmem>>, %arg7: memref<1x64x64xf32, #tpu.memory_space<vmem>>, %arg8: memref<1x1x64xf32, #tpu.memory_space<vmem>>, %arg9: memref<1x64x33xf32, #tpu.memory_space<vmem>>, %arg10: memref<1x1x33xf32, #tpu.memory_space<vmem>>, %arg11: memref<1x64x33xf32, #tpu.memory_space<vmem>>, %arg12: memref<1x1x33xf32, #tpu.memory_space<vmem>>, %arg13: memref<1x33xf32, #tpu.memory_space<vmem>>, %arg14: memref<1x33xf32, #tpu.memory_space<vmem>>, %arg15: memref<1x32xf32, #tpu.memory_space<vmem>>, %arg16: memref<1x32xf32, #tpu.memory_space<vmem>>, %arg17: memref<1x16xf32, #tpu.memory_space<vmem>>, %arg18: memref<1x16xf32, #tpu.memory_space<vmem>>, %arg19: memref<1x2048x33xf32, #tpu.memory_space<vmem>>, %arg20: memref<5x26624x128xf32, #tpu.memory_space<any>>, %arg21: memref<1x2048x128xf32, #tpu.memory_space<vmem>>) attributes {dimension_semantics = [#tpu.dimension_semantics<arbitrary>, #tpu.dimension_semantics<arbitrary>], iteration_bounds = array<i64: 3, 13>, scalar_prefetch = 1 : i64, scratch_operands = 0 : i64, tpu.core_type = #tpu.core_type<tc>, window_params = [{transform_indices = @transform_0, window_bounds = array<i64: 1, 2048, 128>}, {transform_indices = @transform_1, window_bounds = array<i64: 1, 32, 64>}, {transform_indices = @transform_2, window_bounds = array<i64: 1, 16, 64>}, {transform_indices = @transform_3, window_bounds = array<i64: 1, 1, 64>}, {transform_indices = @transform_4, window_bounds = array<i64: 1, 64, 64>}, {transform_indices = @transform_5, window_bounds = array<i64: 1, 1, 64>}, {transform_indices = @transform_6, window_bounds = array<i64: 1, 64, 33>}, {transform_indices = @transform_7, window_bounds = array<i64: 1, 1, 33>}, {transform_indices = @transform_8, window_bounds = array<i64: 1, 64, 33>}, {transform_indices = @transform_9, window_bounds = array<i64: 1, 1, 33>}, {pipeline_mode = #tpu.pipeline_mode<synchronous>, transform_indices = @transform_10, window_bounds = array<i64: 1, 33>}, {pipeline_mode = #tpu.pipeline_mode<synchronous>, transform_indices = @transform_11, window_bounds = array<i64: 1, 33>}, {pipeline_mode = #tpu.pipeline_mode<synchronous>, transform_indices = @transform_12, window_bounds = array<i64: 1, 32>}, {pipeline_mode = #tpu.pipeline_mode<synchronous>, transform_indices = @transform_13, window_bounds = array<i64: 1, 32>}, {pipeline_mode = #tpu.pipeline_mode<synchronous>, transform_indices = @transform_14, window_bounds = array<i64: 1, 16>}, {pipeline_mode = #tpu.pipeline_mode<synchronous>, transform_indices = @transform_15, window_bounds = array<i64: 1, 16>}, {transform_indices = @transform_16, window_bounds = array<i64: 1, 2048, 33>}, {}, {transform_indices = @transform_18, window_bounds = array<i64: 1, 2048, 128>}]} {
    %get3A = arith.constant 0 : index
    %get3A_0 = arith.constant 0 : index
    %get3A_1 = arith.constant 0 : index
    %get3A_2 = vector.load %arg3[%get3A, %get3A_0, %get3A_1] : memref<1x2048x128xf32, #tpu.memory_space<vmem>>, vector<1x2048x128xf32>
    %get3A_3 = vector.shape_cast %get3A_2 : vector<1x2048x128xf32> to vector<2048x128xf32>
    %slice3A = vector.extract_strided_slice %get3A_3 {offsets = [0, 0], sizes = [2048, 32], strides = [1, 1]} : vector<2048x128xf32> to vector<2048x32xf32>
    %slice3A_4 = vector.extract_strided_slice %get3A_3 {offsets = [0, 32], sizes = [2048, 16], strides = [1, 1]} : vector<2048x128xf32> to vector<2048x16xf32>
    %get3A_5 = arith.constant 0 : index
    %get3A_6 = arith.constant 0 : index
    %get3A_7 = vector.load %arg15[%get3A_5, %get3A_6] : memref<1x32xf32, #tpu.memory_space<vmem>>, vector<1x32xf32>
    %sub3A = vector.broadcast %get3A_7 : vector<1x32xf32> to vector<2048x32xf32>
    %sub3A_8 = arith.subf %slice3A, %sub3A : vector<2048x32xf32>
    %get3A_9 = arith.constant 0 : index
    %get3A_10 = arith.constant 0 : index
    %get3A_11 = vector.load %arg16[%get3A_9, %get3A_10] : memref<1x32xf32, #tpu.memory_space<vmem>>, vector<1x32xf32>
    %mul3A = vector.broadcast %get3A_11 : vector<1x32xf32> to vector<2048x32xf32>
    %mul3A_12 = arith.mulf %sub3A_8, %mul3A : vector<2048x32xf32>
    %get3A_13 = arith.constant 0 : index
    %get3A_14 = arith.constant 0 : index
    %get3A_15 = vector.load %arg17[%get3A_13, %get3A_14] : memref<1x16xf32, #tpu.memory_space<vmem>>, vector<1x16xf32>
    %sub3A_16 = vector.broadcast %get3A_15 : vector<1x16xf32> to vector<2048x16xf32>
    %sub3A_17 = arith.subf %slice3A_4, %sub3A_16 : vector<2048x16xf32>
    %get3A_18 = arith.constant 0 : index
    %get3A_19 = arith.constant 0 : index
    %get3A_20 = vector.load %arg18[%get3A_18, %get3A_19] : memref<1x16xf32, #tpu.memory_space<vmem>>, vector<1x16xf32>
    %mul3A_21 = vector.broadcast %get3A_20 : vector<1x16xf32> to vector<2048x16xf32>
    %mul3A_22 = arith.mulf %sub3A_17, %mul3A_21 : vector<2048x16xf32>
    %get3A_23 = arith.constant 0 : index
    %get3A_24 = arith.constant 0 : index
    %get3A_25 = arith.constant 0 : index
    %get3A_26 = vector.load %arg4[%get3A_23, %get3A_24, %get3A_25] : memref<1x32x64xf32, #tpu.memory_space<vmem>>, vector<1x32x64xf32>
    %get3A_27 = vector.shape_cast %get3A_26 : vector<1x32x64xf32> to vector<32x64xf32>
    %dot_general3A = arith.constant dense<0.000000e+00> : vector<2048x64xf32>
    %dot_general3A_28 = tpu.matmul %mul3A_12, %get3A_27, %dot_general3A {dimension_numbers = #tpu.dot_dimension_numbers<[1], [0], [0], [1], [0, 0, 1, 1], [], []>, transpose_lhs_hint = false} : vector<2048x32xf32>, vector<32x64xf32>, vector<2048x64xf32> -> vector<2048x64xf32>
    %get3A_29 = arith.constant 0 : index
    %get3A_30 = arith.constant 0 : index
    %get3A_31 = arith.constant 0 : index
    %get3A_32 = vector.load %arg5[%get3A_29, %get3A_30, %get3A_31] : memref<1x16x64xf32, #tpu.memory_space<vmem>>, vector<1x16x64xf32>
    %get3A_33 = vector.shape_cast %get3A_32 : vector<1x16x64xf32> to vector<16x64xf32>
    %dot_general3A_34 = arith.constant dense<0.000000e+00> : vector<2048x64xf32>
    %dot_general3A_35 = tpu.matmul %mul3A_22, %get3A_33, %dot_general3A_34 {dimension_numbers = #tpu.dot_dimension_numbers<[1], [0], [0], [1], [0, 0, 1, 1], [], []>, transpose_lhs_hint = false} : vector<2048x16xf32>, vector<16x64xf32>, vector<2048x64xf32> -> vector<2048x64xf32>
    %add3A = arith.addf %dot_general3A_28, %dot_general3A_35 : vector<2048x64xf32>
    %get3A_36 = arith.constant 0 : index
    %get3A_37 = arith.constant 0 : index
    %get3A_38 = arith.constant 0 : index
    %get3A_39 = vector.load %arg6[%get3A_36, %get3A_37, %get3A_38] : memref<1x1x64xf32, #tpu.memory_space<vmem>>, vector<1x1x64xf32>
    %get3A_40 = vector.shape_cast %get3A_39 : vector<1x1x64xf32> to vector<1x64xf32>
    %add3A_41 = vector.broadcast %get3A_40 : vector<1x64xf32> to vector<2048x64xf32>
    %add3A_42 = arith.addf %add3A, %add3A_41 : vector<2048x64xf32>
    %mul3A_43 = arith.constant 5.000000e-01 : f32
    %mul3A_44 = vector.broadcast %mul3A_43 : f32 to vector<2048x64xf32>
    %mul3A_45 = arith.mulf %mul3A_44, %add3A_42 : vector<2048x64xf32>
    %mul3A_46 = arith.constant 5.000000e-01 : f32
    %mul3A_47 = vector.broadcast %mul3A_46 : f32 to vector<2048x64xf32>
    %mul3A_48 = arith.mulf %mul3A_47, %add3A_42 : vector<2048x64xf32>
    %tanh3A = math.tanh %mul3A_48 : vector<2048x64xf32>
    %add3A_49 = arith.constant 1.000000e+00 : f32
    %add3A_50 = vector.broadcast %add3A_49 : f32 to vector<2048x64xf32>
    %add3A_51 = arith.addf %add3A_50, %tanh3A : vector<2048x64xf32>
    %mul3A_52 = arith.mulf %mul3A_45, %add3A_51 : vector<2048x64xf32>
    %get3A_53 = arith.constant 0 : index
    %get3A_54 = arith.constant 0 : index
    %get3A_55 = arith.constant 0 : index
    %get3A_56 = vector.load %arg7[%get3A_53, %get3A_54, %get3A_55] : memref<1x64x64xf32, #tpu.memory_space<vmem>>, vector<1x64x64xf32>
    %get3A_57 = vector.shape_cast %get3A_56 : vector<1x64x64xf32> to vector<64x64xf32>
    %dot_general3A_58 = arith.constant dense<0.000000e+00> : vector<2048x64xf32>
    %dot_general3A_59 = tpu.matmul %mul3A_52, %get3A_57, %dot_general3A_58 {dimension_numbers = #tpu.dot_dimension_numbers<[1], [0], [0], [1], [0, 0, 1, 1], [], []>, transpose_lhs_hint = false} : vector<2048x64xf32>, vector<64x64xf32>, vector<2048x64xf32> -> vector<2048x64xf32>
    %get3A_60 = arith.constant 0 : index
    %get3A_61 = arith.constant 0 : index
    %get3A_62 = arith.constant 0 : index
    %get3A_63 = vector.load %arg8[%get3A_60, %get3A_61, %get3A_62] : memref<1x1x64xf32, #tpu.memory_space<vmem>>, vector<1x1x64xf32>
    %get3A_64 = vector.shape_cast %get3A_63 : vector<1x1x64xf32> to vector<1x64xf32>
    %add3A_65 = vector.broadcast %get3A_64 : vector<1x64xf32> to vector<2048x64xf32>
    %add3A_66 = arith.addf %dot_general3A_59, %add3A_65 : vector<2048x64xf32>
    %mul3A_67 = arith.constant 5.000000e-01 : f32
    %mul3A_68 = vector.broadcast %mul3A_67 : f32 to vector<2048x64xf32>
    %mul3A_69 = arith.mulf %mul3A_68, %add3A_66 : vector<2048x64xf32>
    %mul3A_70 = arith.constant 5.000000e-01 : f32
    %mul3A_71 = vector.broadcast %mul3A_70 : f32 to vector<2048x64xf32>
    %mul3A_72 = arith.mulf %mul3A_71, %add3A_66 : vector<2048x64xf32>
    %tanh3A_73 = math.tanh %mul3A_72 : vector<2048x64xf32>
    %add3A_74 = arith.constant 1.000000e+00 : f32
    %add3A_75 = vector.broadcast %add3A_74 : f32 to vector<2048x64xf32>
    %add3A_76 = arith.addf %add3A_75, %tanh3A_73 : vector<2048x64xf32>
    %mul3A_77 = arith.mulf %mul3A_69, %add3A_76 : vector<2048x64xf32>
    %get3A_78 = arith.constant 0 : index
    %get3A_79 = arith.constant 0 : index
    %get3A_80 = arith.constant 0 : index
    %get3A_81 = vector.load %arg9[%get3A_78, %get3A_79, %get3A_80] : memref<1x64x33xf32, #tpu.memory_space<vmem>>, vector<1x64x33xf32>
    %get3A_82 = vector.shape_cast %get3A_81 : vector<1x64x33xf32> to vector<64x33xf32>
    %dot_general3A_83 = arith.constant dense<0.000000e+00> : vector<2048x33xf32>
    %dot_general3A_84 = tpu.matmul %mul3A_77, %get3A_82, %dot_general3A_83 {dimension_numbers = #tpu.dot_dimension_numbers<[1], [0], [0], [1], [0, 0, 1, 1], [], []>, transpose_lhs_hint = false} : vector<2048x64xf32>, vector<64x33xf32>, vector<2048x33xf32> -> vector<2048x33xf32>
    %get3A_85 = arith.constant 0 : index
    %get3A_86 = arith.constant 0 : index
    %get3A_87 = arith.constant 0 : index
    %get3A_88 = vector.load %arg10[%get3A_85, %get3A_86, %get3A_87] : memref<1x1x33xf32, #tpu.memory_space<vmem>>, vector<1x1x33xf32>
    %get3A_89 = vector.shape_cast %get3A_88 : vector<1x1x33xf32> to vector<1x33xf32>
    %add3A_90 = vector.broadcast %get3A_89 : vector<1x33xf32> to vector<2048x33xf32>
    %add3A_91 = arith.addf %dot_general3A_84, %add3A_90 : vector<2048x33xf32>
    %get3A_92 = arith.constant 0 : index
    %get3A_93 = arith.constant 0 : index
    %get3A_94 = arith.constant 0 : index
    %get3A_95 = vector.load %arg11[%get3A_92, %get3A_93, %get3A_94] : memref<1x64x33xf32, #tpu.memory_space<vmem>>, vector<1x64x33xf32>
    %get3A_96 = vector.shape_cast %get3A_95 : vector<1x64x33xf32> to vector<64x33xf32>
    %dot_general3A_97 = arith.constant dense<0.000000e+00> : vector<2048x33xf32>
    %dot_general3A_98 = tpu.matmul %mul3A_77, %get3A_96, %dot_general3A_97 {dimension_numbers = #tpu.dot_dimension_numbers<[1], [0], [0], [1], [0, 0, 1, 1], [], []>, transpose_lhs_hint = false} : vector<2048x64xf32>, vector<64x33xf32>, vector<2048x33xf32> -> vector<2048x33xf32>
    %get3A_99 = arith.constant 0 : index
    %get3A_100 = arith.constant 0 : index
    %get3A_101 = arith.constant 0 : index
    %get3A_102 = vector.load %arg12[%get3A_99, %get3A_100, %get3A_101] : memref<1x1x33xf32, #tpu.memory_space<vmem>>, vector<1x1x33xf32>
    %get3A_103 = vector.shape_cast %get3A_102 : vector<1x1x33xf32> to vector<1x33xf32>
    %add3A_104 = vector.broadcast %get3A_103 : vector<1x33xf32> to vector<2048x33xf32>
    %add3A_105 = arith.addf %dot_general3A_98, %add3A_104 : vector<2048x33xf32>
    %get3A_106 = arith.constant 0 : index
    %get3A_107 = arith.constant 0 : index
    %get3A_108 = vector.load %arg13[%get3A_106, %get3A_107] : memref<1x33xf32, #tpu.memory_space<vmem>>, vector<1x33xf32>
    %get3A_109 = arith.constant 0 : index
    %get3A_110 = arith.constant 0 : index
    %get3A_111 = vector.load %arg14[%get3A_109, %get3A_110] : memref<1x33xf32, #tpu.memory_space<vmem>>, vector<1x33xf32>
    %sub3A_112 = arith.subf %get3A_108, %get3A_111 : vector<1x33xf32>
    %exp3A = math.exp %sub3A_112 : vector<1x33xf32>
    %mul3A_113 = arith.constant 5.000000e-01 : f32
    %mul3A_114 = vector.broadcast %mul3A_113 : f32 to vector<1x33xf32>
    %mul3A_115 = arith.mulf %mul3A_114, %get3A_111 : vector<1x33xf32>
    %exp3A_116 = math.exp %mul3A_115 : vector<1x33xf32>
    %sub3A_117 = vector.broadcast %get3A_108 : vector<1x33xf32> to vector<2048x33xf32>
    %sub3A_118 = arith.subf %sub3A_117, %add3A_105 : vector<2048x33xf32>
    %exp3A_119 = math.exp %sub3A_118 : vector<2048x33xf32>
    %add3A_120 = arith.constant 1.000000e+00 : f32
    %add3A_121 = vector.broadcast %add3A_120 : f32 to vector<2048x33xf32>
    %add3A_122 = arith.addf %add3A_121, %exp3A_119 : vector<2048x33xf32>
    %add3A_123 = vector.broadcast %exp3A : vector<1x33xf32> to vector<2048x33xf32>
    %add3A_124 = arith.addf %add3A_122, %add3A_123 : vector<2048x33xf32>
    %sqrt3A = math.sqrt %add3A_124 : vector<2048x33xf32>
    %rsqrt3A = math.rsqrt %add3A_122 : vector<2048x33xf32>
    %mul3A_125 = arith.mulf %sqrt3A, %rsqrt3A : vector<2048x33xf32>
    %mul3A_126 = vector.broadcast %exp3A_116 : vector<1x33xf32> to vector<2048x33xf32>
    %mul3A_127 = arith.mulf %mul3A_126, %mul3A_125 : vector<2048x33xf32>
    %get3A_128 = arith.constant 0 : index
    %get3A_129 = arith.constant 0 : index
    %get3A_130 = arith.constant 0 : index
    %get3A_131 = vector.load %arg19[%get3A_128, %get3A_129, %get3A_130] : memref<1x2048x33xf32, #tpu.memory_space<vmem>>, vector<1x2048x33xf32>
    %get3A_132 = vector.shape_cast %get3A_131 : vector<1x2048x33xf32> to vector<2048x33xf32>
    %mul3A_133 = arith.mulf %get3A_132, %mul3A_127 : vector<2048x33xf32>
    %add3A_134 = arith.addf %add3A_91, %mul3A_133 : vector<2048x33xf32>
    %slice3A_135 = vector.extract_strided_slice %add3A_134 {offsets = [0, 0], sizes = [2048, 32], strides = [1, 1]} : vector<2048x33xf32> to vector<2048x32xf32>
    %add3A_136 = arith.addf %slice3A_135, %slice3A : vector<2048x32xf32>
    %swap3A = arith.constant 0 : index
    %swap3A_137 = arith.constant 0 : index
    %swap3A_138 = arith.constant 0 : index
    %swap3A_139 = vector.load %arg21[%swap3A, %swap3A_137, %swap3A_138] : memref<1x2048x128xf32, #tpu.memory_space<vmem>>, vector<1x2048x32xf32>
    %swap3A_140 = vector.shape_cast %swap3A_139 : vector<1x2048x32xf32> to vector<2048x32xf32>
    %swap3A_141 = vector.shape_cast %add3A_136 : vector<2048x32xf32> to vector<1x2048x32xf32>
    tpu.vector_store %arg21[%swap3A, %swap3A_137, %swap3A_138], %swap3A_141 {strides = array<i32>} : memref<1x2048x128xf32, #tpu.memory_space<vmem>>, vector<1x2048x32xf32>,
    %slice3A_142 = vector.extract_strided_slice %add3A_134 {offsets = [0, 32], sizes = [2048, 1], strides = [1, 1]} : vector<2048x33xf32> to vector<2048x1xf32>
    %swap3A_143 = arith.constant 0 : index
    %swap3A_144 = arith.constant 0 : index
    %swap3A_145 = arith.constant 32 : index
    %swap3A_146 = vector.load %arg21[%swap3A_143, %swap3A_144, %swap3A_145] : memref<1x2048x128xf32, #tpu.memory_space<vmem>>, vector<1x2048x1xf32>
    %swap3A_147 = vector.shape_cast %swap3A_146 : vector<1x2048x1xf32> to vector<2048x1xf32>
    %swap3A_148 = vector.shape_cast %slice3A_142 : vector<2048x1xf32> to vector<1x2048x1xf32>
    tpu.vector_store %arg21[%swap3A_143, %swap3A_144, %swap3A_145], %swap3A_148 {strides = array<i32>} : memref<1x2048x128xf32, #tpu.memory_space<vmem>>, vector<1x2048x1xf32>,
    %broadcast_in_dim3A = arith.constant 0.000000e+00 : f32
    %broadcast_in_dim3A_149 = vector.broadcast %broadcast_in_dim3A : f32 to vector<2048x95xf32>
    %swap3A_150 = arith.constant 0 : index
    %swap3A_151 = arith.constant 0 : index
    %swap3A_152 = arith.constant 33 : index
    %swap3A_153 = vector.load %arg21[%swap3A_150, %swap3A_151, %swap3A_152] : memref<1x2048x128xf32, #tpu.memory_space<vmem>>, vector<1x2048x95xf32>
    %swap3A_154 = vector.shape_cast %swap3A_153 : vector<1x2048x95xf32> to vector<2048x95xf32>
    %swap3A_155 = vector.shape_cast %broadcast_in_dim3A_149 : vector<2048x95xf32> to vector<1x2048x95xf32>
    tpu.vector_store %arg21[%swap3A_150, %swap3A_151, %swap3A_152], %swap3A_155 {strides = array<i32>} : memref<1x2048x128xf32, #tpu.memory_space<vmem>>, vector<1x2048x95xf32>,
    return
  }
  func.func @transform_0(%arg0: i32, %arg1: i32, %arg2: memref<5xi32, #tpu.memory_space<smem>>) -> (i32, i32, i32) {
    %c0_i32 = arith.constant 0 : i32
    %c0_i32_0 = arith.constant 0 : i32
    return %arg0, %arg1, %c0_i32 : i32, i32, i32
  }
  func.func @transform_1(%arg0: i32, %arg1: i32, %arg2: memref<5xi32, #tpu.memory_space<smem>>) -> (i32, i32, i32) {
    %add3A = arith.constant 2 : i32
    %add3A_0 = arith.addi %arg0, %add3A : i32
    %get3A = arith.index_cast %add3A_0 : i32 to index
    %get3A_1 = memref.load %arg2[%get3A] : memref<5xi32, #tpu.memory_space<smem>>
    %c0_i32 = arith.constant 0 : i32
    %c0_i32_2 = arith.constant 0 : i32
    %c0_i32_3 = arith.constant 0 : i32
    return %get3A_1, %c0_i32, %c0_i32_2 : i32, i32, i32
  }
  func.func @transform_2(%arg0: i32, %arg1: i32, %arg2: memref<5xi32, #tpu.memory_space<smem>>) -> (i32, i32, i32) {
    %add3A = arith.constant 2 : i32
    %add3A_0 = arith.addi %arg0, %add3A : i32
    %get3A = arith.index_cast %add3A_0 : i32 to index
    %get3A_1 = memref.load %arg2[%get3A] : memref<5xi32, #tpu.memory_space<smem>>
    %c0_i32 = arith.constant 0 : i32
    %c0_i32_2 = arith.constant 0 : i32
    %c0_i32_3 = arith.constant 0 : i32
    return %get3A_1, %c0_i32, %c0_i32_2 : i32, i32, i32
  }
  func.func @transform_3(%arg0: i32, %arg1: i32, %arg2: memref<5xi32, #tpu.memory_space<smem>>) -> (i32, i32, i32) {
    %add3A = arith.constant 2 : i32
    %add3A_0 = arith.addi %arg0, %add3A : i32
    %get3A = arith.index_cast %add3A_0 : i32 to index
    %get3A_1 = memref.load %arg2[%get3A] : memref<5xi32, #tpu.memory_space<smem>>
    %c0_i32 = arith.constant 0 : i32
    %c0_i32_2 = arith.constant 0 : i32
    %c0_i32_3 = arith.constant 0 : i32
    return %get3A_1, %c0_i32, %c0_i32_2 : i32, i32, i32
  }
  func.func @transform_4(%arg0: i32, %arg1: i32, %arg2: memref<5xi32, #tpu.memory_space<smem>>) -> (i32, i32, i32) {
    %add3A = arith.constant 2 : i32
    %add3A_0 = arith.addi %arg0, %add3A : i32
    %get3A = arith.index_cast %add3A_0 : i32 to index
    %get3A_1 = memref.load %arg2[%get3A] : memref<5xi32, #tpu.memory_space<smem>>
    %c0_i32 = arith.constant 0 : i32
    %c0_i32_2 = arith.constant 0 : i32
    %c0_i32_3 = arith.constant 0 : i32
    return %get3A_1, %c0_i32, %c0_i32_2 : i32, i32, i32
  }
  func.func @transform_5(%arg0: i32, %arg1: i32, %arg2: memref<5xi32, #tpu.memory_space<smem>>) -> (i32, i32, i32) {
    %add3A = arith.constant 2 : i32
    %add3A_0 = arith.addi %arg0, %add3A : i32
    %get3A = arith.index_cast %add3A_0 : i32 to index
    %get3A_1 = memref.load %arg2[%get3A] : memref<5xi32, #tpu.memory_space<smem>>
    %c0_i32 = arith.constant 0 : i32
    %c0_i32_2 = arith.constant 0 : i32
    %c0_i32_3 = arith.constant 0 : i32
    return %get3A_1, %c0_i32, %c0_i32_2 : i32, i32, i32
  }
  func.func @transform_6(%arg0: i32, %arg1: i32, %arg2: memref<5xi32, #tpu.memory_space<smem>>) -> (i32, i32, i32) {
    %add3A = arith.constant 2 : i32
    %add3A_0 = arith.addi %arg0, %add3A : i32
    %get3A = arith.index_cast %add3A_0 : i32 to index
    %get3A_1 = memref.load %arg2[%get3A] : memref<5xi32, #tpu.memory_space<smem>>
    %c0_i32 = arith.constant 0 : i32
    %c0_i32_2 = arith.constant 0 : i32
    %c0_i32_3 = arith.constant 0 : i32
    return %get3A_1, %c0_i32, %c0_i32_2 : i32, i32, i32
  }
  func.func @transform_7(%arg0: i32, %arg1: i32, %arg2: memref<5xi32, #tpu.memory_space<smem>>) -> (i32, i32, i32) {
    %add3A = arith.constant 2 : i32
    %add3A_0 = arith.addi %arg0, %add3A : i32
    %get3A = arith.index_cast %add3A_0 : i32 to index
    %get3A_1 = memref.load %arg2[%get3A] : memref<5xi32, #tpu.memory_space<smem>>
    %c0_i32 = arith.constant 0 : i32
    %c0_i32_2 = arith.constant 0 : i32
    %c0_i32_3 = arith.constant 0 : i32
    return %get3A_1, %c0_i32, %c0_i32_2 : i32, i32, i32
  }
  func.func @transform_8(%arg0: i32, %arg1: i32, %arg2: memref<5xi32, #tpu.memory_space<smem>>) -> (i32, i32, i32) {
    %add3A = arith.constant 2 : i32
    %add3A_0 = arith.addi %arg0, %add3A : i32
    %get3A = arith.index_cast %add3A_0 : i32 to index
    %get3A_1 = memref.load %arg2[%get3A] : memref<5xi32, #tpu.memory_space<smem>>
    %c0_i32 = arith.constant 0 : i32
    %c0_i32_2 = arith.constant 0 : i32
    %c0_i32_3 = arith.constant 0 : i32
    return %get3A_1, %c0_i32, %c0_i32_2 : i32, i32, i32
  }
  func.func @transform_9(%arg0: i32, %arg1: i32, %arg2: memref<5xi32, #tpu.memory_space<smem>>) -> (i32, i32, i32) {
    %add3A = arith.constant 2 : i32
    %add3A_0 = arith.addi %arg0, %add3A : i32
    %get3A = arith.index_cast %add3A_0 : i32 to index
    %get3A_1 = memref.load %arg2[%get3A] : memref<5xi32, #tpu.memory_space<smem>>
    %c0_i32 = arith.constant 0 : i32
    %c0_i32_2 = arith.constant 0 : i32
    %c0_i32_3 = arith.constant 0 : i32
    return %get3A_1, %c0_i32, %c0_i32_2 : i32, i32, i32
  }
  func.func @transform_10(%arg0: i32, %arg1: i32, %arg2: memref<5xi32, #tpu.memory_space<smem>>) -> (i32, i32) {
    %c0_i32 = arith.constant 0 : i32
    %c0_i32_0 = arith.constant 0 : i32
    %c0_i32_1 = arith.constant 0 : i32
    return %c0_i32, %c0_i32_0 : i32, i32
  }
  func.func @transform_11(%arg0: i32, %arg1: i32, %arg2: memref<5xi32, #tpu.memory_space<smem>>) -> (i32, i32) {
    %c0_i32 = arith.constant 0 : i32
    %c0_i32_0 = arith.constant 0 : i32
    %c0_i32_1 = arith.constant 0 : i32
    return %c0_i32, %c0_i32_0 : i32, i32
  }
  func.func @transform_12(%arg0: i32, %arg1: i32, %arg2: memref<5xi32, #tpu.memory_space<smem>>) -> (i32, i32) {
    %c0_i32 = arith.constant 0 : i32
    %c0_i32_0 = arith.constant 0 : i32
    %c0_i32_1 = arith.constant 0 : i32
    return %c0_i32, %c0_i32_0 : i32, i32
  }
  func.func @transform_13(%arg0: i32, %arg1: i32, %arg2: memref<5xi32, #tpu.memory_space<smem>>) -> (i32, i32) {
    %c0_i32 = arith.constant 0 : i32
    %c0_i32_0 = arith.constant 0 : i32
    %c0_i32_1 = arith.constant 0 : i32
    return %c0_i32, %c0_i32_0 : i32, i32
  }
  func.func @transform_14(%arg0: i32, %arg1: i32, %arg2: memref<5xi32, #tpu.memory_space<smem>>) -> (i32, i32) {
    %c0_i32 = arith.constant 0 : i32
    %c0_i32_0 = arith.constant 0 : i32
    %c0_i32_1 = arith.constant 0 : i32
    return %c0_i32, %c0_i32_0 : i32, i32
  }
  func.func @transform_15(%arg0: i32, %arg1: i32, %arg2: memref<5xi32, #tpu.memory_space<smem>>) -> (i32, i32) {
    %c0_i32 = arith.constant 0 : i32
    %c0_i32_0 = arith.constant 0 : i32
    %c0_i32_1 = arith.constant 0 : i32
    return %c0_i32, %c0_i32_0 : i32, i32
  }
  func.func @transform_16(%arg0: i32, %arg1: i32, %arg2: memref<5xi32, #tpu.memory_space<smem>>) -> (i32, i32, i32) {
    %add3A = arith.constant 2 : i32
    %add3A_0 = arith.addi %arg0, %add3A : i32
    %get3A = arith.index_cast %add3A_0 : i32 to index
    %get3A_1 = memref.load %arg2[%get3A] : memref<5xi32, #tpu.memory_space<smem>>
    %c0_i32 = arith.constant 0 : i32
    %c0_i32_2 = arith.constant 0 : i32
    return %get3A_1, %arg1, %c0_i32 : i32, i32, i32
  }
  func.func @transform_18(%arg0: i32, %arg1: i32, %arg2: memref<5xi32, #tpu.memory_space<smem>>) -> (i32, i32, i32) {
    %add3A = arith.constant 2 : i32
    %add3A_0 = arith.addi %arg0, %add3A : i32
    %c0_i32 = arith.constant 0 : i32
    %c0_i32_1 = arith.constant 0 : i32
    return %add3A_0, %arg1, %c0_i32 : i32, i32, i32
  }
}

module attributes {stable_mosaic.version = 14 : i64} {
  func.func @_mlp_body(%arg0: i32, %arg1: i32, %arg2: memref<5xi32, #tpu.memory_space<smem>>, %arg3: memref<1x2048x128xf32, #tpu.memory_space<vmem>>, %arg4: memref<1x32x64xf32, #tpu.memory_space<vmem>>, %arg5: memref<1x16x64xf32, #tpu.memory_space<vmem>>, %arg6: memref<1x1x64xf32, #tpu.memory_space<vmem>>, %arg7: memref<1x64x64xf32, #tpu.memory_space<vmem>>, %arg8: memref<1x1x64xf32, #tpu.memory_space<vmem>>, %arg9: memref<1x64x33xf32, #tpu.memory_space<vmem>>, %arg10: memref<1x1x33xf32, #tpu.memory_space<vmem>>, %arg11: memref<1x64x33xf32, #tpu.memory_space<vmem>>, %arg12: memref<1x1x33xf32, #tpu.memory_space<vmem>>, %arg13: memref<1x33xf32, #tpu.memory_space<vmem>>, %arg14: memref<1x33xf32, #tpu.memory_space<vmem>>, %arg15: memref<1x32xf32, #tpu.memory_space<vmem>>, %arg16: memref<1x32xf32, #tpu.memory_space<vmem>>, %arg17: memref<1x16xf32, #tpu.memory_space<vmem>>, %arg18: memref<1x16xf32, #tpu.memory_space<vmem>>, %arg19: memref<1x2048x33xf32, #tpu.memory_space<vmem>>, %arg20: memref<1x2048x128xf32, #tpu.memory_space<vmem>>) attributes {dimension_semantics = [#tpu.dimension_semantics<arbitrary>, #tpu.dimension_semantics<arbitrary>], iteration_bounds = array<i64: 2, 13>, scalar_prefetch = 1 : i64, scratch_operands = 0 : i64, tpu.core_type = #tpu.core_type<tc>, window_params = [{transform_indices = @transform_0, window_bounds = array<i64: 1, 2048, 128>}, {transform_indices = @transform_1, window_bounds = array<i64: 1, 32, 64>}, {transform_indices = @transform_2, window_bounds = array<i64: 1, 16, 64>}, {transform_indices = @transform_3, window_bounds = array<i64: 1, 1, 64>}, {transform_indices = @transform_4, window_bounds = array<i64: 1, 64, 64>}, {transform_indices = @transform_5, window_bounds = array<i64: 1, 1, 64>}, {transform_indices = @transform_6, window_bounds = array<i64: 1, 64, 33>}, {transform_indices = @transform_7, window_bounds = array<i64: 1, 1, 33>}, {transform_indices = @transform_8, window_bounds = array<i64: 1, 64, 33>}, {transform_indices = @transform_9, window_bounds = array<i64: 1, 1, 33>}, {pipeline_mode = #tpu.pipeline_mode<synchronous>, transform_indices = @transform_10, window_bounds = array<i64: 1, 33>}, {pipeline_mode = #tpu.pipeline_mode<synchronous>, transform_indices = @transform_11, window_bounds = array<i64: 1, 33>}, {pipeline_mode = #tpu.pipeline_mode<synchronous>, transform_indices = @transform_12, window_bounds = array<i64: 1, 32>}, {pipeline_mode = #tpu.pipeline_mode<synchronous>, transform_indices = @transform_13, window_bounds = array<i64: 1, 32>}, {pipeline_mode = #tpu.pipeline_mode<synchronous>, transform_indices = @transform_14, window_bounds = array<i64: 1, 16>}, {pipeline_mode = #tpu.pipeline_mode<synchronous>, transform_indices = @transform_15, window_bounds = array<i64: 1, 16>}, {transform_indices = @transform_16, window_bounds = array<i64: 1, 2048, 33>}, {transform_indices = @transform_17, window_bounds = array<i64: 1, 2048, 128>}]} {
    %get3A = arith.constant 0 : index
    %get3A_0 = arith.constant 0 : index
    %get3A_1 = arith.constant 0 : index
    %get3A_2 = vector.load %arg3[%get3A, %get3A_0, %get3A_1] : memref<1x2048x128xf32, #tpu.memory_space<vmem>>, vector<1x2048x128xf32>
    %get3A_3 = vector.shape_cast %get3A_2 : vector<1x2048x128xf32> to vector<2048x128xf32>
    %slice3A = vector.extract_strided_slice %get3A_3 {offsets = [0, 0], sizes = [2048, 32], strides = [1, 1]} : vector<2048x128xf32> to vector<2048x32xf32>
    %slice3A_4 = vector.extract_strided_slice %get3A_3 {offsets = [0, 32], sizes = [2048, 16], strides = [1, 1]} : vector<2048x128xf32> to vector<2048x16xf32>
    %get3A_5 = arith.constant 0 : index
    %get3A_6 = arith.constant 0 : index
    %get3A_7 = vector.load %arg15[%get3A_5, %get3A_6] : memref<1x32xf32, #tpu.memory_space<vmem>>, vector<1x32xf32>
    %sub3A = vector.broadcast %get3A_7 : vector<1x32xf32> to vector<2048x32xf32>
    %sub3A_8 = arith.subf %slice3A, %sub3A : vector<2048x32xf32>
    %get3A_9 = arith.constant 0 : index
    %get3A_10 = arith.constant 0 : index
    %get3A_11 = vector.load %arg16[%get3A_9, %get3A_10] : memref<1x32xf32, #tpu.memory_space<vmem>>, vector<1x32xf32>
    %mul3A = vector.broadcast %get3A_11 : vector<1x32xf32> to vector<2048x32xf32>
    %mul3A_12 = arith.mulf %sub3A_8, %mul3A : vector<2048x32xf32>
    %get3A_13 = arith.constant 0 : index
    %get3A_14 = arith.constant 0 : index
    %get3A_15 = vector.load %arg17[%get3A_13, %get3A_14] : memref<1x16xf32, #tpu.memory_space<vmem>>, vector<1x16xf32>
    %sub3A_16 = vector.broadcast %get3A_15 : vector<1x16xf32> to vector<2048x16xf32>
    %sub3A_17 = arith.subf %slice3A_4, %sub3A_16 : vector<2048x16xf32>
    %get3A_18 = arith.constant 0 : index
    %get3A_19 = arith.constant 0 : index
    %get3A_20 = vector.load %arg18[%get3A_18, %get3A_19] : memref<1x16xf32, #tpu.memory_space<vmem>>, vector<1x16xf32>
    %mul3A_21 = vector.broadcast %get3A_20 : vector<1x16xf32> to vector<2048x16xf32>
    %mul3A_22 = arith.mulf %sub3A_17, %mul3A_21 : vector<2048x16xf32>
    %get3A_23 = arith.constant 0 : index
    %get3A_24 = arith.constant 0 : index
    %get3A_25 = arith.constant 0 : index
    %get3A_26 = vector.load %arg4[%get3A_23, %get3A_24, %get3A_25] : memref<1x32x64xf32, #tpu.memory_space<vmem>>, vector<1x32x64xf32>
    %get3A_27 = vector.shape_cast %get3A_26 : vector<1x32x64xf32> to vector<32x64xf32>
    %dot_general3A = arith.constant dense<0.000000e+00> : vector<2048x64xf32>
    %dot_general3A_28 = tpu.matmul %mul3A_12, %get3A_27, %dot_general3A {dimension_numbers = #tpu.dot_dimension_numbers<[1], [0], [0], [1], [0, 0, 1, 1], [], []>, transpose_lhs_hint = false} : vector<2048x32xf32>, vector<32x64xf32>, vector<2048x64xf32> -> vector<2048x64xf32>
    %get3A_29 = arith.constant 0 : index
    %get3A_30 = arith.constant 0 : index
    %get3A_31 = arith.constant 0 : index
    %get3A_32 = vector.load %arg5[%get3A_29, %get3A_30, %get3A_31] : memref<1x16x64xf32, #tpu.memory_space<vmem>>, vector<1x16x64xf32>
    %get3A_33 = vector.shape_cast %get3A_32 : vector<1x16x64xf32> to vector<16x64xf32>
    %dot_general3A_34 = arith.constant dense<0.000000e+00> : vector<2048x64xf32>
    %dot_general3A_35 = tpu.matmul %mul3A_22, %get3A_33, %dot_general3A_34 {dimension_numbers = #tpu.dot_dimension_numbers<[1], [0], [0], [1], [0, 0, 1, 1], [], []>, transpose_lhs_hint = false} : vector<2048x16xf32>, vector<16x64xf32>, vector<2048x64xf32> -> vector<2048x64xf32>
    %add3A = arith.addf %dot_general3A_28, %dot_general3A_35 : vector<2048x64xf32>
    %get3A_36 = arith.constant 0 : index
    %get3A_37 = arith.constant 0 : index
    %get3A_38 = arith.constant 0 : index
    %get3A_39 = vector.load %arg6[%get3A_36, %get3A_37, %get3A_38] : memref<1x1x64xf32, #tpu.memory_space<vmem>>, vector<1x1x64xf32>
    %get3A_40 = vector.shape_cast %get3A_39 : vector<1x1x64xf32> to vector<1x64xf32>
    %add3A_41 = vector.broadcast %get3A_40 : vector<1x64xf32> to vector<2048x64xf32>
    %add3A_42 = arith.addf %add3A, %add3A_41 : vector<2048x64xf32>
    %mul3A_43 = arith.constant 5.000000e-01 : f32
    %mul3A_44 = vector.broadcast %mul3A_43 : f32 to vector<2048x64xf32>
    %mul3A_45 = arith.mulf %mul3A_44, %add3A_42 : vector<2048x64xf32>
    %mul3A_46 = arith.constant 5.000000e-01 : f32
    %mul3A_47 = vector.broadcast %mul3A_46 : f32 to vector<2048x64xf32>
    %mul3A_48 = arith.mulf %mul3A_47, %add3A_42 : vector<2048x64xf32>
    %tanh3A = math.tanh %mul3A_48 : vector<2048x64xf32>
    %add3A_49 = arith.constant 1.000000e+00 : f32
    %add3A_50 = vector.broadcast %add3A_49 : f32 to vector<2048x64xf32>
    %add3A_51 = arith.addf %add3A_50, %tanh3A : vector<2048x64xf32>
    %mul3A_52 = arith.mulf %mul3A_45, %add3A_51 : vector<2048x64xf32>
    %get3A_53 = arith.constant 0 : index
    %get3A_54 = arith.constant 0 : index
    %get3A_55 = arith.constant 0 : index
    %get3A_56 = vector.load %arg7[%get3A_53, %get3A_54, %get3A_55] : memref<1x64x64xf32, #tpu.memory_space<vmem>>, vector<1x64x64xf32>
    %get3A_57 = vector.shape_cast %get3A_56 : vector<1x64x64xf32> to vector<64x64xf32>
    %dot_general3A_58 = arith.constant dense<0.000000e+00> : vector<2048x64xf32>
    %dot_general3A_59 = tpu.matmul %mul3A_52, %get3A_57, %dot_general3A_58 {dimension_numbers = #tpu.dot_dimension_numbers<[1], [0], [0], [1], [0, 0, 1, 1], [], []>, transpose_lhs_hint = false} : vector<2048x64xf32>, vector<64x64xf32>, vector<2048x64xf32> -> vector<2048x64xf32>
    %get3A_60 = arith.constant 0 : index
    %get3A_61 = arith.constant 0 : index
    %get3A_62 = arith.constant 0 : index
    %get3A_63 = vector.load %arg8[%get3A_60, %get3A_61, %get3A_62] : memref<1x1x64xf32, #tpu.memory_space<vmem>>, vector<1x1x64xf32>
    %get3A_64 = vector.shape_cast %get3A_63 : vector<1x1x64xf32> to vector<1x64xf32>
    %add3A_65 = vector.broadcast %get3A_64 : vector<1x64xf32> to vector<2048x64xf32>
    %add3A_66 = arith.addf %dot_general3A_59, %add3A_65 : vector<2048x64xf32>
    %mul3A_67 = arith.constant 5.000000e-01 : f32
    %mul3A_68 = vector.broadcast %mul3A_67 : f32 to vector<2048x64xf32>
    %mul3A_69 = arith.mulf %mul3A_68, %add3A_66 : vector<2048x64xf32>
    %mul3A_70 = arith.constant 5.000000e-01 : f32
    %mul3A_71 = vector.broadcast %mul3A_70 : f32 to vector<2048x64xf32>
    %mul3A_72 = arith.mulf %mul3A_71, %add3A_66 : vector<2048x64xf32>
    %tanh3A_73 = math.tanh %mul3A_72 : vector<2048x64xf32>
    %add3A_74 = arith.constant 1.000000e+00 : f32
    %add3A_75 = vector.broadcast %add3A_74 : f32 to vector<2048x64xf32>
    %add3A_76 = arith.addf %add3A_75, %tanh3A_73 : vector<2048x64xf32>
    %mul3A_77 = arith.mulf %mul3A_69, %add3A_76 : vector<2048x64xf32>
    %get3A_78 = arith.constant 0 : index
    %get3A_79 = arith.constant 0 : index
    %get3A_80 = arith.constant 0 : index
    %get3A_81 = vector.load %arg9[%get3A_78, %get3A_79, %get3A_80] : memref<1x64x33xf32, #tpu.memory_space<vmem>>, vector<1x64x33xf32>
    %get3A_82 = vector.shape_cast %get3A_81 : vector<1x64x33xf32> to vector<64x33xf32>
    %dot_general3A_83 = arith.constant dense<0.000000e+00> : vector<2048x33xf32>
    %dot_general3A_84 = tpu.matmul %mul3A_77, %get3A_82, %dot_general3A_83 {dimension_numbers = #tpu.dot_dimension_numbers<[1], [0], [0], [1], [0, 0, 1, 1], [], []>, transpose_lhs_hint = false} : vector<2048x64xf32>, vector<64x33xf32>, vector<2048x33xf32> -> vector<2048x33xf32>
    %get3A_85 = arith.constant 0 : index
    %get3A_86 = arith.constant 0 : index
    %get3A_87 = arith.constant 0 : index
    %get3A_88 = vector.load %arg10[%get3A_85, %get3A_86, %get3A_87] : memref<1x1x33xf32, #tpu.memory_space<vmem>>, vector<1x1x33xf32>
    %get3A_89 = vector.shape_cast %get3A_88 : vector<1x1x33xf32> to vector<1x33xf32>
    %add3A_90 = vector.broadcast %get3A_89 : vector<1x33xf32> to vector<2048x33xf32>
    %add3A_91 = arith.addf %dot_general3A_84, %add3A_90 : vector<2048x33xf32>
    %get3A_92 = arith.constant 0 : index
    %get3A_93 = arith.constant 0 : index
    %get3A_94 = arith.constant 0 : index
    %get3A_95 = vector.load %arg11[%get3A_92, %get3A_93, %get3A_94] : memref<1x64x33xf32, #tpu.memory_space<vmem>>, vector<1x64x33xf32>
    %get3A_96 = vector.shape_cast %get3A_95 : vector<1x64x33xf32> to vector<64x33xf32>
    %dot_general3A_97 = arith.constant dense<0.000000e+00> : vector<2048x33xf32>
    %dot_general3A_98 = tpu.matmul %mul3A_77, %get3A_96, %dot_general3A_97 {dimension_numbers = #tpu.dot_dimension_numbers<[1], [0], [0], [1], [0, 0, 1, 1], [], []>, transpose_lhs_hint = false} : vector<2048x64xf32>, vector<64x33xf32>, vector<2048x33xf32> -> vector<2048x33xf32>
    %get3A_99 = arith.constant 0 : index
    %get3A_100 = arith.constant 0 : index
    %get3A_101 = arith.constant 0 : index
    %get3A_102 = vector.load %arg12[%get3A_99, %get3A_100, %get3A_101] : memref<1x1x33xf32, #tpu.memory_space<vmem>>, vector<1x1x33xf32>
    %get3A_103 = vector.shape_cast %get3A_102 : vector<1x1x33xf32> to vector<1x33xf32>
    %add3A_104 = vector.broadcast %get3A_103 : vector<1x33xf32> to vector<2048x33xf32>
    %add3A_105 = arith.addf %dot_general3A_98, %add3A_104 : vector<2048x33xf32>
    %get3A_106 = arith.constant 0 : index
    %get3A_107 = arith.constant 0 : index
    %get3A_108 = vector.load %arg13[%get3A_106, %get3A_107] : memref<1x33xf32, #tpu.memory_space<vmem>>, vector<1x33xf32>
    %get3A_109 = arith.constant 0 : index
    %get3A_110 = arith.constant 0 : index
    %get3A_111 = vector.load %arg14[%get3A_109, %get3A_110] : memref<1x33xf32, #tpu.memory_space<vmem>>, vector<1x33xf32>
    %sub3A_112 = arith.subf %get3A_108, %get3A_111 : vector<1x33xf32>
    %exp3A = math.exp %sub3A_112 : vector<1x33xf32>
    %mul3A_113 = arith.constant 5.000000e-01 : f32
    %mul3A_114 = vector.broadcast %mul3A_113 : f32 to vector<1x33xf32>
    %mul3A_115 = arith.mulf %mul3A_114, %get3A_111 : vector<1x33xf32>
    %exp3A_116 = math.exp %mul3A_115 : vector<1x33xf32>
    %sub3A_117 = vector.broadcast %get3A_108 : vector<1x33xf32> to vector<2048x33xf32>
    %sub3A_118 = arith.subf %sub3A_117, %add3A_105 : vector<2048x33xf32>
    %exp3A_119 = math.exp %sub3A_118 : vector<2048x33xf32>
    %add3A_120 = arith.constant 1.000000e+00 : f32
    %add3A_121 = vector.broadcast %add3A_120 : f32 to vector<2048x33xf32>
    %add3A_122 = arith.addf %add3A_121, %exp3A_119 : vector<2048x33xf32>
    %add3A_123 = vector.broadcast %exp3A : vector<1x33xf32> to vector<2048x33xf32>
    %add3A_124 = arith.addf %add3A_122, %add3A_123 : vector<2048x33xf32>
    %sqrt3A = math.sqrt %add3A_124 : vector<2048x33xf32>
    %rsqrt3A = math.rsqrt %add3A_122 : vector<2048x33xf32>
    %mul3A_125 = arith.mulf %sqrt3A, %rsqrt3A : vector<2048x33xf32>
    %mul3A_126 = vector.broadcast %exp3A_116 : vector<1x33xf32> to vector<2048x33xf32>
    %mul3A_127 = arith.mulf %mul3A_126, %mul3A_125 : vector<2048x33xf32>
    %get3A_128 = arith.constant 0 : index
    %get3A_129 = arith.constant 0 : index
    %get3A_130 = arith.constant 0 : index
    %get3A_131 = vector.load %arg19[%get3A_128, %get3A_129, %get3A_130] : memref<1x2048x33xf32, #tpu.memory_space<vmem>>, vector<1x2048x33xf32>
    %get3A_132 = vector.shape_cast %get3A_131 : vector<1x2048x33xf32> to vector<2048x33xf32>
    %mul3A_133 = arith.mulf %get3A_132, %mul3A_127 : vector<2048x33xf32>
    %add3A_134 = arith.addf %add3A_91, %mul3A_133 : vector<2048x33xf32>
    %slice3A_135 = vector.extract_strided_slice %add3A_134 {offsets = [0, 0], sizes = [2048, 32], strides = [1, 1]} : vector<2048x33xf32> to vector<2048x32xf32>
    %add3A_136 = arith.addf %slice3A_135, %slice3A : vector<2048x32xf32>
    %swap3A = arith.constant 0 : index
    %swap3A_137 = arith.constant 0 : index
    %swap3A_138 = arith.constant 0 : index
    %swap3A_139 = vector.load %arg20[%swap3A, %swap3A_137, %swap3A_138] : memref<1x2048x128xf32, #tpu.memory_space<vmem>>, vector<1x2048x32xf32>
    %swap3A_140 = vector.shape_cast %swap3A_139 : vector<1x2048x32xf32> to vector<2048x32xf32>
    %swap3A_141 = vector.shape_cast %add3A_136 : vector<2048x32xf32> to vector<1x2048x32xf32>
    tpu.vector_store %arg20[%swap3A, %swap3A_137, %swap3A_138], %swap3A_141 {strides = array<i32>} : memref<1x2048x128xf32, #tpu.memory_space<vmem>>, vector<1x2048x32xf32>,
    %slice3A_142 = vector.extract_strided_slice %add3A_134 {offsets = [0, 32], sizes = [2048, 1], strides = [1, 1]} : vector<2048x33xf32> to vector<2048x1xf32>
    %swap3A_143 = arith.constant 0 : index
    %swap3A_144 = arith.constant 0 : index
    %swap3A_145 = arith.constant 32 : index
    %swap3A_146 = vector.load %arg20[%swap3A_143, %swap3A_144, %swap3A_145] : memref<1x2048x128xf32, #tpu.memory_space<vmem>>, vector<1x2048x1xf32>
    %swap3A_147 = vector.shape_cast %swap3A_146 : vector<1x2048x1xf32> to vector<2048x1xf32>
    %swap3A_148 = vector.shape_cast %slice3A_142 : vector<2048x1xf32> to vector<1x2048x1xf32>
    tpu.vector_store %arg20[%swap3A_143, %swap3A_144, %swap3A_145], %swap3A_148 {strides = array<i32>} : memref<1x2048x128xf32, #tpu.memory_space<vmem>>, vector<1x2048x1xf32>,
    %broadcast_in_dim3A = arith.constant 0.000000e+00 : f32
    %broadcast_in_dim3A_149 = vector.broadcast %broadcast_in_dim3A : f32 to vector<2048x95xf32>
    %swap3A_150 = arith.constant 0 : index
    %swap3A_151 = arith.constant 0 : index
    %swap3A_152 = arith.constant 33 : index
    %swap3A_153 = vector.load %arg20[%swap3A_150, %swap3A_151, %swap3A_152] : memref<1x2048x128xf32, #tpu.memory_space<vmem>>, vector<1x2048x95xf32>
    %swap3A_154 = vector.shape_cast %swap3A_153 : vector<1x2048x95xf32> to vector<2048x95xf32>
    %swap3A_155 = vector.shape_cast %broadcast_in_dim3A_149 : vector<2048x95xf32> to vector<1x2048x95xf32>
    tpu.vector_store %arg20[%swap3A_150, %swap3A_151, %swap3A_152], %swap3A_155 {strides = array<i32>} : memref<1x2048x128xf32, #tpu.memory_space<vmem>>, vector<1x2048x95xf32>,
    return
  }
  func.func @transform_0(%arg0: i32, %arg1: i32, %arg2: memref<5xi32, #tpu.memory_space<smem>>) -> (i32, i32, i32) {
    %c0_i32 = arith.constant 0 : i32
    %c0_i32_0 = arith.constant 0 : i32
    return %arg0, %arg1, %c0_i32 : i32, i32, i32
  }
  func.func @transform_1(%arg0: i32, %arg1: i32, %arg2: memref<5xi32, #tpu.memory_space<smem>>) -> (i32, i32, i32) {
    %add3A = arith.constant 0 : i32
    %add3A_0 = arith.addi %arg0, %add3A : i32
    %get3A = arith.index_cast %add3A_0 : i32 to index
    %get3A_1 = memref.load %arg2[%get3A] : memref<5xi32, #tpu.memory_space<smem>>
    %c0_i32 = arith.constant 0 : i32
    %c0_i32_2 = arith.constant 0 : i32
    %c0_i32_3 = arith.constant 0 : i32
    return %get3A_1, %c0_i32, %c0_i32_2 : i32, i32, i32
  }
  func.func @transform_2(%arg0: i32, %arg1: i32, %arg2: memref<5xi32, #tpu.memory_space<smem>>) -> (i32, i32, i32) {
    %add3A = arith.constant 0 : i32
    %add3A_0 = arith.addi %arg0, %add3A : i32
    %get3A = arith.index_cast %add3A_0 : i32 to index
    %get3A_1 = memref.load %arg2[%get3A] : memref<5xi32, #tpu.memory_space<smem>>
    %c0_i32 = arith.constant 0 : i32
    %c0_i32_2 = arith.constant 0 : i32
    %c0_i32_3 = arith.constant 0 : i32
    return %get3A_1, %c0_i32, %c0_i32_2 : i32, i32, i32
  }
  func.func @transform_3(%arg0: i32, %arg1: i32, %arg2: memref<5xi32, #tpu.memory_space<smem>>) -> (i32, i32, i32) {
    %add3A = arith.constant 0 : i32
    %add3A_0 = arith.addi %arg0, %add3A : i32
    %get3A = arith.index_cast %add3A_0 : i32 to index
    %get3A_1 = memref.load %arg2[%get3A] : memref<5xi32, #tpu.memory_space<smem>>
    %c0_i32 = arith.constant 0 : i32
    %c0_i32_2 = arith.constant 0 : i32
    %c0_i32_3 = arith.constant 0 : i32
    return %get3A_1, %c0_i32, %c0_i32_2 : i32, i32, i32
  }
  func.func @transform_4(%arg0: i32, %arg1: i32, %arg2: memref<5xi32, #tpu.memory_space<smem>>) -> (i32, i32, i32) {
    %add3A = arith.constant 0 : i32
    %add3A_0 = arith.addi %arg0, %add3A : i32
    %get3A = arith.index_cast %add3A_0 : i32 to index
    %get3A_1 = memref.load %arg2[%get3A] : memref<5xi32, #tpu.memory_space<smem>>
    %c0_i32 = arith.constant 0 : i32
    %c0_i32_2 = arith.constant 0 : i32
    %c0_i32_3 = arith.constant 0 : i32
    return %get3A_1, %c0_i32, %c0_i32_2 : i32, i32, i32
  }
  func.func @transform_5(%arg0: i32, %arg1: i32, %arg2: memref<5xi32, #tpu.memory_space<smem>>) -> (i32, i32, i32) {
    %add3A = arith.constant 0 : i32
    %add3A_0 = arith.addi %arg0, %add3A : i32
    %get3A = arith.index_cast %add3A_0 : i32 to index
    %get3A_1 = memref.load %arg2[%get3A] : memref<5xi32, #tpu.memory_space<smem>>
    %c0_i32 = arith.constant 0 : i32
    %c0_i32_2 = arith.constant 0 : i32
    %c0_i32_3 = arith.constant 0 : i32
    return %get3A_1, %c0_i32, %c0_i32_2 : i32, i32, i32
  }
  func.func @transform_6(%arg0: i32, %arg1: i32, %arg2: memref<5xi32, #tpu.memory_space<smem>>) -> (i32, i32, i32) {
    %add3A = arith.constant 0 : i32
    %add3A_0 = arith.addi %arg0, %add3A : i32
    %get3A = arith.index_cast %add3A_0 : i32 to index
    %get3A_1 = memref.load %arg2[%get3A] : memref<5xi32, #tpu.memory_space<smem>>
    %c0_i32 = arith.constant 0 : i32
    %c0_i32_2 = arith.constant 0 : i32
    %c0_i32_3 = arith.constant 0 : i32
    return %get3A_1, %c0_i32, %c0_i32_2 : i32, i32, i32
  }
  func.func @transform_7(%arg0: i32, %arg1: i32, %arg2: memref<5xi32, #tpu.memory_space<smem>>) -> (i32, i32, i32) {
    %add3A = arith.constant 0 : i32
    %add3A_0 = arith.addi %arg0, %add3A : i32
    %get3A = arith.index_cast %add3A_0 : i32 to index
    %get3A_1 = memref.load %arg2[%get3A] : memref<5xi32, #tpu.memory_space<smem>>
    %c0_i32 = arith.constant 0 : i32
    %c0_i32_2 = arith.constant 0 : i32
    %c0_i32_3 = arith.constant 0 : i32
    return %get3A_1, %c0_i32, %c0_i32_2 : i32, i32, i32
  }
  func.func @transform_8(%arg0: i32, %arg1: i32, %arg2: memref<5xi32, #tpu.memory_space<smem>>) -> (i32, i32, i32) {
    %add3A = arith.constant 0 : i32
    %add3A_0 = arith.addi %arg0, %add3A : i32
    %get3A = arith.index_cast %add3A_0 : i32 to index
    %get3A_1 = memref.load %arg2[%get3A] : memref<5xi32, #tpu.memory_space<smem>>
    %c0_i32 = arith.constant 0 : i32
    %c0_i32_2 = arith.constant 0 : i32
    %c0_i32_3 = arith.constant 0 : i32
    return %get3A_1, %c0_i32, %c0_i32_2 : i32, i32, i32
  }
  func.func @transform_9(%arg0: i32, %arg1: i32, %arg2: memref<5xi32, #tpu.memory_space<smem>>) -> (i32, i32, i32) {
    %add3A = arith.constant 0 : i32
    %add3A_0 = arith.addi %arg0, %add3A : i32
    %get3A = arith.index_cast %add3A_0 : i32 to index
    %get3A_1 = memref.load %arg2[%get3A] : memref<5xi32, #tpu.memory_space<smem>>
    %c0_i32 = arith.constant 0 : i32
    %c0_i32_2 = arith.constant 0 : i32
    %c0_i32_3 = arith.constant 0 : i32
    return %get3A_1, %c0_i32, %c0_i32_2 : i32, i32, i32
  }
  func.func @transform_10(%arg0: i32, %arg1: i32, %arg2: memref<5xi32, #tpu.memory_space<smem>>) -> (i32, i32) {
    %c0_i32 = arith.constant 0 : i32
    %c0_i32_0 = arith.constant 0 : i32
    %c0_i32_1 = arith.constant 0 : i32
    return %c0_i32, %c0_i32_0 : i32, i32
  }
  func.func @transform_11(%arg0: i32, %arg1: i32, %arg2: memref<5xi32, #tpu.memory_space<smem>>) -> (i32, i32) {
    %c0_i32 = arith.constant 0 : i32
    %c0_i32_0 = arith.constant 0 : i32
    %c0_i32_1 = arith.constant 0 : i32
    return %c0_i32, %c0_i32_0 : i32, i32
  }
  func.func @transform_12(%arg0: i32, %arg1: i32, %arg2: memref<5xi32, #tpu.memory_space<smem>>) -> (i32, i32) {
    %c0_i32 = arith.constant 0 : i32
    %c0_i32_0 = arith.constant 0 : i32
    %c0_i32_1 = arith.constant 0 : i32
    return %c0_i32, %c0_i32_0 : i32, i32
  }
  func.func @transform_13(%arg0: i32, %arg1: i32, %arg2: memref<5xi32, #tpu.memory_space<smem>>) -> (i32, i32) {
    %c0_i32 = arith.constant 0 : i32
    %c0_i32_0 = arith.constant 0 : i32
    %c0_i32_1 = arith.constant 0 : i32
    return %c0_i32, %c0_i32_0 : i32, i32
  }
  func.func @transform_14(%arg0: i32, %arg1: i32, %arg2: memref<5xi32, #tpu.memory_space<smem>>) -> (i32, i32) {
    %c0_i32 = arith.constant 0 : i32
    %c0_i32_0 = arith.constant 0 : i32
    %c0_i32_1 = arith.constant 0 : i32
    return %c0_i32, %c0_i32_0 : i32, i32
  }
  func.func @transform_15(%arg0: i32, %arg1: i32, %arg2: memref<5xi32, #tpu.memory_space<smem>>) -> (i32, i32) {
    %c0_i32 = arith.constant 0 : i32
    %c0_i32_0 = arith.constant 0 : i32
    %c0_i32_1 = arith.constant 0 : i32
    return %c0_i32, %c0_i32_0 : i32, i32
  }
  func.func @transform_16(%arg0: i32, %arg1: i32, %arg2: memref<5xi32, #tpu.memory_space<smem>>) -> (i32, i32, i32) {
    %add3A = arith.constant 0 : i32
    %add3A_0 = arith.addi %arg0, %add3A : i32
    %get3A = arith.index_cast %add3A_0 : i32 to index
    %get3A_1 = memref.load %arg2[%get3A] : memref<5xi32, #tpu.memory_space<smem>>
    %c0_i32 = arith.constant 0 : i32
    %c0_i32_2 = arith.constant 0 : i32
    return %get3A_1, %arg1, %c0_i32 : i32, i32, i32
  }
  func.func @transform_17(%arg0: i32, %arg1: i32, %arg2: memref<5xi32, #tpu.memory_space<smem>>) -> (i32, i32, i32) {
    %add3A = arith.constant 0 : i32
    %add3A_0 = arith.addi %arg0, %add3A : i32
    %c0_i32 = arith.constant 0 : i32
    %c0_i32_1 = arith.constant 0 : i32
    return %add3A_0, %arg1, %c0_i32 : i32, i32, i32
  }
}

</mosaic_0001>

<sc_bundles>
// kernel: kernel.11.cloned.1.call-start
scs
__scs_entry_jumppad:
0x0: {  	(pc) =	sbr.rel $0x88, $3  }
0x1: {  	(tag) =	ssettag $0x0;
	lr =	simm.s32 $0x1  }
0x2: {  	[smem:$0x3F94] =	sst lr;
	_ =	strace $0xD0000000  }
0x3: {  	_ = 	snop  }
0x4: {  	_ = 	snop  }
0x5: {  	_ = 	snop  }
0x6: {  	_ = 	snop  }
0x7: {  	_ = 	snop  }
__scs_overlays_trampoline_lowered:
0x8: {  	[smem:$0x3FA3] =	sst s0  }
0x9: {  	[smem:$0x3FA4] =	sst s1  }
0xa: {  	[smem:$0x3FA5] =	sst s2  }
0xb: {  	[smem:$0x3FA6] =	sst s3  }
0xc: {  	[smem:$0x3FA7] =	sst s4  }
0xd: {  	[smem:$0x3FA8] =	sst s5  }
0xe: {  	[smem:$0x3FA9] =	sst s6  }
0xf: {  	[smem:$0x3FAA] =	sst s7  }
0x10: {  	[smem:$0x3FAB] =	sst s8  }
0x11: {  	[smem:$0x3FAC] =	sst s9;
	s0 =	simm.s32 @!p0 $0x0  }
0x12: {  	s1 =	sld [smem:$0x3F92];
	s0 =	simm.s32 @p0 $0x1  }
0x13: {  	[smem:$0x3FAD] =	sst s0;
	s0 =	simm.s32 @!p1 $0x0  }
0x14: {  	s2 =	sld [smem:$0x3F91];
	s0 =	simm.s32 @p1 $0x1  }
0x15: {  	[smem:$0x3FAE] =	sst s0;
	s0 =	simm.s32 @!p2 $0x0  }
0x16: {  	s3 =	sld [smem:$0x3FDB];
	s0 =	simm.s32 @p2 $0x1  }
0x17: {  	s4 =	simm.s32 $0x1BF5;
	[smem:$0x3FB0] =	sst s0  }
0x18: {  	s0 =	sld [smem:$0x3F93];
	_ =	swait.ge [sflag:s4], $0x0  }
0x19: {  	s7 =	sld [smem:$0x3F94]  }
0x1a: {  	s8 =	sadd.s32 $0xFFFFE003, lr  }
0x1b: {  	s9 =	sadd.s32 $0xFFFFFEF7, lr;
	s5 =	simm.s32 $0xFFFFFFFF;
	p2 =	slt.u32 s8, $0xFFFFF086  }
0x1c: {  	p1 =	slt.u32 s9, $0xF7A;
	s5 =	simm.s32 @!p2 $0x0  }
0x1d: {  	s5 =	simm.s32 @p1 $0x1;
	p0 =	seq.s32 s7, s2  }
0x1e: {  	s7 =	smul.u32 @!p0 $0xF7A, s2;
	p2 =	seq.s32 @!p0 s5, $0x0  }
0x1f: {  	s9 =	smul.u32 $0xF7A, s1;
	s8 =	simm.s32 @!p0 $0x1BF5;
	p2 =	por !p2, p0  }
0x20: {  	[sflag:s8] =	ssyncset.s32 @!p0 $0xFFFFF086;
	s6 =	sadd.s32 @!p0 s3, s7;
	s7 =	simm.s32 @!p0 $0x108  }
0x21: {  	s3 =	sadd.s32 s3, s9;
	s6 =	sadd.s32 @!p0 $0x88, s6;
	s7 =	simm.s32 @p2 $0x1082  }
0x22: {  	[simem:s7], [sflag:s8] =	dma.local @!p0 [hbm:s6], $0xF7A  }
0x23: {  	s9 =	sor.u32 $0xD0000000, s2;
	s6 =	simm.s32 $0x108;
	_ =	swait.ge @!p0 [sflag:s8], $0x0  }
0x24: {  	s3 =	sadd.s32 $0x88, s3;
	s6 =	simm.s32 @!p1 $0x1082;
	[sflag:s4] =	ssyncset.s32 $0xFFFFF086  }
0x25: {  	[simem:s6], [sflag:s4] =	dma.local [hbm:s3], $0xF7A  }
0x26: {  	[smem:$0x3F94] =	sst s1;
	(tag) =	ssettag s2;
	_ =	strace s9  }
0x27: {  	s1 =	sld [smem:$0x3FA4]  }
0x28: {  	s2 =	sld [smem:$0x3FA5]  }
0x29: {  	s4 =	sld [smem:$0x3FA7]  }
0x2a: {  	p0 =	seq.s32 s5, $0x0;
	s5 =	sld [smem:$0x3FA8]  }
0x2b: {  	s6 =	sld [smem:$0x3FA9]  }
0x2c: {  	s7 =	sld [smem:$0x3FAA]  }
0x2d: {  	s3 =	simm.s32 $0x108;
	s8 =	sld [smem:$0x3FAB]  }
0x2e: {  	s3 =	simm.s32 @!p0 $0x1082;
	s9 =	sld [smem:$0x3FAC]  }
0x2f: {  	lr =	sadd.s32 s0, s3;
	s0 =	sld [smem:$0x3FA3]  }
0x30: {  	s3 =	sld [smem:$0x3FA6]  }
0x31: {  	[smem:$0x3FAF] =	sst s10  }
0x32: {  	s10 =	sld [smem:$0x3FAD];
	_ =	sdelay $0x3  }
0x33: {  	p0 =	seq.s32 s10, $0x1;
	s10 =	sld [smem:$0x3FAF];
	_ =	sdelay $0x3  }
0x34: {  	[smem:$0x3FAF] =	sst s10  }
0x35: {  	s10 =	sld [smem:$0x3FAE];
	_ =	sdelay $0x3  }
0x36: {  	p1 =	seq.s32 s10, $0x1;
	s10 =	sld [smem:$0x3FAF];
	_ =	sdelay $0x3  }
0x37: {  	[smem:$0x3FAF] =	sst s10  }
0x38: {  	s10 =	sld [smem:$0x3FB0]  }
0x39: {  	_ = 	snop;
	(pc) =	sbr.ind lr, $3  }
0x3a: {  	_ = 	snop  }
0x3b: {  	_ = 	snop  }
0x3c: {  	p2 =	seq.s32 s10, $0x1;
	s10 =	sld [smem:$0x3FAF]  }
0x3d: {  	_ =	shalt  }
0x3e: {  	_ =	shalt  }
0x3f: {  	_ =	shalt  }
0x40: {  	_ =	shalt  }
0x41: {  	_ =	shalt  }
0x42: {  	_ =	shalt  }
0x43: {  	_ =	shalt  }
0x44: {  	_ =	shalt  }
0x45: {  	_ =	shalt  }
0x46: {  	_ =	shalt  }
0x47: {  	_ =	shalt  }
0x48: {  	_ =	shalt  }
0x49: {  	_ =	shalt  }
0x4a: {  	_ =	shalt  }
0x4b: {  	_ =	shalt  }
0x4c: {  	_ =	shalt  }
0x4d: {  	_ =	shalt  }
0x4e: {  	_ =	shalt  }
0x4f: {  	_ =	shalt  }
0x50: {  	_ =	shalt  }
0x51: {  	_ =	shalt  }
0x52: {  	_ =	shalt  }
0x53: {  	_ =	shalt  }
0x54: {  	_ =	shalt  }
0x55: {  	_ =	shalt  }
0x56: {  	_ =	shalt  }
0x57: {  	_ =	shalt  }
0x58: {  	_ =	shalt  }
0x59: {  	_ =	shalt  }
0x5a: {  	_ =	shalt  }
0x5b: {  	_ =	shalt  }
0x5c: {  	_ =	shalt  }
0x5d: {  	_ =	shalt  }
0x5e: {  	_ =	shalt  }
0x5f: {  	_ =	shalt  }
0x60: {  	_ =	shalt  }
0x61: {  	_ =	shalt  }
0x62: {  	_ =	shalt  }
0x63: {  	_ =	shalt  }
0x64: {  	_ =	shalt  }
0x65: {  	_ =	shalt  }
0x66: {  	_ =	shalt  }
0x67: {  	_ =	shalt  }
0x68: {  	_ =	shalt  }
0x69: {  	_ =	shalt  }
0x6a: {  	_ =	shalt  }
0x6b: {  	_ =	shalt  }
0x6c: {  	_ =	shalt  }
0x6d: {  	_ =	shalt  }
0x6e: {  	_ =	shalt  }
0x6f: {  	_ =	shalt  }
0x70: {  	_ =	shalt  }
0x71: {  	_ =	shalt  }
0x72: {  	_ =	shalt  }
0x73: {  	_ =	shalt  }
0x74: {  	_ =	shalt  }
0x75: {  	_ =	shalt  }
0x76: {  	_ =	shalt  }
0x77: {  	_ =	shalt  }
0x78: {  	_ =	shalt  }
0x79: {  	_ =	shalt  }
0x7a: {  	_ =	shalt  }
0x7b: {  	_ =	shalt  }
0x7c: {  	_ =	shalt  }
0x7d: {  	_ =	shalt  }
0x7e: {  	_ =	shalt  }
0x7f: {  	_ =	shalt  }
0x80: {  	_ =	shalt  }
0x81: {  	_ =	shalt  }
0x82: {  	_ =	shalt  }
0x83: {  	_ =	shalt  }
0x84: {  	_ =	shalt  }
0x85: {  	_ =	shalt  }
0x86: {  	_ =	shalt  }
0x87: {  	_ =	shalt  }
.Lfunc_end0:
.L_simem_size_0:
called_computation.1_lowered:
.L_overlay_start_0:
0x88: {  	s2 =	sld [smem:$0x3FD9]  }
0x89: {  	s3 =	sld [smem:$0x3FFE];
	_ =	sdelay $0x1  }
0x8a: {  	s1 =	srdreg.scid  }
0x8b: {  	s0 =	sand.u32 $0x1, s1  }
0x8c: {  	s15 =	sshll.u32 s0, $0xA;
	s2 =	sadd.s32 s3, s2  }
0x8d: {  	s2 =	sadd.s32 s2, s15  }
0x8e: {  	[smem:$0x3FBB] =	sst s2  }
0x8f: {  	_ = 	snop  }
0x90: {  	s2 =	sld [smem:$0x3FD0];
	_ =	sdelay $0x2  }
0x91: {  	s16 =	simm.s32 $0xB;
	s4 =	simm.s32 $0x10  }
0x92: {  	[smem:s4], [sflag:s16] =	dma.local [hbm:s2], $0x1  }
0x93: {  	_ =	swait.eq [sflag:s16], $0x1  }
0x94: {  	[sflag:s16] =	ssyncset.done $0x0  }
0x95: {  	[sflag:s16] =	ssyncadd.s32 $0xFFFFFFFF  }
0x96: {  	s17 =	sld [smem:$0x11];
	(tm) =	ssettm $0x1  }
0x97: {  	s18 =	sld [smem:$0x3FFB];
	_ =	sdelay $0x3  }
0x98: {  	_ =	strace s18  }
0x99: {  	s2 =	sld [smem:$0x3FFC];
	_ =	sdelay $0x3  }
0x9a: {  	_ =	strace s2  }
0x9b: {  	s2 =	sld [smem:$0x3FFD];
	_ =	sdelay $0x3  }
0x9c: {  	_ =	strace s2  }
0x9d: {  	_ =	strace $0x8FFFFFFF  }
0x9e: {  	s19 =	sld [smem:$0x3FDB];
	_ =	sdelay $0x1  }
0x9f: {  	s20 =	simm.s32 $_scs_section_size  }
0xa0: {  	s5 =	simm.s32 $_size__tile_overlayer_lowered;
	s6 =	simm.s32 $_tile_overlayer_lowered  }
0xa1: {  	s7 =	simm.s32 $0x1BFF;
	s21 =	sshll.u32 s6, $0x1;
	s4 =	sadd.s32 s20, s19  }
0xa2: {  	s22 =	simm.s32 $0x0;
	s5 =	sshll.u32 s5, $0x1;
	s6 =	sadd.s32 s21, s4  }
0xa3: {  	[timem:s22], [sflag:s7] =	dma.local [hbm:s6], s5  }
0xa4: {  	_ =	swait.ge [sflag:s7], s5  }
0xa5: {  	s5 =	ssub.s32 $0x0, s5;
	[sflag:s7] =	ssyncset.done $0x0  }
0xa6: {  	[sflag:s7] =	ssyncadd.s32 s5;
	_ =	sdelay $0x1  }
0xa7: {  	s23 =	simm.s32 $0x1B8B  }
0xa8: {  	_ =	swait.ge [sflag:s23], $0x1  }
0xa9: {  	[sflag:s23] =	ssyncset.done $0x0  }
0xaa: {  	[sflag:s23] =	ssyncadd.s32 $0xFFFFFFFF  }
0xab: {  	s5 =	sld [smem:$0x0]  }
0xac: {  	s6 =	sand.u32 $0xFFFFFFFE, s1  }
0xad: {  	p0 =	sne.s32 s1, s6  }
0xae: {  	s6 =	sshll.u32 @p0 s6, $0xE  }
0xaf: {  	s6 =	sadd.s32 @p0 $0x11B8D, s6;
	s7 =	sshll.u32 @p0 s5, $0x11  }
0xb0: {  	s6 =	sor.u32 @p0 s7, s6  }
0xb1: {  	[sflag:s6] =	ssyncadd.remote.s32 @p0 $0x1;
	_ =	sdelay $0x1  }
0xb2: {  	s6 =	simm.s32 @p0 $0x1B8D  }
0xb3: {  	_ =	swait.eq @p0 [sflag:s6], $0x1  }
0xb4: {  	[sflag:s6] =	ssyncadd.s32 @p0 $0xFFFFFFFF  }
0xb5: {  	s7 =	sshll.u32 @!p0 s1, $0xE  }
0xb6: {  	s7 =	sor.u32 @!p0 $0x4000, s7;
	s6 =	simm.s32 @!p0 $0x1B8D  }
0xb7: {  	s5 =	sshll.u32 @!p0 s5, $0x11;
	s7 =	sadd.s32 @!p0 $0x11B8D, s7;
	_ =	swait.eq @!p0 [sflag:s6], $0x1  }
0xb8: {  	s5 =	sor.u32 @!p0 s5, s7;
	[sflag:s6] =	ssyncadd.s32 @!p0 $0xFFFFFFFF  }
0xb9: {  	s25 =	simm.s32 $0x1B8E;
	s24 =	sld [smem:$0x3FFE];
	[sflag:s5] =	ssyncadd.remote.s32 @!p0 $0x1  }
0xba: {  	s26 =	simm.s32 $execute0_lowered;
	[smem:$0x3FD2] =	sst s25  }
0xbb: {  	s6 =	sshll.u32 s26, $0x1;
	_ =	strace $0x80000049;
	[dreg:$0x1] =	wrdreg $0xFFFFFFFF  }
0xbc: {  	s28 =	simm.s32 $_size_execute0_lowered;
	s4 =	sadd.s32 s4, s6;
	[dreg:$0x0] =	wrdreg $0x0  }
0xbd: {  	s6 =	sshll.u32 s28, $0x1;
	[dreg:$0x2] =	wrdreg s4  }
0xbe: {  	[dreg:$0x3] =	wrdreg s6  }
0xbf: {  	[dreg:$0x4] =	wrdreg $0xC0  }
0xc0: {  	_ =	task [dreg:s22], $0x5FFFF  }
0xc1: {  	[dreg:$0x1] =	wrdreg $0xFFFFFFFF  }
0xc2: {  	[dreg:$0x0] =	wrdreg $0x60  }
0xc3: {  	[dreg:$0x2] =	wrdreg s24  }
0xc4: {  	[dreg:$0x3] =	wrdreg s17  }
0xc5: {  	[dreg:$0x4] =	wrdreg $0xA  }
0xc6: {  	_ =	task.clear_ibuf [dreg:s22], $0x5FFFF;
	_ =	strace $0x90000049  }
0xc7: {  	s29 =	simm.s32 $0xA;
	_ =	strace $0x8000004B  }
0xc8: {  	_ =	swait.ge [sflag:s29], $0x1  }
0xc9: {  	[sflag:s29] =	ssyncadd.s32 $0xFFFFFFFF  }
0xca: {  	_ =	strace $0x9000004B  }
0xcb: {  	_ =	sfence  }
0xcc: {  	s30 =	sld [smem:$0x0];
	_ =	sdelay $0x2  }
0xcd: {  	s31 =	sshll.u32 s1, $0xD;
	s1 =	sshrl.u32 s1, $0x2  }
0xce: {  	s4 =	sand.u32 $0x4000, s31;
	s1 =	sadd.s32 s1, s30  }
0xcf: {  	s0 =	sor.u32 s4, s0;
	s1 =	sshll.u32 s1, $0x11  }
0xd0: {  	s0 =	sor.u32 s1, s0  }
0xd1: {  	s0 =	sadd.s32 $0x8F2B, s0  }
0xd2: {  	[sflag:s0] =	ssyncadd.remote.s32 $0x1  }
0xd3: {  	_ =	sfence.sel $0xFFFF  }
0xd4: {  	[dreg:$0x0] =	wrdreg $0xFFFFFFFF;
	(pc) =	sbr.abs _section_cstart, $3  }
0xd5: {  	[dreg:$0x1] =	wrdreg $0xFFFFFFFF  }
0xd6: {  	_ =	task.clear_ibuf [dreg:s22], $0x2FFFF;
	_ =	strace $0x9FFFFFFF  }
0xd7: {  	(tm) =	ssettm $0x7FFFFFFF  }
tec
execute0_lowered:
.L_overlay_start_1:
0x0: {  	(tag) =	ssettag $0x1  }
0x1: {  	s1 =	srdreg.scid;
	s4 =	rddreg [dreg:$0x0]  }
0x2: {  	s0 =	stileid.u32;
	s5 =	rddreg [dreg:$0x1]  }
0x3: {  	s12 =	simm.s32 $0x9C0;
	s13 =	simm.s32 $0x3DC0;
	s15 =	simm.s32 $0x71C0  }
0x4: {  	s16 =	simm.s32 $0x1;
	s17 =	simm.s32 $0xA5C0;
	s18 =	simm.s32 $0x2  }
0x5: {  	s19 =	simm.s32 $0x3;
	s20 =	simm.s32 $0x4;
	s21 =	simm.s32 $0x5  }
0x6: {  	s22 =	simm.s32 $0x6;
	s23 =	simm.s32 $0x7;
	s7 =	smul.u32 $0x1380, s0  }
0x7: {  	s1 =	sand.u32 $0x1, s1;
	s2 =	sshll.u32 s0, $0x1;
	s29 =	smul.u32 $0x13800, s0  }
0x8: {  	s24 =	simm.s32 $0x8;
	s3 =	sor.u32 s1, s2;
	s9 =	smul.u32 $0x9C0, s1  }
0x9: {  	s2 =	simm.s32 $0x0;
	s8 =	ssub.s32 $0x2, s1;
	s1 =	smul.u32 $0x9C00, s1  }
0xa: {  	s10 =	sadd.s32 $0x2D2C00, s4;
	s6 =	smul.u32 $0x9C0, s3;
	[smem:$0x7FF] =	sst s2  }
0xb: {  	s3 =	sadd.s32 $0x2C00, s4;
	s25 =	sshrl.u32 s8, $0x1;
	s31 =	sadd.s32 s29, s10  }
0xc: {  	_ =	strace $0x8000004A;
	s8 =	ssub.s32 s8, s25;
	s28 =	sadd.s32 s9, s7  }
.Ltmp0:
0xd: {  	s25 =	simm.s32 $0x0;
	s26 =	sshrl.u32 s6, $0x3;
	(pc) =	sbr.rel .LBB2_1-.Ltmp0, $4  }
0xe: {  	s6 =	sshll.u32 s28, $0x4;
	s30 =	smax.u32 s8, $0x1;
	s8 =	sadd.s32 s1, s31  }
0xf: {  	s4 =	sadd.s32 s5, s26;
	[dreg:$0x4] =	wrdreg s30;
	s11 =	sadd.s32 s10, s6  }
0x10: {  	s10 =	simm.s32 $0x9;
	[dreg:$0x3] =	wrdreg s4;
	s6 =	sadd.s32 $0xD00, s11  }
0x11: {  	s7 =	sadd.s32 $0x680, s11;
	s9 =	sadd.s32 $0x1380, s11;
	s11 =	simm.s32 $0x68  }
.LBB2_4:
0x12: {  	_ =	swait.ge [sflag:s21], $0x3400  }
0x13: {  	[sflag:s21] =	ssyncset.done $0x0  }
0x14: {  	[sflag:s21] =	ssyncadd.s32 $0xFFFFCC00  }
0x15: {  	_ =	swait.ge [sflag:s22], $0x3400  }
0x16: {  	[sflag:s22] =	ssyncset.done $0x0  }
0x17: {  	[sflag:s22] =	ssyncadd.s32 $0xFFFFCC00  }
0x18: {  	_ =	swait.ge [sflag:s23], $0x3400  }
0x19: {  	[sflag:s23] =	ssyncset.done $0x0  }
0x1a: {  	[sflag:s23] =	ssyncadd.s32 $0xFFFFCC00  }
0x1b: {  	_ =	swait.ge [sflag:s24], $0x3400  }
0x1c: {  	s25 =	sadd.s32 $0x1, s25;
	s0 =	rddreg [dreg:$0x4]  }
0x1d: {  	p0 =	sne.s32 s25, s0  }
.Ltmp1:
0x1e: {  	_ = 	snop;
	(pc) =	sbr.rel @!p0 .LBB2_5-.Ltmp1, $3  }
0x1f: {  	_ =	sdelay $0x1  }
0x20: {  	[sflag:s24] =	ssyncset.done $0x0  }
0x21: {  	[sflag:s24] =	ssyncadd.s32 $0xFFFFCC00  }
.LBB2_1:
0x22: {  	s0 =	rddreg [dreg:$0x3]  }
0x23: {  	[tilespmem:s2], [sflag:$0x9] =	stream.linear.gather [hbm4b:s0+s2], $0x9C0, $0x38;
	[tilespmem:$0xD9C0] =	vst v63  }
0x24: {  	_ =	swait.ge [sflag:s10], $0x9C0  }
0x25: {  	[sflag:s10] =	ssyncset.done $0x0  }
0x26: {  	[sflag:s10] =	ssyncadd.s32 $0xFFFFF640  }
0x27: {  	[tilespmem:s12], [sflag:$0x1] =	stream.indirect.gather [hbm4b:s3+s11], $0x80, s2, s11, $0xb8;
	[tilespmem:$0xD9C0] =	vst v63  }
0x28: {  	_ = 	snop  }
0x29: {  	[tilespmem:s13], [sflag:$0x2] =	stream.indirect.gather [hbm4b:s3+s11], $0x80, s11, s11, $0xb8;
	[tilespmem:$0xD9C0] =	vst v63  }
0x2a: {  	s26 =	simm.s32 $0xD0;
	s28 =	smov.u32 s8;
	s29 =	smov.u32 s7  }
0x2b: {  	[tilespmem:s15], [sflag:$0x3] =	stream.indirect.gather [hbm4b:s3+s11], $0x80, s26, s11, $0xb8;
	[tilespmem:$0xD9C0] =	vst v63  }
0x2c: {  	s30 =	smov.u32 s6;
	s31 =	simm.s32 $0x0;
	s26 =	smov.u32 s9  }
.LBB2_2:
0x2d: {  	_ =	swait.ge [sflag:s16], $0x3400  }
0x2e: {  	p0 =	seq.s32 s31, $0x0;
	[sflag:s16] =	ssyncset.done $0x0  }
0x2f: {  	s0 =	simm.s32 @!p0 $0x8;
	[sflag:s16] =	ssyncadd.s32 $0xFFFFCC00  }
0x30: {  	[hbm4b:s28+s2] =	stream.linear.scatter [tilespmem:s12], [sflag:$0x5], $0x3400, $0x38;
	[tilespmem:$0xD9C0] =	vst v63  }
0x31: {  	_ =	swait.ge @!p0 [sflag:s0], $0x3400  }
0x32: {  	s1 =	sshra.s32 s31, $0x2;
	[sflag:s0] =	ssyncset.done @!p0 $0x0  }
0x33: {  	s14 =	sadd.s32 $0x138, s1;
	[sflag:s0] =	ssyncadd.s32 @!p0 $0xFFFFCC00  }
0x34: {  	[tilespmem:s17], [sflag:$0x4] =	stream.indirect.gather [hbm4b:s3+s11], $0x80, s14, s11, $0xb8;
	[tilespmem:$0xD9C0] =	vst v63  }
0x35: {  	_ =	swait.ge [sflag:s18], $0x3400  }
0x36: {  	p0 =	seq.s32 s31, $0x2080;
	[sflag:s18] =	ssyncset.done $0x0  }
0x37: {  	s0 =	simm.s32 @!p0 $0x5;
	[sflag:s18] =	ssyncadd.s32 $0xFFFFCC00  }
0x38: {  	[hbm4b:s29+s2] =	stream.linear.scatter [tilespmem:s13], [sflag:$0x6], $0x3400, $0x38;
	[tilespmem:$0xD9C0] =	vst v63  }
0x39: {  	_ =	swait.ge @!p0 [sflag:s0], $0x3400  }
0x3a: {  	[sflag:s0] =	ssyncset.done @!p0 $0x0  }
0x3b: {  	[sflag:s0] =	ssyncadd.s32 @!p0 $0xFFFFCC00;
	s0 =	sshra.s32 @!p0 s31, $0x2  }
0x3c: {  	s4 =	simm.s32 @!p0 $0x68;
	s5 =	simm.s32 @!p0 $0x9C0;
	s14 =	sadd.s32 @!p0 $0x1A0, s0  }
0x3d: {  	[tilespmem:s5], [sflag:$0x1] =	stream.indirect.gather @!p0 [hbm4b:s3+s4], $0x80, s14, s4, $0xb8;
	[tilespmem:$0xD9C0] =	vst v63  }
0x3e: {  	_ =	swait.ge [sflag:s19], $0x3400  }
0x3f: {  	[sflag:s19] =	ssyncset.done $0x0  }
0x40: {  	s5 =	simm.s32 @!p0 $0x6;
	[sflag:s19] =	ssyncadd.s32 $0xFFFFCC00  }
0x41: {  	[hbm4b:s30+s2] =	stream.linear.scatter [tilespmem:s15], [sflag:$0x7], $0x3400, $0x38;
	[tilespmem:$0xD9C0] =	vst v63  }
0x42: {  	_ =	swait.ge @!p0 [sflag:s5], $0x3400  }
0x43: {  	[sflag:s5] =	ssyncset.done @!p0 $0x0  }
0x44: {  	s0 =	sadd.s32 @!p0 $0x208, s0;
	[sflag:s5] =	ssyncadd.s32 @!p0 $0xFFFFCC00;
	s5 =	simm.s32 @!p0 $0x3DC0  }
0x45: {  	[tilespmem:s5], [sflag:$0x2] =	stream.indirect.gather @!p0 [hbm4b:s3+s4], $0x80, s0, s4, $0xb8;
	[tilespmem:$0xD9C0] =	vst v63  }
.Ltmp2:
0x46: {  	_ = 	snop;
	(pc) =	sbr.rel @p0 .LBB2_4-.Ltmp2, $4  }
0x47: {  	_ =	swait.ge [sflag:s20], $0x3400  }
0x48: {  	[sflag:s20] =	ssyncset.done $0x0  }
0x49: {  	[sflag:s20] =	ssyncadd.s32 $0xFFFFCC00  }
0x4a: {  	[hbm4b:s26+s2] =	stream.linear.scatter [tilespmem:s17], [sflag:$0x8], $0x3400, $0x38;
	[tilespmem:$0xD9C0] =	vst v63  }
.Ltmp3:
0x4b: {  	(pc) =	sbr.rel .LBB2_2-.Ltmp3, $4  }
0x4c: {  	_ =	swait.ge [sflag:s23], $0x3400;
	s0 =	sadd.s32 $0x270, s1;
	s31 =	sadd.s32 $0x680, s31  }
0x4d: {  	s30 =	sadd.s32 $0x1A00, s30;
	s29 =	sadd.s32 $0x1A00, s29;
	[sflag:s23] =	ssyncset.done $0x0  }
0x4e: {  	s28 =	sadd.s32 $0x1A00, s28;
	s26 =	sadd.s32 $0x1A00, s26;
	[sflag:s23] =	ssyncadd.s32 $0xFFFFCC00  }
0x4f: {  	[tilespmem:s15], [sflag:$0x3] =	stream.indirect.gather [hbm4b:s3+s11], $0x80, s0, s11, $0xb8;
	[tilespmem:$0xD9C0] =	vst v63  }
.LBB2_5:
0x50: {  	_ =	sfence.sel $0x180000  }
0x51: {  	[bflag:$0x0] =	sbarrier.arrive $0xFFFF  }
0x52: {  	_ =	strace $0x9000004A  }
0x53: {  	s0 =	stileid.u32;
	[bflag:$0x2] =	sbarrier.arrive $0xFFFF  }
0x54: {  	p0 =	sne.s32 s0, $0x0;
	s0 =	rddreg [dreg:$0x2]  }
0x55: {  	s0 =	sadd.s32 @!p0 $0x100000, s0  }
0x56: {  	[sflag:s0] =	ssyncadd.tile.s32 @!p0 $0x1;
	_ =	shalt  }
.Lfunc_end2:
_tile_overlayer_lowered:
.L_overlay_start_2:
0x57: {  	(tag) =	ssettag $0x2  }
0x58: {  	s0 =	rddreg [dreg:$0x0];
	s2 =	stileid.u32  }
0x59: {  	s1 =	rddreg [dreg:$0x1];
	p0 =	sne.s32 s2, $0x0  }
0x5a: {  	s3 =	rddreg [dreg:$0x2];
	[bflag:$0x3] =	sbarrier.arrive $0xFFFF;
	s2 =	simm.s32 @!p0 $0x1C09  }
0x5b: {  	[timem:s3], [sflag:s2] =	dma.local @!p0 [hbm:s0], s1  }
0x5c: {  	s0 =	simm.s32 @!p0 $0x9  }
0x5d: {  	_ =	swait.ge @!p0 [sflag:s0], s1  }
0x5e: {  	s1 =	ssub.s32 @!p0 $0x0, s1;
	[sflag:s0] =	ssyncset.done @!p0 $0x0  }
0x5f: {  	[sflag:s0] =	ssyncadd.s32 @!p0 s1  }
0x60: {  	[bflag:$0x3] =	sbarrier.arrive $0xFFFF  }
0x61: {  	_ =	shalt  }

// kernel: kernel.14.cloned.1.call-start
scs
__scs_entry_jumppad:
0x0: {  	(pc) =	sbr.rel $0x88, $3  }
0x1: {  	(tag) =	ssettag $0x0;
	lr =	simm.s32 $0x1  }
0x2: {  	[smem:$0x3F94] =	sst lr;
	_ =	strace $0xD0000000  }
0x3: {  	_ = 	snop  }
0x4: {  	_ = 	snop  }
0x5: {  	_ = 	snop  }
0x6: {  	_ = 	snop  }
0x7: {  	_ = 	snop  }
__scs_overlays_trampoline_lowered:
0x8: {  	[smem:$0x3FA3] =	sst s0  }
0x9: {  	[smem:$0x3FA4] =	sst s1  }
0xa: {  	[smem:$0x3FA5] =	sst s2  }
0xb: {  	[smem:$0x3FA6] =	sst s3  }
0xc: {  	[smem:$0x3FA7] =	sst s4  }
0xd: {  	[smem:$0x3FA8] =	sst s5  }
0xe: {  	[smem:$0x3FA9] =	sst s6  }
0xf: {  	[smem:$0x3FAA] =	sst s7  }
0x10: {  	[smem:$0x3FAB] =	sst s8  }
0x11: {  	[smem:$0x3FAC] =	sst s9;
	s0 =	simm.s32 @!p0 $0x0  }
0x12: {  	s1 =	sld [smem:$0x3F92];
	s0 =	simm.s32 @p0 $0x1  }
0x13: {  	[smem:$0x3FAD] =	sst s0;
	s0 =	simm.s32 @!p1 $0x0  }
0x14: {  	s2 =	sld [smem:$0x3F91];
	s0 =	simm.s32 @p1 $0x1  }
0x15: {  	[smem:$0x3FAE] =	sst s0;
	s0 =	simm.s32 @!p2 $0x0  }
0x16: {  	s3 =	sld [smem:$0x3FDB];
	s0 =	simm.s32 @p2 $0x1  }
0x17: {  	s4 =	simm.s32 $0x1BF5;
	[smem:$0x3FB0] =	sst s0  }
0x18: {  	s0 =	sld [smem:$0x3F93];
	_ =	swait.ge [sflag:s4], $0x0  }
0x19: {  	s7 =	sld [smem:$0x3F94]  }
0x1a: {  	s8 =	sadd.s32 $0xFFFFE003, lr  }
0x1b: {  	s9 =	sadd.s32 $0xFFFFFEF7, lr;
	s5 =	simm.s32 $0xFFFFFFFF;
	p2 =	slt.u32 s8, $0xFFFFF086  }
0x1c: {  	p1 =	slt.u32 s9, $0xF7A;
	s5 =	simm.s32 @!p2 $0x0  }
0x1d: {  	s5 =	simm.s32 @p1 $0x1;
	p0 =	seq.s32 s7, s2  }
0x1e: {  	s7 =	smul.u32 @!p0 $0xF7A, s2;
	p2 =	seq.s32 @!p0 s5, $0x0  }
0x1f: {  	s9 =	smul.u32 $0xF7A, s1;
	s8 =	simm.s32 @!p0 $0x1BF5;
	p2 =	por !p2, p0  }
0x20: {  	[sflag:s8] =	ssyncset.s32 @!p0 $0xFFFFF086;
	s6 =	sadd.s32 @!p0 s3, s7;
	s7 =	simm.s32 @!p0 $0x108  }
0x21: {  	s3 =	sadd.s32 s3, s9;
	s6 =	sadd.s32 @!p0 $0x88, s6;
	s7 =	simm.s32 @p2 $0x1082  }
0x22: {  	[simem:s7], [sflag:s8] =	dma.local @!p0 [hbm:s6], $0xF7A  }
0x23: {  	s9 =	sor.u32 $0xD0000000, s2;
	s6 =	simm.s32 $0x108;
	_ =	swait.ge @!p0 [sflag:s8], $0x0  }
0x24: {  	s3 =	sadd.s32 $0x88, s3;
	s6 =	simm.s32 @!p1 $0x1082;
	[sflag:s4] =	ssyncset.s32 $0xFFFFF086  }
0x25: {  	[simem:s6], [sflag:s4] =	dma.local [hbm:s3], $0xF7A  }
0x26: {  	[smem:$0x3F94] =	sst s1;
	(tag) =	ssettag s2;
	_ =	strace s9  }
0x27: {  	s1 =	sld [smem:$0x3FA4]  }
0x28: {  	s2 =	sld [smem:$0x3FA5]  }
0x29: {  	s4 =	sld [smem:$0x3FA7]  }
0x2a: {  	p0 =	seq.s32 s5, $0x0;
	s5 =	sld [smem:$0x3FA8]  }
0x2b: {  	s6 =	sld [smem:$0x3FA9]  }
0x2c: {  	s7 =	sld [smem:$0x3FAA]  }
0x2d: {  	s3 =	simm.s32 $0x108;
	s8 =	sld [smem:$0x3FAB]  }
0x2e: {  	s3 =	simm.s32 @!p0 $0x1082;
	s9 =	sld [smem:$0x3FAC]  }
0x2f: {  	lr =	sadd.s32 s0, s3;
	s0 =	sld [smem:$0x3FA3]  }
0x30: {  	s3 =	sld [smem:$0x3FA6]  }
0x31: {  	[smem:$0x3FAF] =	sst s10  }
0x32: {  	s10 =	sld [smem:$0x3FAD];
	_ =	sdelay $0x3  }
0x33: {  	p0 =	seq.s32 s10, $0x1;
	s10 =	sld [smem:$0x3FAF];
	_ =	sdelay $0x3  }
0x34: {  	[smem:$0x3FAF] =	sst s10  }
0x35: {  	s10 =	sld [smem:$0x3FAE];
	_ =	sdelay $0x3  }
0x36: {  	p1 =	seq.s32 s10, $0x1;
	s10 =	sld [smem:$0x3FAF];
	_ =	sdelay $0x3  }
0x37: {  	[smem:$0x3FAF] =	sst s10  }
0x38: {  	s10 =	sld [smem:$0x3FB0]  }
0x39: {  	_ = 	snop;
	(pc) =	sbr.ind lr, $3  }
0x3a: {  	_ = 	snop  }
0x3b: {  	_ = 	snop  }
0x3c: {  	p2 =	seq.s32 s10, $0x1;
	s10 =	sld [smem:$0x3FAF]  }
0x3d: {  	_ =	shalt  }
0x3e: {  	_ =	shalt  }
0x3f: {  	_ =	shalt  }
0x40: {  	_ =	shalt  }
0x41: {  	_ =	shalt  }
0x42: {  	_ =	shalt  }
0x43: {  	_ =	shalt  }
0x44: {  	_ =	shalt  }
0x45: {  	_ =	shalt  }
0x46: {  	_ =	shalt  }
0x47: {  	_ =	shalt  }
0x48: {  	_ =	shalt  }
0x49: {  	_ =	shalt  }
0x4a: {  	_ =	shalt  }
0x4b: {  	_ =	shalt  }
0x4c: {  	_ =	shalt  }
0x4d: {  	_ =	shalt  }
0x4e: {  	_ =	shalt  }
0x4f: {  	_ =	shalt  }
0x50: {  	_ =	shalt  }
0x51: {  	_ =	shalt  }
0x52: {  	_ =	shalt  }
0x53: {  	_ =	shalt  }
0x54: {  	_ =	shalt  }
0x55: {  	_ =	shalt  }
0x56: {  	_ =	shalt  }
0x57: {  	_ =	shalt  }
0x58: {  	_ =	shalt  }
0x59: {  	_ =	shalt  }
0x5a: {  	_ =	shalt  }
0x5b: {  	_ =	shalt  }
0x5c: {  	_ =	shalt  }
0x5d: {  	_ =	shalt  }
0x5e: {  	_ =	shalt  }
0x5f: {  	_ =	shalt  }
0x60: {  	_ =	shalt  }
0x61: {  	_ =	shalt  }
0x62: {  	_ =	shalt  }
0x63: {  	_ =	shalt  }
0x64: {  	_ =	shalt  }
0x65: {  	_ =	shalt  }
0x66: {  	_ =	shalt  }
0x67: {  	_ =	shalt  }
0x68: {  	_ =	shalt  }
0x69: {  	_ =	shalt  }
0x6a: {  	_ =	shalt  }
0x6b: {  	_ =	shalt  }
0x6c: {  	_ =	shalt  }
0x6d: {  	_ =	shalt  }
0x6e: {  	_ =	shalt  }
0x6f: {  	_ =	shalt  }
0x70: {  	_ =	shalt  }
0x71: {  	_ =	shalt  }
0x72: {  	_ =	shalt  }
0x73: {  	_ =	shalt  }
0x74: {  	_ =	shalt  }
0x75: {  	_ =	shalt  }
0x76: {  	_ =	shalt  }
0x77: {  	_ =	shalt  }
0x78: {  	_ =	shalt  }
0x79: {  	_ =	shalt  }
0x7a: {  	_ =	shalt  }
0x7b: {  	_ =	shalt  }
0x7c: {  	_ =	shalt  }
0x7d: {  	_ =	shalt  }
0x7e: {  	_ =	shalt  }
0x7f: {  	_ =	shalt  }
0x80: {  	_ =	shalt  }
0x81: {  	_ =	shalt  }
0x82: {  	_ =	shalt  }
0x83: {  	_ =	shalt  }
0x84: {  	_ =	shalt  }
0x85: {  	_ =	shalt  }
0x86: {  	_ =	shalt  }
0x87: {  	_ =	shalt  }
.Lfunc_end0:
.L_simem_size_0:
called_computation.2_lowered:
.L_overlay_start_0:
0x88: {  	s2 =	sld [smem:$0x3FD9]  }
0x89: {  	s3 =	sld [smem:$0x3FFE];
	_ =	sdelay $0x1  }
0x8a: {  	s1 =	srdreg.scid  }
0x8b: {  	s0 =	sand.u32 $0x1, s1  }
0x8c: {  	s14 =	sshll.u32 s0, $0xA;
	s2 =	sadd.s32 s3, s2  }
0x8d: {  	s2 =	sadd.s32 s2, s14  }
0x8e: {  	[smem:$0x3FBB] =	sst s2  }
0x8f: {  	_ = 	snop  }
0x90: {  	s2 =	sld [smem:$0x3FD0];
	_ =	sdelay $0x2  }
0x91: {  	s15 =	simm.s32 $0xB;
	s4 =	simm.s32 $0x10  }
0x92: {  	[smem:s4], [sflag:s15] =	dma.local [hbm:s2], $0x1  }
0x93: {  	_ =	swait.eq [sflag:s15], $0x1  }
0x94: {  	[sflag:s15] =	ssyncset.done $0x0  }
0x95: {  	[sflag:s15] =	ssyncadd.s32 $0xFFFFFFFF  }
0x96: {  	s16 =	sld [smem:$0x11];
	(tm) =	ssettm $0x1  }
0x97: {  	s17 =	sld [smem:$0x3FFB];
	_ =	sdelay $0x3  }
0x98: {  	_ =	strace s17  }
0x99: {  	s3 =	sld [smem:$0x3FFC];
	_ =	sdelay $0x3  }
0x9a: {  	_ =	strace s3  }
0x9b: {  	s3 =	sld [smem:$0x3FFD];
	_ =	sdelay $0x3  }
0x9c: {  	_ =	strace s3  }
0x9d: {  	_ =	strace $0x8FFFFFFF  }
0x9e: {  	s18 =	sld [smem:$0x3FDB];
	_ =	sdelay $0x1  }
0x9f: {  	s19 =	simm.s32 $_scs_section_size  }
0xa0: {  	s5 =	simm.s32 $_size__tile_overlayer_lowered;
	s6 =	simm.s32 $_tile_overlayer_lowered  }
0xa1: {  	s22 =	simm.s32 $0x1BFF;
	s21 =	sshll.u32 s6, $0x1;
	s3 =	sadd.s32 s19, s18  }
0xa2: {  	s7 =	simm.s32 $0x0;
	s20 =	sshll.u32 s5, $0x1;
	s5 =	sadd.s32 s21, s3  }
0xa3: {  	[timem:s7], [sflag:s22] =	dma.local [hbm:s5], s20  }
0xa4: {  	_ =	swait.ge [sflag:s22], s20  }
0xa5: {  	s4 =	ssub.s32 $0x0, s20;
	[sflag:s22] =	ssyncset.done $0x0  }
0xa6: {  	[sflag:s22] =	ssyncadd.s32 s4;
	_ =	sdelay $0x1  }
0xa7: {  	s23 =	simm.s32 $0x1B8B  }
0xa8: {  	_ =	swait.ge [sflag:s23], $0x1  }
0xa9: {  	[sflag:s23] =	ssyncset.done $0x0  }
0xaa: {  	s25 =	simm.s32 $0x1B8E;
	s24 =	sld [smem:$0x3FFE];
	[sflag:s23] =	ssyncadd.s32 $0xFFFFFFFF  }
0xab: {  	s26 =	simm.s32 $execute0_lowered;
	[smem:$0x3FD2] =	sst s25  }
0xac: {  	s5 =	sshll.u32 s26, $0x1;
	_ =	strace $0x8000004C;
	[dreg:$0x1] =	wrdreg $0xFFFFFFFF  }
0xad: {  	s28 =	simm.s32 $_size_execute0_lowered;
	s3 =	sadd.s32 s3, s5;
	[dreg:$0x0] =	wrdreg $0x0  }
0xae: {  	s5 =	sshll.u32 s28, $0x1;
	[dreg:$0x2] =	wrdreg s3  }
0xaf: {  	[dreg:$0x3] =	wrdreg s5  }
0xb0: {  	[dreg:$0x4] =	wrdreg $0xC0  }
0xb1: {  	_ =	task [dreg:s7], $0x5FFFF  }
0xb2: {  	[dreg:$0x1] =	wrdreg $0xFFFFFFFF  }
0xb3: {  	[dreg:$0x0] =	wrdreg $0x60  }
0xb4: {  	[dreg:$0x2] =	wrdreg s24  }
0xb5: {  	[dreg:$0x3] =	wrdreg s16  }
0xb6: {  	[dreg:$0x4] =	wrdreg $0x9  }
0xb7: {  	_ =	task.clear_ibuf [dreg:s7], $0x5FFFF;
	_ =	strace $0x9000004C  }
0xb8: {  	s29 =	simm.s32 $0x9;
	_ =	strace $0x8000004E  }
0xb9: {  	_ =	swait.ge [sflag:s29], $0x1  }
0xba: {  	[sflag:s29] =	ssyncadd.s32 $0xFFFFFFFF  }
0xbb: {  	_ =	strace $0x9000004E  }
0xbc: {  	_ =	sfence  }
0xbd: {  	s30 =	sld [smem:$0x0];
	_ =	sdelay $0x2  }
0xbe: {  	s31 =	sshll.u32 s1, $0xD;
	s1 =	sshrl.u32 s1, $0x2  }
0xbf: {  	s3 =	sand.u32 $0x4000, s31;
	s1 =	sadd.s32 s1, s30  }
0xc0: {  	s0 =	sor.u32 s3, s0;
	s1 =	sshll.u32 s1, $0x11  }
0xc1: {  	s0 =	sor.u32 s1, s0  }
0xc2: {  	s0 =	sadd.s32 $0x8F2B, s0  }
0xc3: {  	[sflag:s0] =	ssyncadd.remote.s32 $0x1  }
0xc4: {  	_ =	sfence.sel $0xFFFF  }
0xc5: {  	[dreg:$0x0] =	wrdreg $0xFFFFFFFF;
	(pc) =	sbr.abs _section_cstart, $3  }
0xc6: {  	[dreg:$0x1] =	wrdreg $0xFFFFFFFF  }
0xc7: {  	_ =	task.clear_ibuf [dreg:s7], $0x2FFFF;
	_ =	strace $0x9FFFFFFF  }
0xc8: {  	(tm) =	ssettm $0x7FFFFFFF  }
0xc9: {  	_ =	shalt  }
tec
execute0_lowered:
.L_overlay_start_1:
0x0: {  	(tag) =	ssettag $0x1  }
0x1: {  	s0 =	rddreg [dreg:$0x0]  }
0x2: {  	s1 =	rddreg [dreg:$0x1];
	s2 =	simm.s32 $0x0;
	s3 =	srdreg.scid  }
0x3: {  	s9 =	stileid.u32;
	s11 =	simm.s32 $0x9;
	s12 =	simm.s32 $0x80  }
0x4: {  	s13 =	simm.s32 $0x1000;
	s14 =	simm.s32 $0x5000;
	s16 =	simm.s32 $0x9000  }
0x5: {  	s17 =	simm.s32 $0x1;
	s19 =	simm.s32 $0xD000;
	s20 =	simm.s32 $0x2  }
0x6: {  	s21 =	simm.s32 $0x5;
	s23 =	simm.s32 $0x3;
	s28 =	simm.s32 $0x7  }
0x7: {  	s30 =	simm.s32 $0x8;
	s31 =	simm.s32 $0x0;
	[smem:$0x7FF] =	sst s2  }
0x8: {  	s8 =	sand.u32 $0x1, s3;
	s4 =	sshll.u32 s9, $0xD;
	s3 =	sadd.s32 $0x40AC00, s0  }
0x9: {  	s0 =	sadd.s32 $0x2C00, s0;
	s26 =	sshll.u32 s9, $0x11;
	s5 =	sshll.u32 s8, $0xC  }
0xa: {  	_ =	strace $0x8000004D;
	s6 =	ssub.s32 $0x2, s8;
	s5 =	sor.u32 s5, s4  }
0xb: {  	s29 =	sshll.u32 s8, $0x10;
	s24 =	sshrl.u32 s6, $0x1;
	s7 =	sshrl.u32 s5, $0x3  }
.Ltmp0:
0xc: {  	s6 =	ssub.s32 s6, s24;
	s25 =	sshll.u32 s5, $0x4;
	(pc) =	sbr.rel .LBB2_1-.Ltmp0, $4  }
0xd: {  	s24 =	simm.s32 $0x6;
	s1 =	sadd.s32 s1, s7;
	s5 =	sadd.s32 s0, s25  }
0xe: {  	s6 =	smax.u32 s6, $0x1;
	s0 =	sadd.s32 s26, s0;
	s26 =	simm.s32 $0x4  }
0xf: {  	[dreg:$0x3] =	wrdreg s1;
	s7 =	sadd.s32 $0x800, s5;
	s0 =	sadd.s32 s29, s0  }
0x10: {  	s8 =	sadd.s32 $0x1000, s5;
	s9 =	sadd.s32 $0x1800, s5;
	s0 =	sadd.s32 $0x2000, s0  }
.LBB2_4:
0x11: {  	_ =	swait.ge [sflag:s21], $0x4000  }
0x12: {  	[sflag:s21] =	ssyncset.done $0x0  }
0x13: {  	[sflag:s21] =	ssyncadd.s32 $0xFFFFC000  }
0x14: {  	_ =	swait.ge [sflag:s24], $0x4000  }
0x15: {  	[sflag:s24] =	ssyncset.done $0x0  }
0x16: {  	s31 =	sadd.s32 $0x1, s31;
	[sflag:s24] =	ssyncadd.s32 $0xFFFFC000  }
0x17: {  	p0 =	sne.s32 s31, s6;
	_ =	swait.ge [sflag:s28], $0x4000  }
.Ltmp1:
0x18: {  	[sflag:s28] =	ssyncset.done $0x0;
	(pc) =	sbr.rel @!p0 .LBB2_5-.Ltmp1, $4  }
0x19: {  	[sflag:s28] =	ssyncadd.s32 $0xFFFFC000  }
0x1a: {  	_ =	swait.ge [sflag:s30], $0x4000  }
0x1b: {  	[sflag:s30] =	ssyncset.done $0x0  }
0x1c: {  	[sflag:s30] =	ssyncadd.s32 $0xFFFFC000  }
.LBB2_1:
0x1d: {  	s1 =	rddreg [dreg:$0x3]  }
0x1e: {  	[tilespmem:s2], [sflag:$0x9] =	stream.linear.gather [hbm4b:s1+s2], $0x1000, $0x38;
	[tilespmem:$0x11000] =	vst v63  }
0x1f: {  	_ =	swait.ge [sflag:s11], $0x1000  }
0x20: {  	[sflag:s11] =	ssyncset.done $0x0  }
0x21: {  	[sflag:s11] =	ssyncadd.s32 $0xFFFFF000  }
0x22: {  	[tilespmem:s13], [sflag:$0x1] =	stream.indirect.gather [hbm4b:s3+s12], $0x80, s2, s12, $0xb8;
	[tilespmem:$0x11000] =	vst v63  }
0x23: {  	_ = 	snop  }
0x24: {  	[tilespmem:s14], [sflag:$0x2] =	stream.indirect.gather [hbm4b:s3+s12], $0x80, s12, s12, $0xb8;
	[tilespmem:$0x11000] =	vst v63  }
0x25: {  	s15 =	simm.s32 $0x100  }
0x26: {  	[tilespmem:s16], [sflag:$0x3] =	stream.indirect.gather [hbm4b:s3+s12], $0x80, s15, s12, $0xb8;
	[tilespmem:$0x11000] =	vst v63  }
0x27: {  	_ =	swait.ge [sflag:s17], $0x4000  }
0x28: {  	[sflag:s17] =	ssyncset.done $0x0  }
0x29: {  	[sflag:s17] =	ssyncadd.s32 $0xFFFFC000  }
0x2a: {  	[hbm4b:s5+s2] =	stream.linear.scatter [tilespmem:s13], [sflag:$0x5], $0x4000, $0x38;
	[tilespmem:$0x11000] =	vst v63  }
0x2b: {  	s18 =	simm.s32 $0x180  }
0x2c: {  	[tilespmem:s19], [sflag:$0x4] =	stream.indirect.gather [hbm4b:s3+s12], $0x80, s18, s12, $0xb8;
	[tilespmem:$0x11000] =	vst v63  }
0x2d: {  	_ =	swait.ge [sflag:s20], $0x4000  }
0x2e: {  	[sflag:s20] =	ssyncset.done $0x0  }
0x2f: {  	[sflag:s20] =	ssyncadd.s32 $0xFFFFC000  }
0x30: {  	[hbm4b:s7+s2] =	stream.linear.scatter [tilespmem:s14], [sflag:$0x6], $0x4000, $0x38;
	[tilespmem:$0x11000] =	vst v63  }
0x31: {  	_ =	swait.ge [sflag:s21], $0x4000  }
0x32: {  	[sflag:s21] =	ssyncset.done $0x0  }
0x33: {  	s22 =	simm.s32 $0x200;
	[sflag:s21] =	ssyncadd.s32 $0xFFFFC000  }
0x34: {  	[tilespmem:s13], [sflag:$0x1] =	stream.indirect.gather [hbm4b:s3+s12], $0x80, s22, s12, $0xb8;
	[tilespmem:$0x11000] =	vst v63  }
0x35: {  	_ =	swait.ge [sflag:s23], $0x4000  }
0x36: {  	[sflag:s23] =	ssyncset.done $0x0  }
0x37: {  	[sflag:s23] =	ssyncadd.s32 $0xFFFFC000  }
0x38: {  	[hbm4b:s8+s2] =	stream.linear.scatter [tilespmem:s16], [sflag:$0x7], $0x4000, $0x38;
	[tilespmem:$0x11000] =	vst v63  }
0x39: {  	_ =	swait.ge [sflag:s24], $0x4000  }
0x3a: {  	[sflag:s24] =	ssyncset.done $0x0  }
0x3b: {  	s25 =	simm.s32 $0x280;
	[sflag:s24] =	ssyncadd.s32 $0xFFFFC000  }
0x3c: {  	[tilespmem:s14], [sflag:$0x2] =	stream.indirect.gather [hbm4b:s3+s12], $0x80, s25, s12, $0xb8;
	[tilespmem:$0x11000] =	vst v63  }
0x3d: {  	_ =	swait.ge [sflag:s26], $0x4000  }
0x3e: {  	[sflag:s26] =	ssyncset.done $0x0  }
0x3f: {  	[sflag:s26] =	ssyncadd.s32 $0xFFFFC000  }
0x40: {  	[hbm4b:s9+s2] =	stream.linear.scatter [tilespmem:s19], [sflag:$0x8], $0x4000, $0x38;
	[tilespmem:$0x11000] =	vst v63  }
0x41: {  	_ =	swait.ge [sflag:s28], $0x4000  }
0x42: {  	s29 =	simm.s32 $0x300;
	[sflag:s28] =	ssyncset.done $0x0  }
0x43: {  	s10 =	smov.u32 s0;
	s1 =	simm.s32 $0x0;
	[sflag:s28] =	ssyncadd.s32 $0xFFFFC000  }
0x44: {  	[tilespmem:s16], [sflag:$0x3] =	stream.indirect.gather [hbm4b:s3+s12], $0x80, s29, s12, $0xb8;
	[tilespmem:$0x11000] =	vst v63  }
.LBB2_2:
0x45: {  	_ =	swait.ge [sflag:s17], $0x4000  }
0x46: {  	[sflag:s17] =	ssyncset.done $0x0  }
0x47: {  	[sflag:s17] =	ssyncadd.s32 $0xFFFFC000  }
0x48: {  	[hbm4b:s10+s2] =	stream.linear.scatter [tilespmem:s13], [sflag:$0x5], $0x4000, $0x38;
	[tilespmem:$0x11000] =	vst v63  }
0x49: {  	_ =	swait.ge [sflag:s30], $0x4000  }
0x4a: {  	s15 =	sshra.s32 s1, $0x2;
	[sflag:s30] =	ssyncset.done $0x0  }
0x4b: {  	s18 =	sadd.s32 $0x380, s15;
	[sflag:s30] =	ssyncadd.s32 $0xFFFFC000  }
0x4c: {  	[tilespmem:s19], [sflag:$0x4] =	stream.indirect.gather [hbm4b:s3+s12], $0x80, s18, s12, $0xb8;
	[tilespmem:$0x11000] =	vst v63  }
0x4d: {  	_ =	swait.ge [sflag:s20], $0x4000  }
0x4e: {  	p0 =	seq.s32 s1, $0x3000;
	[sflag:s20] =	ssyncset.done $0x0  }
0x4f: {  	s25 =	sadd.s32 $0x800, s10;
	s18 =	simm.s32 @p0 $0x3;
	[sflag:s20] =	ssyncadd.s32 $0xFFFFC000  }
0x50: {  	[hbm4b:s25+s2] =	stream.linear.scatter [tilespmem:s14], [sflag:$0x6], $0x4000, $0x38;
	[tilespmem:$0x11000] =	vst v63  }
0x51: {  	_ =	swait.ge @p0 [sflag:s18], $0x4000  }
0x52: {  	s22 =	simm.s32 @p0 $0x0;
	[sflag:s18] =	ssyncset.done @p0 $0x0  }
0x53: {  	s25 =	simm.s32 @p0 $0x9000;
	[sflag:s18] =	ssyncadd.s32 @p0 $0xFFFFC000;
	s18 =	sadd.s32 @p0 $0x1000, s10  }
0x54: {  	[hbm4b:s18+s22] =	stream.linear.scatter @p0 [tilespmem:s25], [sflag:$0x7], $0x4000, $0x38;
	[tilespmem:$0x11000] =	vst v63  }
0x55: {  	s18 =	simm.s32 @!p0 $0x5  }
0x56: {  	_ =	swait.ge @!p0 [sflag:s18], $0x4000  }
0x57: {  	[sflag:s18] =	ssyncset.done @!p0 $0x0  }
0x58: {  	[sflag:s18] =	ssyncadd.s32 @!p0 $0xFFFFC000;
	s18 =	sshra.s32 @!p0 s1, $0x2  }
0x59: {  	s29 =	simm.s32 @!p0 $0x1000;
	s25 =	simm.s32 @!p0 $0x80;
	s22 =	sadd.s32 @!p0 $0x400, s18  }
0x5a: {  	[tilespmem:s29], [sflag:$0x1] =	stream.indirect.gather @!p0 [hbm4b:s3+s25], $0x80, s22, s25, $0xb8;
	[tilespmem:$0x11000] =	vst v63  }
0x5b: {  	s22 =	simm.s32 @!p0 $0x3  }
0x5c: {  	_ =	swait.ge @!p0 [sflag:s22], $0x4000  }
0x5d: {  	s4 =	simm.s32 @!p0 $0x9000;
	[sflag:s22] =	ssyncset.done @!p0 $0x0  }
0x5e: {  	s29 =	simm.s32 @!p0 $0x0;
	[sflag:s22] =	ssyncadd.s32 @!p0 $0xFFFFC000;
	s22 =	sadd.s32 @!p0 $0x1000, s10  }
0x5f: {  	[hbm4b:s22+s29] =	stream.linear.scatter @!p0 [tilespmem:s4], [sflag:$0x7], $0x4000, $0x38;
	[tilespmem:$0x11000] =	vst v63  }
0x60: {  	s4 =	simm.s32 @!p0 $0x6  }
0x61: {  	_ =	swait.ge @!p0 [sflag:s4], $0x4000  }
0x62: {  	[sflag:s4] =	ssyncset.done @!p0 $0x0  }
0x63: {  	[sflag:s4] =	ssyncadd.s32 @!p0 $0xFFFFC000;
	s4 =	sadd.s32 @!p0 $0x480, s18;
	s18 =	simm.s32 @!p0 $0x5000  }
0x64: {  	[tilespmem:s18], [sflag:$0x2] =	stream.indirect.gather @!p0 [hbm4b:s3+s25], $0x80, s4, s25, $0xb8;
	[tilespmem:$0x11000] =	vst v63  }
.Ltmp2:
0x65: {  	_ = 	snop;
	(pc) =	sbr.rel @p0 .LBB2_4-.Ltmp2, $4  }
0x66: {  	_ =	swait.ge [sflag:s26], $0x4000  }
0x67: {  	[sflag:s26] =	ssyncset.done $0x0  }
0x68: {  	s29 =	sadd.s32 $0x1800, s10;
	[sflag:s26] =	ssyncadd.s32 $0xFFFFC000  }
0x69: {  	[hbm4b:s29+s2] =	stream.linear.scatter [tilespmem:s19], [sflag:$0x8], $0x4000, $0x38;
	[tilespmem:$0x11000] =	vst v63  }
.Ltmp3:
0x6a: {  	(pc) =	sbr.rel .LBB2_2-.Ltmp3, $4  }
0x6b: {  	_ =	swait.ge [sflag:s28], $0x4000  }
0x6c: {  	s4 =	sadd.s32 $0x500, s15;
	[sflag:s28] =	ssyncset.done $0x0  }
0x6d: {  	s1 =	sadd.s32 $0x800, s1;
	s10 =	sadd.s32 $0x2000, s10;
	[sflag:s28] =	ssyncadd.s32 $0xFFFFC000  }
0x6e: {  	[tilespmem:s16], [sflag:$0x3] =	stream.indirect.gather [hbm4b:s3+s12], $0x80, s4, s12, $0xb8;
	[tilespmem:$0x11000] =	vst v63  }
.LBB2_5:
0x6f: {  	_ =	sfence.sel $0x180000  }
0x70: {  	[bflag:$0x0] =	sbarrier.arrive $0xFFFF  }
0x71: {  	_ =	strace $0x9000004D  }
0x72: {  	s0 =	stileid.u32;
	[bflag:$0x2] =	sbarrier.arrive $0xFFFF  }
0x73: {  	p0 =	sne.s32 s0, $0x0;
	s0 =	rddreg [dreg:$0x2]  }
0x74: {  	s0 =	sadd.s32 @!p0 $0x100000, s0  }
0x75: {  	[sflag:s0] =	ssyncadd.tile.s32 @!p0 $0x1;
	_ =	shalt  }
.Lfunc_end2:
_tile_overlayer_lowered:
.L_overlay_start_2:
0x76: {  	(tag) =	ssettag $0x2  }
0x77: {  	s0 =	rddreg [dreg:$0x0];
	s2 =	stileid.u32  }
0x78: {  	s1 =	rddreg [dreg:$0x1];
	p0 =	sne.s32 s2, $0x0  }
0x79: {  	s3 =	rddreg [dreg:$0x2];
	[bflag:$0x3] =	sbarrier.arrive $0xFFFF;
	s2 =	simm.s32 @!p0 $0x1C09  }
0x7a: {  	[timem:s3], [sflag:s2] =	dma.local @!p0 [hbm:s0], s1  }
0x7b: {  	s0 =	simm.s32 @!p0 $0x9  }
0x7c: {  	_ =	swait.ge @!p0 [sflag:s0], s1  }
0x7d: {  	s1 =	ssub.s32 @!p0 $0x0, s1;
	[sflag:s0] =	ssyncset.done @!p0 $0x0  }
0x7e: {  	[sflag:s0] =	ssyncadd.s32 @!p0 s1  }
0x7f: {  	[bflag:$0x3] =	sbarrier.arrive $0xFFFF  }
0x80: {  	_ =	shalt  }

// kernel: kernel.8.cloned.1.call-start
scs
__scs_entry_jumppad:
0x0: {  	(pc) =	sbr.rel $0x88, $3  }
0x1: {  	(tag) =	ssettag $0x0;
	lr =	simm.s32 $0x1  }
0x2: {  	[smem:$0x3F94] =	sst lr;
	_ =	strace $0xD0000000  }
0x3: {  	_ = 	snop  }
0x4: {  	_ = 	snop  }
0x5: {  	_ = 	snop  }
0x6: {  	_ = 	snop  }
0x7: {  	_ = 	snop  }
__scs_overlays_trampoline_lowered:
0x8: {  	[smem:$0x3FA3] =	sst s0  }
0x9: {  	[smem:$0x3FA4] =	sst s1  }
0xa: {  	[smem:$0x3FA5] =	sst s2  }
0xb: {  	[smem:$0x3FA6] =	sst s3  }
0xc: {  	[smem:$0x3FA7] =	sst s4  }
0xd: {  	[smem:$0x3FA8] =	sst s5  }
0xe: {  	[smem:$0x3FA9] =	sst s6  }
0xf: {  	[smem:$0x3FAA] =	sst s7  }
0x10: {  	[smem:$0x3FAB] =	sst s8  }
0x11: {  	[smem:$0x3FAC] =	sst s9;
	s0 =	simm.s32 @!p0 $0x0  }
0x12: {  	s1 =	sld [smem:$0x3F92];
	s0 =	simm.s32 @p0 $0x1  }
0x13: {  	[smem:$0x3FAD] =	sst s0;
	s0 =	simm.s32 @!p1 $0x0  }
0x14: {  	s2 =	sld [smem:$0x3F91];
	s0 =	simm.s32 @p1 $0x1  }
0x15: {  	[smem:$0x3FAE] =	sst s0;
	s0 =	simm.s32 @!p2 $0x0  }
0x16: {  	s3 =	sld [smem:$0x3FDB];
	s0 =	simm.s32 @p2 $0x1  }
0x17: {  	s4 =	simm.s32 $0x1BF5;
	[smem:$0x3FB0] =	sst s0  }
0x18: {  	s0 =	sld [smem:$0x3F93];
	_ =	swait.ge [sflag:s4], $0x0  }
0x19: {  	s7 =	sld [smem:$0x3F94]  }
0x1a: {  	s8 =	sadd.s32 $0xFFFFE003, lr  }
0x1b: {  	s9 =	sadd.s32 $0xFFFFFEF7, lr;
	s5 =	simm.s32 $0xFFFFFFFF;
	p2 =	slt.u32 s8, $0xFFFFF086  }
0x1c: {  	p1 =	slt.u32 s9, $0xF7A;
	s5 =	simm.s32 @!p2 $0x0  }
0x1d: {  	s5 =	simm.s32 @p1 $0x1;
	p0 =	seq.s32 s7, s2  }
0x1e: {  	s7 =	smul.u32 @!p0 $0xF7A, s2;
	p2 =	seq.s32 @!p0 s5, $0x0  }
0x1f: {  	s9 =	smul.u32 $0xF7A, s1;
	s8 =	simm.s32 @!p0 $0x1BF5;
	p2 =	por !p2, p0  }
0x20: {  	[sflag:s8] =	ssyncset.s32 @!p0 $0xFFFFF086;
	s6 =	sadd.s32 @!p0 s3, s7;
	s7 =	simm.s32 @!p0 $0x108  }
0x21: {  	s3 =	sadd.s32 s3, s9;
	s6 =	sadd.s32 @!p0 $0x88, s6;
	s7 =	simm.s32 @p2 $0x1082  }
0x22: {  	[simem:s7], [sflag:s8] =	dma.local @!p0 [hbm:s6], $0xF7A  }
0x23: {  	s9 =	sor.u32 $0xD0000000, s2;
	s6 =	simm.s32 $0x108;
	_ =	swait.ge @!p0 [sflag:s8], $0x0  }
0x24: {  	s3 =	sadd.s32 $0x88, s3;
	s6 =	simm.s32 @!p1 $0x1082;
	[sflag:s4] =	ssyncset.s32 $0xFFFFF086  }
0x25: {  	[simem:s6], [sflag:s4] =	dma.local [hbm:s3], $0xF7A  }
0x26: {  	[smem:$0x3F94] =	sst s1;
	(tag) =	ssettag s2;
	_ =	strace s9  }
0x27: {  	s1 =	sld [smem:$0x3FA4]  }
0x28: {  	s2 =	sld [smem:$0x3FA5]  }
0x29: {  	s4 =	sld [smem:$0x3FA7]  }
0x2a: {  	p0 =	seq.s32 s5, $0x0;
	s5 =	sld [smem:$0x3FA8]  }
0x2b: {  	s6 =	sld [smem:$0x3FA9]  }
0x2c: {  	s7 =	sld [smem:$0x3FAA]  }
0x2d: {  	s3 =	simm.s32 $0x108;
	s8 =	sld [smem:$0x3FAB]  }
0x2e: {  	s3 =	simm.s32 @!p0 $0x1082;
	s9 =	sld [smem:$0x3FAC]  }
0x2f: {  	lr =	sadd.s32 s0, s3;
	s0 =	sld [smem:$0x3FA3]  }
0x30: {  	s3 =	sld [smem:$0x3FA6]  }
0x31: {  	[smem:$0x3FAF] =	sst s10  }
0x32: {  	s10 =	sld [smem:$0x3FAD];
	_ =	sdelay $0x3  }
0x33: {  	p0 =	seq.s32 s10, $0x1;
	s10 =	sld [smem:$0x3FAF];
	_ =	sdelay $0x3  }
0x34: {  	[smem:$0x3FAF] =	sst s10  }
0x35: {  	s10 =	sld [smem:$0x3FAE];
	_ =	sdelay $0x3  }
0x36: {  	p1 =	seq.s32 s10, $0x1;
	s10 =	sld [smem:$0x3FAF];
	_ =	sdelay $0x3  }
0x37: {  	[smem:$0x3FAF] =	sst s10  }
0x38: {  	s10 =	sld [smem:$0x3FB0]  }
0x39: {  	_ = 	snop;
	(pc) =	sbr.ind lr, $3  }
0x3a: {  	_ = 	snop  }
0x3b: {  	_ = 	snop  }
0x3c: {  	p2 =	seq.s32 s10, $0x1;
	s10 =	sld [smem:$0x3FAF]  }
0x3d: {  	_ =	shalt  }
0x3e: {  	_ =	shalt  }
0x3f: {  	_ =	shalt  }
0x40: {  	_ =	shalt  }
0x41: {  	_ =	shalt  }
0x42: {  	_ =	shalt  }
0x43: {  	_ =	shalt  }
0x44: {  	_ =	shalt  }
0x45: {  	_ =	shalt  }
0x46: {  	_ =	shalt  }
0x47: {  	_ =	shalt  }
0x48: {  	_ =	shalt  }
0x49: {  	_ =	shalt  }
0x4a: {  	_ =	shalt  }
0x4b: {  	_ =	shalt  }
0x4c: {  	_ =	shalt  }
0x4d: {  	_ =	shalt  }
0x4e: {  	_ =	shalt  }
0x4f: {  	_ =	shalt  }
0x50: {  	_ =	shalt  }
0x51: {  	_ =	shalt  }
0x52: {  	_ =	shalt  }
0x53: {  	_ =	shalt  }
0x54: {  	_ =	shalt  }
0x55: {  	_ =	shalt  }
0x56: {  	_ =	shalt  }
0x57: {  	_ =	shalt  }
0x58: {  	_ =	shalt  }
0x59: {  	_ =	shalt  }
0x5a: {  	_ =	shalt  }
0x5b: {  	_ =	shalt  }
0x5c: {  	_ =	shalt  }
0x5d: {  	_ =	shalt  }
0x5e: {  	_ =	shalt  }
0x5f: {  	_ =	shalt  }
0x60: {  	_ =	shalt  }
0x61: {  	_ =	shalt  }
0x62: {  	_ =	shalt  }
0x63: {  	_ =	shalt  }
0x64: {  	_ =	shalt  }
0x65: {  	_ =	shalt  }
0x66: {  	_ =	shalt  }
0x67: {  	_ =	shalt  }
0x68: {  	_ =	shalt  }
0x69: {  	_ =	shalt  }
0x6a: {  	_ =	shalt  }
0x6b: {  	_ =	shalt  }
0x6c: {  	_ =	shalt  }
0x6d: {  	_ =	shalt  }
0x6e: {  	_ =	shalt  }
0x6f: {  	_ =	shalt  }
0x70: {  	_ =	shalt  }
0x71: {  	_ =	shalt  }
0x72: {  	_ =	shalt  }
0x73: {  	_ =	shalt  }
0x74: {  	_ =	shalt  }
0x75: {  	_ =	shalt  }
0x76: {  	_ =	shalt  }
0x77: {  	_ =	shalt  }
0x78: {  	_ =	shalt  }
0x79: {  	_ =	shalt  }
0x7a: {  	_ =	shalt  }
0x7b: {  	_ =	shalt  }
0x7c: {  	_ =	shalt  }
0x7d: {  	_ =	shalt  }
0x7e: {  	_ =	shalt  }
0x7f: {  	_ =	shalt  }
0x80: {  	_ =	shalt  }
0x81: {  	_ =	shalt  }
0x82: {  	_ =	shalt  }
0x83: {  	_ =	shalt  }
0x84: {  	_ =	shalt  }
0x85: {  	_ =	shalt  }
0x86: {  	_ =	shalt  }
0x87: {  	_ =	shalt  }
.Lfunc_end0:
.L_simem_size_0:
called_computation_lowered:
.L_overlay_start_0:
0x88: {  	s2 =	sld [smem:$0x3FD9]  }
0x89: {  	s3 =	sld [smem:$0x3FFE];
	_ =	sdelay $0x1  }
0x8a: {  	s1 =	srdreg.scid  }
0x8b: {  	s0 =	sand.u32 $0x1, s1  }
0x8c: {  	s14 =	sshll.u32 s0, $0xA;
	s2 =	sadd.s32 s3, s2  }
0x8d: {  	s2 =	sadd.s32 s2, s14  }
0x8e: {  	[smem:$0x3FBB] =	sst s2  }
0x8f: {  	_ = 	snop  }
0x90: {  	s2 =	sld [smem:$0x3FD0];
	_ =	sdelay $0x2  }
0x91: {  	s15 =	simm.s32 $0xB;
	s4 =	simm.s32 $0x10  }
0x92: {  	[smem:s4], [sflag:s15] =	dma.local [hbm:s2], $0x1  }
0x93: {  	_ =	swait.eq [sflag:s15], $0x1  }
0x94: {  	[sflag:s15] =	ssyncset.done $0x0  }
0x95: {  	[sflag:s15] =	ssyncadd.s32 $0xFFFFFFFF  }
0x96: {  	s16 =	sld [smem:$0x10];
	(tm) =	ssettm $0x1  }
0x97: {  	s17 =	sld [smem:$0x3FFB];
	_ =	sdelay $0x3  }
0x98: {  	_ =	strace s17  }
0x99: {  	s3 =	sld [smem:$0x3FFC];
	_ =	sdelay $0x3  }
0x9a: {  	_ =	strace s3  }
0x9b: {  	s3 =	sld [smem:$0x3FFD];
	_ =	sdelay $0x3  }
0x9c: {  	_ =	strace s3  }
0x9d: {  	_ =	strace $0x8FFFFFFF  }
0x9e: {  	s18 =	sld [smem:$0x3FDB];
	_ =	sdelay $0x1  }
0x9f: {  	s19 =	simm.s32 $_scs_section_size  }
0xa0: {  	s5 =	simm.s32 $_size__tile_overlayer_lowered;
	s6 =	simm.s32 $_tile_overlayer_lowered  }
0xa1: {  	s22 =	simm.s32 $0x1BFF;
	s21 =	sshll.u32 s6, $0x1;
	s3 =	sadd.s32 s19, s18  }
0xa2: {  	s7 =	simm.s32 $0x0;
	s20 =	sshll.u32 s5, $0x1;
	s5 =	sadd.s32 s21, s3  }
0xa3: {  	[timem:s7], [sflag:s22] =	dma.local [hbm:s5], s20  }
0xa4: {  	_ =	swait.ge [sflag:s22], s20  }
0xa5: {  	s4 =	ssub.s32 $0x0, s20;
	[sflag:s22] =	ssyncset.done $0x0  }
0xa6: {  	[sflag:s22] =	ssyncadd.s32 s4;
	_ =	sdelay $0x1  }
0xa7: {  	s23 =	simm.s32 $0x1B8B  }
0xa8: {  	_ =	swait.ge [sflag:s23], $0x1  }
0xa9: {  	[sflag:s23] =	ssyncset.done $0x0  }
0xaa: {  	s25 =	simm.s32 $0x1B8E;
	s24 =	sld [smem:$0x3FFE];
	[sflag:s23] =	ssyncadd.s32 $0xFFFFFFFF  }
0xab: {  	s26 =	simm.s32 $execute0_lowered;
	[smem:$0x3FD2] =	sst s25  }
0xac: {  	s5 =	sshll.u32 s26, $0x1;
	_ =	strace $0x80000046;
	[dreg:$0x1] =	wrdreg $0xFFFFFFFF  }
0xad: {  	s28 =	simm.s32 $_size_execute0_lowered;
	s3 =	sadd.s32 s3, s5;
	[dreg:$0x0] =	wrdreg $0x0  }
0xae: {  	s5 =	sshll.u32 s28, $0x1;
	[dreg:$0x2] =	wrdreg s3  }
0xaf: {  	[dreg:$0x3] =	wrdreg s5  }
0xb0: {  	[dreg:$0x4] =	wrdreg $0xC0  }
0xb1: {  	_ =	task [dreg:s7], $0x5FFFF  }
0xb2: {  	[dreg:$0x1] =	wrdreg $0xFFFFFFFF  }
0xb3: {  	[dreg:$0x0] =	wrdreg $0x60  }
0xb4: {  	[dreg:$0x2] =	wrdreg s24  }
0xb5: {  	[dreg:$0x3] =	wrdreg s16  }
0xb6: {  	[dreg:$0x4] =	wrdreg $0x9  }
0xb7: {  	_ =	task.clear_ibuf [dreg:s7], $0x5FFFF;
	_ =	strace $0x90000046  }
0xb8: {  	s29 =	simm.s32 $0x9;
	_ =	strace $0x80000048  }
0xb9: {  	_ =	swait.ge [sflag:s29], $0x1  }
0xba: {  	[sflag:s29] =	ssyncadd.s32 $0xFFFFFFFF  }
0xbb: {  	_ =	strace $0x90000048  }
0xbc: {  	_ =	sfence  }
0xbd: {  	s30 =	sld [smem:$0x0];
	_ =	sdelay $0x2  }
0xbe: {  	s31 =	sshll.u32 s1, $0xD;
	s1 =	sshrl.u32 s1, $0x2  }
0xbf: {  	s3 =	sand.u32 $0x4000, s31;
	s1 =	sadd.s32 s1, s30  }
0xc0: {  	s0 =	sor.u32 s3, s0;
	s1 =	sshll.u32 s1, $0x11  }
0xc1: {  	s0 =	sor.u32 s1, s0  }
0xc2: {  	s0 =	sadd.s32 $0x8F2B, s0  }
0xc3: {  	[sflag:s0] =	ssyncadd.remote.s32 $0x1  }
0xc4: {  	_ =	sfence.sel $0xFFFF  }
0xc5: {  	[dreg:$0x0] =	wrdreg $0xFFFFFFFF;
	(pc) =	sbr.abs _section_cstart, $3  }
0xc6: {  	[dreg:$0x1] =	wrdreg $0xFFFFFFFF  }
0xc7: {  	_ =	task.clear_ibuf [dreg:s7], $0x2FFFF;
	_ =	strace $0x9FFFFFFF  }
0xc8: {  	(tm) =	ssettm $0x7FFFFFFF  }
0xc9: {  	_ =	shalt  }
tec
execute0_lowered:
.L_overlay_start_1:
0x0: {  	(tag) =	ssettag $0x1  }
0x1: {  	s1 =	srdreg.scid;
	s4 =	rddreg [dreg:$0x0]  }
0x2: {  	s0 =	stileid.u32;
	s5 =	rddreg [dreg:$0x1]  }
0x3: {  	s12 =	simm.s32 $0x680;
	s13 =	simm.s32 $0x3A80;
	s15 =	simm.s32 $0x6E80  }
0x4: {  	s16 =	simm.s32 $0x1;
	s17 =	simm.s32 $0xA280;
	s18 =	simm.s32 $0x2  }
0x5: {  	s19 =	simm.s32 $0x3;
	s20 =	simm.s32 $0x4;
	s21 =	simm.s32 $0x5  }
0x6: {  	s22 =	simm.s32 $0x6;
	s23 =	simm.s32 $0x7;
	s7 =	smul.u32 $0xD00, s0  }
0x7: {  	s1 =	sand.u32 $0x1, s1;
	s2 =	sshll.u32 s0, $0x1;
	s29 =	smul.u32 $0xD000, s0  }
0x8: {  	s24 =	simm.s32 $0x8;
	s3 =	sor.u32 s1, s2;
	s9 =	smul.u32 $0x680, s1  }
0x9: {  	s2 =	simm.s32 $0x0;
	s8 =	ssub.s32 $0x2, s1;
	s1 =	smul.u32 $0x6800, s1  }
0xa: {  	s10 =	sadd.s32 $0x202C00, s4;
	s6 =	smul.u32 $0x680, s3;
	[smem:$0x7FF] =	sst s2  }
0xb: {  	s3 =	sadd.s32 $0x2C00, s4;
	s25 =	sshrl.u32 s8, $0x1;
	s31 =	sadd.s32 s29, s10  }
0xc: {  	_ =	strace $0x80000047;
	s8 =	ssub.s32 s8, s25;
	s28 =	sadd.s32 s9, s7  }
.Ltmp0:
0xd: {  	s25 =	simm.s32 $0x0;
	s26 =	sshrl.u32 s6, $0x3;
	(pc) =	sbr.rel .LBB2_1-.Ltmp0, $4  }
0xe: {  	s6 =	sshll.u32 s28, $0x4;
	s30 =	smax.u32 s8, $0x1;
	s8 =	sadd.s32 s1, s31  }
0xf: {  	s4 =	sadd.s32 s5, s26;
	[dreg:$0x4] =	wrdreg s30;
	s11 =	sadd.s32 s10, s6  }
0x10: {  	s10 =	simm.s32 $0x9;
	[dreg:$0x3] =	wrdreg s4;
	s6 =	sadd.s32 $0xD00, s11  }
0x11: {  	s7 =	sadd.s32 $0x680, s11;
	s9 =	sadd.s32 $0x1380, s11;
	s11 =	simm.s32 $0x68  }
.LBB2_4:
0x12: {  	_ =	swait.ge [sflag:s21], $0x3400  }
0x13: {  	[sflag:s21] =	ssyncset.done $0x0  }
0x14: {  	[sflag:s21] =	ssyncadd.s32 $0xFFFFCC00  }
0x15: {  	_ =	swait.ge [sflag:s22], $0x3400  }
0x16: {  	[sflag:s22] =	ssyncset.done $0x0  }
0x17: {  	[sflag:s22] =	ssyncadd.s32 $0xFFFFCC00  }
0x18: {  	_ =	swait.ge [sflag:s23], $0x3400  }
0x19: {  	[sflag:s23] =	ssyncset.done $0x0  }
0x1a: {  	[sflag:s23] =	ssyncadd.s32 $0xFFFFCC00  }
0x1b: {  	_ =	swait.ge [sflag:s24], $0x3400  }
0x1c: {  	s25 =	sadd.s32 $0x1, s25;
	s0 =	rddreg [dreg:$0x4]  }
0x1d: {  	p0 =	sne.s32 s25, s0  }
.Ltmp1:
0x1e: {  	_ = 	snop;
	(pc) =	sbr.rel @!p0 .LBB2_5-.Ltmp1, $3  }
0x1f: {  	_ =	sdelay $0x1  }
0x20: {  	[sflag:s24] =	ssyncset.done $0x0  }
0x21: {  	[sflag:s24] =	ssyncadd.s32 $0xFFFFCC00  }
.LBB2_1:
0x22: {  	s0 =	rddreg [dreg:$0x3]  }
0x23: {  	[tilespmem:s2], [sflag:$0x9] =	stream.linear.gather [hbm4b:s0+s2], $0x680, $0x38;
	[tilespmem:$0xD680] =	vst v63  }
0x24: {  	_ =	swait.ge [sflag:s10], $0x680  }
0x25: {  	[sflag:s10] =	ssyncset.done $0x0  }
0x26: {  	[sflag:s10] =	ssyncadd.s32 $0xFFFFF980  }
0x27: {  	[tilespmem:s12], [sflag:$0x1] =	stream.indirect.gather [hbm4b:s3+s11], $0x80, s2, s11, $0xb8;
	[tilespmem:$0xD680] =	vst v63  }
0x28: {  	_ = 	snop  }
0x29: {  	[tilespmem:s13], [sflag:$0x2] =	stream.indirect.gather [hbm4b:s3+s11], $0x80, s11, s11, $0xb8;
	[tilespmem:$0xD680] =	vst v63  }
0x2a: {  	s26 =	simm.s32 $0xD0;
	s28 =	smov.u32 s8;
	s29 =	smov.u32 s7  }
0x2b: {  	[tilespmem:s15], [sflag:$0x3] =	stream.indirect.gather [hbm4b:s3+s11], $0x80, s26, s11, $0xb8;
	[tilespmem:$0xD680] =	vst v63  }
0x2c: {  	s30 =	smov.u32 s6;
	s31 =	simm.s32 $0x0;
	s26 =	smov.u32 s9  }
.LBB2_2:
0x2d: {  	_ =	swait.ge [sflag:s16], $0x3400  }
0x2e: {  	p0 =	seq.s32 s31, $0x0;
	[sflag:s16] =	ssyncset.done $0x0  }
0x2f: {  	s0 =	simm.s32 @!p0 $0x8;
	[sflag:s16] =	ssyncadd.s32 $0xFFFFCC00  }
0x30: {  	[hbm4b:s28+s2] =	stream.linear.scatter [tilespmem:s12], [sflag:$0x5], $0x3400, $0x38;
	[tilespmem:$0xD680] =	vst v63  }
0x31: {  	_ =	swait.ge @!p0 [sflag:s0], $0x3400  }
0x32: {  	s1 =	sshra.s32 s31, $0x2;
	[sflag:s0] =	ssyncset.done @!p0 $0x0  }
0x33: {  	s14 =	sadd.s32 $0x138, s1;
	[sflag:s0] =	ssyncadd.s32 @!p0 $0xFFFFCC00  }
0x34: {  	[tilespmem:s17], [sflag:$0x4] =	stream.indirect.gather [hbm4b:s3+s11], $0x80, s14, s11, $0xb8;
	[tilespmem:$0xD680] =	vst v63  }
0x35: {  	_ =	swait.ge [sflag:s18], $0x3400  }
0x36: {  	p0 =	seq.s32 s31, $0x1380;
	[sflag:s18] =	ssyncset.done $0x0  }
0x37: {  	s0 =	simm.s32 @!p0 $0x5;
	[sflag:s18] =	ssyncadd.s32 $0xFFFFCC00  }
0x38: {  	[hbm4b:s29+s2] =	stream.linear.scatter [tilespmem:s13], [sflag:$0x6], $0x3400, $0x38;
	[tilespmem:$0xD680] =	vst v63  }
0x39: {  	_ =	swait.ge @!p0 [sflag:s0], $0x3400  }
0x3a: {  	[sflag:s0] =	ssyncset.done @!p0 $0x0  }
0x3b: {  	[sflag:s0] =	ssyncadd.s32 @!p0 $0xFFFFCC00;
	s0 =	sshra.s32 @!p0 s31, $0x2  }
0x3c: {  	s4 =	simm.s32 @!p0 $0x68;
	s5 =	simm.s32 @!p0 $0x680;
	s14 =	sadd.s32 @!p0 $0x1A0, s0  }
0x3d: {  	[tilespmem:s5], [sflag:$0x1] =	stream.indirect.gather @!p0 [hbm4b:s3+s4], $0x80, s14, s4, $0xb8;
	[tilespmem:$0xD680] =	vst v63  }
0x3e: {  	_ =	swait.ge [sflag:s19], $0x3400  }
0x3f: {  	[sflag:s19] =	ssyncset.done $0x0  }
0x40: {  	s5 =	simm.s32 @!p0 $0x6;
	[sflag:s19] =	ssyncadd.s32 $0xFFFFCC00  }
0x41: {  	[hbm4b:s30+s2] =	stream.linear.scatter [tilespmem:s15], [sflag:$0x7], $0x3400, $0x38;
	[tilespmem:$0xD680] =	vst v63  }
0x42: {  	_ =	swait.ge @!p0 [sflag:s5], $0x3400  }
0x43: {  	[sflag:s5] =	ssyncset.done @!p0 $0x0  }
0x44: {  	s0 =	sadd.s32 @!p0 $0x208, s0;
	[sflag:s5] =	ssyncadd.s32 @!p0 $0xFFFFCC00;
	s5 =	simm.s32 @!p0 $0x3A80  }
0x45: {  	[tilespmem:s5], [sflag:$0x2] =	stream.indirect.gather @!p0 [hbm4b:s3+s4], $0x80, s0, s4, $0xb8;
	[tilespmem:$0xD680] =	vst v63  }
.Ltmp2:
0x46: {  	_ = 	snop;
	(pc) =	sbr.rel @p0 .LBB2_4-.Ltmp2, $4  }
0x47: {  	_ =	swait.ge [sflag:s20], $0x3400  }
0x48: {  	[sflag:s20] =	ssyncset.done $0x0  }
0x49: {  	[sflag:s20] =	ssyncadd.s32 $0xFFFFCC00  }
0x4a: {  	[hbm4b:s26+s2] =	stream.linear.scatter [tilespmem:s17], [sflag:$0x8], $0x3400, $0x38;
	[tilespmem:$0xD680] =	vst v63  }
.Ltmp3:
0x4b: {  	(pc) =	sbr.rel .LBB2_2-.Ltmp3, $4  }
0x4c: {  	_ =	swait.ge [sflag:s23], $0x3400;
	s0 =	sadd.s32 $0x270, s1;
	s31 =	sadd.s32 $0x680, s31  }
0x4d: {  	s30 =	sadd.s32 $0x1A00, s30;
	s29 =	sadd.s32 $0x1A00, s29;
	[sflag:s23] =	ssyncset.done $0x0  }
0x4e: {  	s28 =	sadd.s32 $0x1A00, s28;
	s26 =	sadd.s32 $0x1A00, s26;
	[sflag:s23] =	ssyncadd.s32 $0xFFFFCC00  }
0x4f: {  	[tilespmem:s15], [sflag:$0x3] =	stream.indirect.gather [hbm4b:s3+s11], $0x80, s0, s11, $0xb8;
	[tilespmem:$0xD680] =	vst v63  }
.LBB2_5:
0x50: {  	_ =	sfence.sel $0x180000  }
0x51: {  	[bflag:$0x0] =	sbarrier.arrive $0xFFFF  }
0x52: {  	_ =	strace $0x90000047  }
0x53: {  	s0 =	stileid.u32;
	[bflag:$0x2] =	sbarrier.arrive $0xFFFF  }
0x54: {  	p0 =	sne.s32 s0, $0x0;
	s0 =	rddreg [dreg:$0x2]  }
0x55: {  	s0 =	sadd.s32 @!p0 $0x100000, s0  }
0x56: {  	[sflag:s0] =	ssyncadd.tile.s32 @!p0 $0x1;
	_ =	shalt  }
.Lfunc_end2:
_tile_overlayer_lowered:
.L_overlay_start_2:
0x57: {  	(tag) =	ssettag $0x2  }
0x58: {  	s0 =	rddreg [dreg:$0x0];
	s2 =	stileid.u32  }
0x59: {  	s1 =	rddreg [dreg:$0x1];
	p0 =	sne.s32 s2, $0x0  }
0x5a: {  	s3 =	rddreg [dreg:$0x2];
	[bflag:$0x3] =	sbarrier.arrive $0xFFFF;
	s2 =	simm.s32 @!p0 $0x1C09  }
0x5b: {  	[timem:s3], [sflag:s2] =	dma.local @!p0 [hbm:s0], s1  }
0x5c: {  	s0 =	simm.s32 @!p0 $0x9  }
0x5d: {  	_ =	swait.ge @!p0 [sflag:s0], s1  }
0x5e: {  	s1 =	ssub.s32 @!p0 $0x0, s1;
	[sflag:s0] =	ssyncset.done @!p0 $0x0  }
0x5f: {  	[sflag:s0] =	ssyncadd.s32 @!p0 s1  }
0x60: {  	[bflag:$0x3] =	sbarrier.arrive $0xFFFF  }
0x61: {  	_ =	shalt  }

</sc_bundles>
